<compile_context>
chip_gen: v7x
topology: tpu7x:2x2x1
jax: 0.10.2.dev20260603
libtpu: 0.0.44.dev20260713+nightly
codegen_flags: <defaults>
</compile_context>

<pallas_src>
import functools

import jax
import jax.numpy as jnp
from jax import lax
from jax.experimental import pallas as pl
from jax.experimental.pallas import tpu as pltpu
from jax.experimental.pallas import tpu_sc as plsc


def _k1_body(ct_ref, sc_ref, idx_ref, w_ref):
    ct = ct_ref[0]
    s = sc_ref[0]
    R = ct.shape[1]
    S = s.shape[0]

    ab = jax.lax.dot_general(s, ct, (((1,), (0,)), ((), ())),
                             preferred_element_type=jnp.float32)
    cn = jnp.sum(ct * ct, axis=0, keepdims=True)
    sn = jnp.sum(s * s, axis=1, keepdims=True)
    sq = (-2.0 * ab + cn) + sn

    iota = jax.lax.broadcasted_iota(jnp.int32, (S, R), 0)
    d = sq
    firsts = []
    recips = []
    for _ in range(3):
        m = jnp.min(d, axis=0, keepdims=True)
        first = jnp.min(jnp.where(d == m, iota, S), axis=0,
                        keepdims=True)
        firsts.append(first)
        recips.append(1.0 / (m + 1e-8))
        d = jnp.where(iota == first, jnp.inf, d)
    norm = recips[0] + recips[1] + recips[2]
    gbase = pl.program_id(0) * S
    for k in range(3):
        idx_ref[k, 0, 0, :] = firsts[k][0] + gbase
        w_ref[k, 0, 0, :] = (recips[k] / norm)[0]


def _make_sc_interp(BN, D2, NC, NS, L, P, C):
    mesh = plsc.VectorSubcoreMesh(core_axis_name="c", subcore_axis_name="s")
    NCH = P // C
    NP = NCH // 2
    FB = D2 // L

    @functools.partial(
        pl.kernel, mesh=mesh,
        out_type=jax.ShapeDtypeStruct((BN, D2), jnp.float32),
        scratch_types=[
            pltpu.VMEM((3, P), jnp.int32),
            pltpu.VMEM((2, 3, C, D2), jnp.float32),
            pltpu.VMEM((2, 3, C, L), jnp.float32),
            pltpu.SemaphoreType.DMA,
            pltpu.SemaphoreType.DMA,
            pltpu.SemaphoreType.DMA,
            pltpu.SemaphoreType.DMA,
        ],
    )
    def sc_interp(idx_hbm, wr_hbm, table_hbm, out_hbm,
                  idx_v, rbuf, wbuf, g0, g1, s0, s1):
        wid = lax.axis_index("s") * NC + lax.axis_index("c")
        base = wid * P
        pltpu.sync_copy(idx_hbm.at[:, pl.ds(base, P)], idx_v)
        gsem = (g0, g1)
        ssem = (s0, s1)

        def fire_gather(ci, bi):
            co = ci * C
            for k in range(3):
                pltpu.async_copy(table_hbm.at[idx_v.at[k, pl.ds(co, C)]],
                                 rbuf.at[bi, k], gsem[bi])
            pltpu.async_copy(wr_hbm.at[:, pl.ds(base + co, C), :],
                             wbuf.at[bi], gsem[bi])

        def wait_gather(bi):
            for k in range(3):
                pltpu.make_async_copy(table_hbm.at[pl.ds(0, C)],
                                      rbuf.at[bi, k], gsem[bi]).wait()
            pltpu.make_async_copy(wr_hbm.at[:, pl.ds(0, C), :],
                                  wbuf.at[bi], gsem[bi]).wait()

        def fire_store(ci, bi):
            pltpu.async_copy(rbuf.at[bi, 0],
                             out_hbm.at[pl.ds(base + ci * C, C)], ssem[bi])

        def wait_store(bi):
            pltpu.make_async_copy(rbuf.at[bi, 0],
                                  out_hbm.at[pl.ds(base, C)], ssem[bi]).wait()

        def combine(bi):
            def pbody(p, carry):
                w0 = wbuf[bi, 0, p, :]
                w1 = wbuf[bi, 1, p, :]
                w2 = wbuf[bi, 2, p, :]
                for f in range(FB):
                    sl = pl.ds(f * L, L)
                    rbuf[bi, 0, p, sl] = (w0 * rbuf[bi, 0, p, sl]
                                          + w1 * rbuf[bi, 1, p, sl]
                                          + w2 * rbuf[bi, 2, p, sl])
                return carry

            lax.fori_loop(0, C, pbody, 0)

        fire_gather(0, 0)

        def pair(pi, carry):
            ciA = 2 * pi

            @pl.when(pi > 0)
            def _():
                wait_store(1)

            fire_gather(ciA + 1, 1)
            wait_gather(0)
            combine(0)
            fire_store(ciA, 0)

            @pl.when(pi < NP - 1)
            def _():
                wait_store(0)
                fire_gather(ciA + 2, 0)

            wait_gather(1)
            combine(1)
            fire_store(ciA + 1, 1)
            return carry

        lax.fori_loop(0, NP, pair, 0)
        wait_store(0)
        wait_store(1)

    return sc_interp


def _k2_body(data_ref, interp_ref, w0_ref, b0_ref, y1_ref, ssum_ref, ssq_ref):
    D1 = data_ref.shape[2]
    y = (jax.lax.dot_general(data_ref[0], w0_ref[:D1], (((1,), (0,)), ((), ())),
                             preferred_element_type=jnp.float32)
         + jax.lax.dot_general(interp_ref[0], w0_ref[D1:],
                               (((1,), (0,)), ((), ())),
                               preferred_element_type=jnp.float32)
         + b0_ref[:])
    y1_ref[0] = y.astype(jnp.bfloat16)
    _acc_stats(y, ssum_ref, ssq_ref)


def _acc_stats(y, ssum_ref, ssq_ref):
    bs = jnp.sum(y, axis=0, keepdims=True)
    bq = jnp.sum(y * y, axis=0, keepdims=True)
    first_step = (pl.program_id(0) == 0) & (pl.program_id(1) == 0)

    @pl.when(first_step)
    def _():
        ssum_ref[:] = bs
        ssq_ref[:] = bq

    @pl.when(jnp.logical_not(first_step))
    def _():
        ssum_ref[:] += bs
        ssq_ref[:] += bq


def _k3_body(y1_ref, sc_ref, sh_ref, w1_ref, b1_ref,
             y2_ref, ssum_ref, ssq_ref):
    x = jax.nn.relu(y1_ref[0].astype(jnp.float32) * sc_ref[:] + sh_ref[:])
    y = jax.lax.dot_general(x, w1_ref[:], (((1,), (0,)), ((), ())),
                            preferred_element_type=jnp.float32) + b1_ref[:]
    y2_ref[0] = y.astype(jnp.bfloat16)
    _acc_stats(y, ssum_ref, ssq_ref)


def _k4_body(y2_ref, sc_ref, sh_ref, out_ref):
    out_ref[0] = jax.nn.relu(y2_ref[0].astype(jnp.float32) * sc_ref[:]
                             + sh_ref[:])


def _scale_shift(ssum, ssq, g, beta, count):
    mean = ssum[0] / count
    var = ssq[0] / count - mean * mean
    a = g / jnp.sqrt(var + 1e-5)
    c = beta - mean * a
    return a.reshape(1, -1), c.reshape(1, -1)


@functools.partial(jax.jit, static_argnames=("row_block",))
def _forward_impl(coords, sample_coords, data, sample_data,
                  W0, b0, g0, beta0, W1, b1, g1, beta1, row_block=1024):
    B, N, _ = coords.shape
    S = sample_coords.shape[1]
    D1 = data.shape[2]
    D2 = sample_data.shape[2]
    H0 = W0.shape[1]
    H1 = W1.shape[1]
    R = row_block
    BN = B * N
    grid = (B, N // R)
    R2 = 1024
    grid2 = (B, N // R2)

    coords_t = coords.transpose(0, 2, 1)

    idx3, w3 = pl.pallas_call(
        _k1_body,
        grid=grid,
        in_specs=[
            pl.BlockSpec((1, 3, R), lambda b, i: (b, 0, i)),
            pl.BlockSpec((1, S, 3), lambda b, i: (b, 0, 0)),
        ],
        out_specs=[
            pl.BlockSpec((3, 1, 1, R), lambda b, i: (0, b, 0, i)),
            pl.BlockSpec((3, 1, 1, R), lambda b, i: (0, b, 0, i)),
        ],
        out_shape=[
            jax.ShapeDtypeStruct((3, B, 1, N), jnp.int32),
            jax.ShapeDtypeStruct((3, B, 1, N), jnp.float32),
        ],
    )(coords_t, sample_coords)

    info = plsc.get_sparse_core_info()
    NC, NS, L = info.num_cores, info.num_subcores, info.num_lanes
    P = BN // (NC * NS)
    sc_interp = _make_sc_interp(BN, D2, NC, NS, L, P, 32)
    wrep = jnp.broadcast_to(w3.reshape(3, BN, 1), (3, BN, L))
    interp = sc_interp(idx3.reshape(3, BN), wrep,
                       sample_data.reshape(B * S, D2))
    interp = interp.reshape(B, N, D2)

    y1, ssum1, ssq1 = pl.pallas_call(
        _k2_body,
        grid=grid2,
        in_specs=[
            pl.BlockSpec((1, R2, D1), lambda b, i: (b, i, 0)),
            pl.BlockSpec((1, R2, D2), lambda b, i: (b, i, 0)),
            pl.BlockSpec((D1 + D2, H0), lambda b, i: (0, 0)),
            pl.BlockSpec((1, H0), lambda b, i: (0, 0)),
        ],
        out_specs=[
            pl.BlockSpec((1, R2, H0), lambda b, i: (b, i, 0)),
            pl.BlockSpec((1, H0), lambda b, i: (0, 0)),
            pl.BlockSpec((1, H0), lambda b, i: (0, 0)),
        ],
        out_shape=[
            jax.ShapeDtypeStruct((B, N, H0), jnp.bfloat16),
            jax.ShapeDtypeStruct((1, H0), jnp.float32),
            jax.ShapeDtypeStruct((1, H0), jnp.float32),
        ],
    )(data, interp, W0, b0.reshape(1, -1))

    a1, c1 = _scale_shift(ssum1, ssq1, g0, beta0, float(BN))

    y2, ssum2, ssq2 = pl.pallas_call(
        _k3_body,
        grid=grid2,
        in_specs=[
            pl.BlockSpec((1, R2, H0), lambda b, i: (b, i, 0)),
            pl.BlockSpec((1, H0), lambda b, i: (0, 0)),
            pl.BlockSpec((1, H0), lambda b, i: (0, 0)),
            pl.BlockSpec((H0, H1), lambda b, i: (0, 0)),
            pl.BlockSpec((1, H1), lambda b, i: (0, 0)),
        ],
        out_specs=[
            pl.BlockSpec((1, R2, H1), lambda b, i: (b, i, 0)),
            pl.BlockSpec((1, H1), lambda b, i: (0, 0)),
            pl.BlockSpec((1, H1), lambda b, i: (0, 0)),
        ],
        out_shape=[
            jax.ShapeDtypeStruct((B, N, H1), jnp.bfloat16),
            jax.ShapeDtypeStruct((1, H1), jnp.float32),
            jax.ShapeDtypeStruct((1, H1), jnp.float32),
        ],
    )(y1, a1, c1, W1, b1.reshape(1, -1))

    a2, c2 = _scale_shift(ssum2, ssq2, g1, beta1, float(BN))

    out = pl.pallas_call(
        _k4_body,
        grid=grid2,
        in_specs=[
            pl.BlockSpec((1, R2, H1), lambda b, i: (b, i, 0)),
            pl.BlockSpec((1, H1), lambda b, i: (0, 0)),
            pl.BlockSpec((1, H1), lambda b, i: (0, 0)),
        ],
        out_specs=pl.BlockSpec((1, R2, H1), lambda b, i: (b, i, 0)),
        out_shape=jax.ShapeDtypeStruct((B, N, H1), jnp.float32),
    )(y2, a2, c2)

    return out


def kernel(coords, sample_coords, data, sample_data,
           W0, b0, g0, beta0, W1, b1, g1, beta1):
    return _forward_impl(coords, sample_coords, data, sample_data,
                         W0, b0, g0, beta0, W1, b1, g1, beta1)

# --- scband reference (transcript-rebuilt; emitter-appended) ---
"""Pipeline reference for scband-point-net2-28982439313471 (READ-ONLY COPY).

The authoritative reference and input builder live on the scoring server;
editing this copy changes nothing except your own understanding.
"""

import jax, jax.numpy as jnp
import numpy as np

B, N, S = 16, 4096, 1024
D1, D2 = 128, 256
MLP = [256, 128]


def setup_inputs(seed: int = 0) -> dict:
    key = jax.random.key(seed)
    ks = jax.random.split(key, 16)
    inp = {
        "coords": jax.random.normal(ks[0], (B, N, 3), dtype=jnp.float32),
        "sample_coords": jax.random.normal(ks[1], (B, S, 3), dtype=jnp.float32),
        "data": jax.random.normal(ks[2], (B, N, D1), dtype=jnp.float32),
        "sample_data": jax.random.normal(ks[3], (B, S, D2), dtype=jnp.float32),
    }
    last = D1 + D2
    for i, out in enumerate(MLP):
        inp[f"W{i}"] = jax.random.normal(ks[4 + 2 * i], (last, out), dtype=jnp.float32) * (1.0 / np.sqrt(last))
        inp[f"b{i}"] = jnp.zeros((out,), dtype=jnp.float32)
        inp[f"g{i}"] = jnp.ones((out,), dtype=jnp.float32)
        inp[f"beta{i}"] = jnp.zeros((out,), dtype=jnp.float32)
        last = out
    return inp


def _forward(coords, sample_coords, data, sample_data, params):
    # squared distance matrix [B, N, S]
    sq = -2.0 * jnp.einsum('bnc,bmc->bnm', coords, sample_coords)
    sq = sq + jnp.sum(coords ** 2, -1)[:, :, None]
    sq = sq + jnp.sum(sample_coords ** 2, -1)[:, None, :]
    # 3 nearest neighbors (ascending distance == top-k of negated distances)
    neg_d, idx = jax.lax.top_k(-sq, 3)
    dists = -neg_d
    dist_recip = 1.0 / (dists + 1e-8)
    norm = jnp.sum(dist_recip, axis=2, keepdims=True)
    weight = dist_recip / norm
    # gather the 3-NN sample features: [B, N, 3, D2]
    gathered = jax.vmap(lambda sd, ix: sd[ix])(sample_data, idx)
    interpolated = jnp.sum(gathered * weight[..., None], axis=2)  # [B, N, D2]
    x = jnp.concatenate([data, interpolated], axis=-1)  # [B, N, D1+D2]
    # pointwise Conv1d(k=1) + BatchNorm1d (training-mode batch stats) + ReLU
    for (W, b, g, bt) in params:
        y = jnp.einsum('bnc,cd->bnd', x, W) + b
        mean = jnp.mean(y, axis=(0, 1))
        var = jnp.var(y, axis=(0, 1))
        y = (y - mean) / jnp.sqrt(var + 1e-5) * g + bt
        x = jax.nn.relu(y)
    return x  # [B, N, FEAT_DIM]


def reference(coords, sample_coords, data, sample_data, W0, b0, g0, beta0, W1, b1, g1, beta1):
    params = [(W0, b0, g0, beta0), (W1, b1, g1, beta1)]
    return _forward(coords, sample_coords, data, sample_data, params)

if __name__ == "__main__":
    import jax
    _d = setup_inputs()
    print(jax.jit(kernel)(*tuple(_d.values())))

</pallas_src>

<mosaic_0001>
#map = affine_map<(d0, d1) -> (0, 0)>
#map1 = affine_map<(d0, d1) -> (0, 0, 0)>
module attributes {stable_mosaic.version = 14 : i64} {
  func.func @sc_interp(%arg0: i32, %arg1: i32, %arg2: memref<3x65536xi32, #tpu.memory_space<hbm>>, %arg3: memref<3x65536x16xf32, #tpu.memory_space<hbm>>, %arg4: memref<16384x256xf32, #tpu.memory_space<hbm>>, %arg5: memref<65536x256xf32, #tpu.memory_space<hbm>>, %arg6: memref<3x2048xi32, #tpu.memory_space<vmem>>, %arg7: memref<2x3x32x256xf32, #tpu.memory_space<vmem>>, %arg8: memref<2x3x32x16xf32, #tpu.memory_space<vmem>>, %arg9: memref<!tpu.dma_semaphore, #tpu.memory_space<semaphore_mem>>, %arg10: memref<!tpu.dma_semaphore, #tpu.memory_space<semaphore_mem>>, %arg11: memref<!tpu.dma_semaphore, #tpu.memory_space<semaphore_mem>>, %arg12: memref<!tpu.dma_semaphore, #tpu.memory_space<semaphore_mem>>) attributes {dimension_semantics = [#tpu.dimension_semantics<core_parallel>, #tpu.dimension_semantics<subcore_parallel>], iteration_bounds = array<i64: 2, 16>, scalar_prefetch = 0 : i64, scratch_operands = 7 : i64, tpu.core_type = #tpu.core_type<sc_vector_subcore>, window_params = [{transform_indices = #map}, {transform_indices = #map1}, {transform_indices = #map}, {transform_indices = #map}]} {
    %mul3A = arith.constant 2 : i32
    %mul3A_0 = arith.muli %arg1, %mul3A : i32
    %add3A = arith.addi %mul3A_0, %arg0 : i32
    %mul3A_1 = arith.constant 2048 : i32
    %mul3A_2 = arith.muli %add3A, %mul3A_1 : i32
    "tpu.region"() ({
      %run_scoped3A = tpu.sem_alloc : memref<!tpu.dma_semaphore, #tpu.memory_space<semaphore_mem>>
      %dma_start3A_92 = arith.constant 0 : i32
      %dma_start3A_93 = tpu.memref_slice %arg2[%dma_start3A_92, %mul3A_2] : memref<3x65536xi32, #tpu.memory_space<hbm>> -> memref<3x2048xi32, #tpu.memory_space<hbm>>
      %dma_start3A_94 = arith.constant 0 : i32
      %dma_start3A_95 = tpu.memref_slice %arg2[%dma_start3A_94, %mul3A_2] : memref<3x65536xi32, #tpu.memory_space<hbm>> -> memref<3x2048xi32, #tpu.memory_space<hbm>>
      tpu.enqueue_dma source(%dma_start3A_95 : memref<3x2048xi32, #tpu.memory_space<hbm>>) target(%arg6 : memref<3x2048xi32, #tpu.memory_space<vmem>>) target_semaphore(%run_scoped3A : memref<!tpu.dma_semaphore, #tpu.memory_space<semaphore_mem>>)
      %dma_wait3A_96 = arith.constant 0 : i32
      %dma_wait3A_97 = tpu.memref_slice %arg2[%dma_wait3A_96, %mul3A_2] : memref<3x65536xi32, #tpu.memory_space<hbm>> -> memref<3x2048xi32, #tpu.memory_space<hbm>>
      %dma_wait3A_98 = arith.constant 0 : i32
      %dma_wait3A_99 = tpu.memref_slice %arg2[%dma_wait3A_98, %mul3A_2] : memref<3x65536xi32, #tpu.memory_space<hbm>> -> memref<3x2048xi32, #tpu.memory_space<hbm>>
      tpu.wait_dma2 semaphore(%run_scoped3A : memref<!tpu.dma_semaphore, #tpu.memory_space<semaphore_mem>>) src(%dma_wait3A_99 : memref<3x2048xi32, #tpu.memory_space<hbm>>) dst(%arg6 : memref<3x2048xi32, #tpu.memory_space<vmem>>)
      tpu.yield
    }) : () -> ()
    %dma_start3A = arith.constant 0 : i32
    %dma_start3A_3 = arith.constant 0 : i32
    %dma_start3A_4 = arith.constant 0 : i32
    %dma_start3A_5 = arith.constant 0 : i32
    %dma_start3A_6 = arith.constant 0 : i32
    %dma_start3A_7 = tpu.memref_slice %arg7[%dma_start3A_3, %dma_start3A_4, %dma_start3A_5, %dma_start3A_6] : memref<2x3x32x256xf32, #tpu.memory_space<vmem>> -> memref<1x1x32x256xf32, #tpu.memory_space<vmem>>
    %dma_start3A_8 = tpu.memref_squeeze %dma_start3A_7 : memref<1x1x32x256xf32, #tpu.memory_space<vmem>> -> memref<32x256xf32, #tpu.memory_space<vmem>>
    %dma_start3A_9 = arith.constant 0 : i32
    %dma_start3A_10 = tpu.memref_slice %arg6[%dma_start3A, %dma_start3A_9] : memref<3x2048xi32, #tpu.memory_space<vmem>> -> memref<1x32xi32, #tpu.memory_space<vmem>>
    %dma_start3A_11 = tpu.memref_squeeze %dma_start3A_10 : memref<1x32xi32, #tpu.memory_space<vmem>> -> memref<32xi32, #tpu.memory_space<vmem>>
    %dma_start3A_12 = arith.constant 0 : i32
    %dma_start3A_13 = arith.constant 0 : i32
    %dma_start3A_14 = tpu.memref_slice %arg4[%dma_start3A_12, %dma_start3A_13] : memref<16384x256xf32, #tpu.memory_space<hbm>> -> memref<16384x256xf32, #tpu.memory_space<hbm>>
    tpu.enqueue_indirect_dma source(%dma_start3A_14 : memref<16384x256xf32, #tpu.memory_space<hbm>>) target(%dma_start3A_8 : memref<32x256xf32, #tpu.memory_space<vmem>>) offsets(%dma_start3A_11 : memref<32xi32, #tpu.memory_space<vmem>>) semaphore(%arg9 : memref<!tpu.dma_semaphore, #tpu.memory_space<semaphore_mem>>)
    %dma_start3A_15 = arith.constant 1 : i32
    %dma_start3A_16 = arith.constant 0 : i32
    %dma_start3A_17 = arith.constant 1 : i32
    %dma_start3A_18 = arith.constant 0 : i32
    %dma_start3A_19 = arith.constant 0 : i32
    %dma_start3A_20 = tpu.memref_slice %arg7[%dma_start3A_16, %dma_start3A_17, %dma_start3A_18, %dma_start3A_19] : memref<2x3x32x256xf32, #tpu.memory_space<vmem>> -> memref<1x1x32x256xf32, #tpu.memory_space<vmem>>
    %dma_start3A_21 = tpu.memref_squeeze %dma_start3A_20 : memref<1x1x32x256xf32, #tpu.memory_space<vmem>> -> memref<32x256xf32, #tpu.memory_space<vmem>>
    %dma_start3A_22 = arith.constant 0 : i32
    %dma_start3A_23 = tpu.memref_slice %arg6[%dma_start3A_15, %dma_start3A_22] : memref<3x2048xi32, #tpu.memory_space<vmem>> -> memref<1x32xi32, #tpu.memory_space<vmem>>
    %dma_start3A_24 = tpu.memref_squeeze %dma_start3A_23 : memref<1x32xi32, #tpu.memory_space<vmem>> -> memref<32xi32, #tpu.memory_space<vmem>>
    %dma_start3A_25 = arith.constant 0 : i32
    %dma_start3A_26 = arith.constant 0 : i32
    %dma_start3A_27 = tpu.memref_slice %arg4[%dma_start3A_25, %dma_start3A_26] : memref<16384x256xf32, #tpu.memory_space<hbm>> -> memref<16384x256xf32, #tpu.memory_space<hbm>>
    tpu.enqueue_indirect_dma source(%dma_start3A_27 : memref<16384x256xf32, #tpu.memory_space<hbm>>) target(%dma_start3A_21 : memref<32x256xf32, #tpu.memory_space<vmem>>) offsets(%dma_start3A_24 : memref<32xi32, #tpu.memory_space<vmem>>) semaphore(%arg9 : memref<!tpu.dma_semaphore, #tpu.memory_space<semaphore_mem>>)
    %dma_start3A_28 = arith.constant 2 : i32
    %dma_start3A_29 = arith.constant 0 : i32
    %dma_start3A_30 = arith.constant 2 : i32
    %dma_start3A_31 = arith.constant 0 : i32
    %dma_start3A_32 = arith.constant 0 : i32
    %dma_start3A_33 = tpu.memref_slice %arg7[%dma_start3A_29, %dma_start3A_30, %dma_start3A_31, %dma_start3A_32] : memref<2x3x32x256xf32, #tpu.memory_space<vmem>> -> memref<1x1x32x256xf32, #tpu.memory_space<vmem>>
    %dma_start3A_34 = tpu.memref_squeeze %dma_start3A_33 : memref<1x1x32x256xf32, #tpu.memory_space<vmem>> -> memref<32x256xf32, #tpu.memory_space<vmem>>
    %dma_start3A_35 = arith.constant 0 : i32
    %dma_start3A_36 = tpu.memref_slice %arg6[%dma_start3A_28, %dma_start3A_35] : memref<3x2048xi32, #tpu.memory_space<vmem>> -> memref<1x32xi32, #tpu.memory_space<vmem>>
    %dma_start3A_37 = tpu.memref_squeeze %dma_start3A_36 : memref<1x32xi32, #tpu.memory_space<vmem>> -> memref<32xi32, #tpu.memory_space<vmem>>
    %dma_start3A_38 = arith.constant 0 : i32
    %dma_start3A_39 = arith.constant 0 : i32
    %dma_start3A_40 = tpu.memref_slice %arg4[%dma_start3A_38, %dma_start3A_39] : memref<16384x256xf32, #tpu.memory_space<hbm>> -> memref<16384x256xf32, #tpu.memory_space<hbm>>
    tpu.enqueue_indirect_dma source(%dma_start3A_40 : memref<16384x256xf32, #tpu.memory_space<hbm>>) target(%dma_start3A_34 : memref<32x256xf32, #tpu.memory_space<vmem>>) offsets(%dma_start3A_37 : memref<32xi32, #tpu.memory_space<vmem>>) semaphore(%arg9 : memref<!tpu.dma_semaphore, #tpu.memory_space<semaphore_mem>>)
    %add3A_41 = arith.constant 0 : i32
    %add3A_42 = arith.addi %mul3A_2, %add3A_41 : i32
    %dma_start3A_43 = arith.constant 0 : i32
    %dma_start3A_44 = arith.constant 0 : i32
    %dma_start3A_45 = arith.constant 0 : i32
    %dma_start3A_46 = arith.constant 0 : i32
    %dma_start3A_47 = tpu.memref_slice %arg8[%dma_start3A_43, %dma_start3A_44, %dma_start3A_45, %dma_start3A_46] : memref<2x3x32x16xf32, #tpu.memory_space<vmem>> -> memref<1x3x32x16xf32, #tpu.memory_space<vmem>>
    %dma_start3A_48 = tpu.memref_squeeze %dma_start3A_47 : memref<1x3x32x16xf32, #tpu.memory_space<vmem>> -> memref<3x32x16xf32, #tpu.memory_space<vmem>>
    %dma_start3A_49 = arith.constant 0 : i32
    %dma_start3A_50 = arith.constant 0 : i32
    %dma_start3A_51 = tpu.memref_slice %arg3[%dma_start3A_49, %add3A_42, %dma_start3A_50] : memref<3x65536x16xf32, #tpu.memory_space<hbm>> -> memref<3x32x16xf32, #tpu.memory_space<hbm>>
    %dma_start3A_52 = arith.constant 0 : i32
    %dma_start3A_53 = arith.constant 0 : i32
    %dma_start3A_54 = arith.constant 0 : i32
    %dma_start3A_55 = tpu.memref_slice %arg8[%dma_start3A_43, %dma_start3A_52, %dma_start3A_53, %dma_start3A_54] : memref<2x3x32x16xf32, #tpu.memory_space<vmem>> -> memref<1x3x32x16xf32, #tpu.memory_space<vmem>>
    %dma_start3A_56 = tpu.memref_squeeze %dma_start3A_55 : memref<1x3x32x16xf32, #tpu.memory_space<vmem>> -> memref<3x32x16xf32, #tpu.memory_space<vmem>>
    %dma_start3A_57 = arith.constant 0 : i32
    %dma_start3A_58 = arith.constant 0 : i32
    %dma_start3A_59 = tpu.memref_slice %arg3[%dma_start3A_57, %add3A_42, %dma_start3A_58] : memref<3x65536x16xf32, #tpu.memory_space<hbm>> -> memref<3x32x16xf32, #tpu.memory_space<hbm>>
    tpu.enqueue_dma source(%dma_start3A_59 : memref<3x32x16xf32, #tpu.memory_space<hbm>>) target(%dma_start3A_56 : memref<3x32x16xf32, #tpu.memory_space<vmem>>) target_semaphore(%arg9 : memref<!tpu.dma_semaphore, #tpu.memory_space<semaphore_mem>>)
    %scan3A = arith.constant 0 : i32
    %scan3A_60 = arith.constant 0 : i32
    %scan3A_61 = arith.constant 32 : i32
    %scan3A_62 = arith.addi %scan3A_60, %scan3A_61 : i32
    %scan3A_63 = arith.constant 1 : i32
    scf.for %scan3A_92 = %scan3A_60 to %scan3A_62 step %scan3A_63  : i32 {
      %mul3A_93 = arith.constant 2 : i32
      %mul3A_94 = arith.muli %mul3A_93, %scan3A_92 : i32
      %gt3A = arith.constant 0 : i32
      %gt3A_95 = arith.cmpi sgt, %scan3A_92, %gt3A : i32
      %convert_element_type3A = arith.extui %gt3A_95 : i1 to i32
      %cond3A = arith.constant 0 : i32
      %cond3A_96 = arith.cmpi ne, %convert_element_type3A, %cond3A : i32
      scf.if %cond3A_96 {
        %dma_wait3A_341 = arith.constant 1 : i32
        %dma_wait3A_342 = arith.constant 0 : i32
        %dma_wait3A_343 = arith.constant 0 : i32
        %dma_wait3A_344 = arith.constant 0 : i32
        %dma_wait3A_345 = tpu.memref_slice %arg7[%dma_wait3A_341, %dma_wait3A_342, %dma_wait3A_343, %dma_wait3A_344] : memref<2x3x32x256xf32, #tpu.memory_space<vmem>> -> memref<1x1x32x256xf32, #tpu.memory_space<vmem>>
        %dma_wait3A_346 = tpu.memref_squeeze %dma_wait3A_345 : memref<1x1x32x256xf32, #tpu.memory_space<vmem>> -> memref<32x256xf32, #tpu.memory_space<vmem>>
        %dma_wait3A_347 = arith.constant 0 : i32
        %dma_wait3A_348 = tpu.memref_slice %arg5[%mul3A_2, %dma_wait3A_347] : memref<65536x256xf32, #tpu.memory_space<hbm>> -> memref<32x256xf32, #tpu.memory_space<hbm>>
        %dma_wait3A_349 = arith.constant 0 : i32
        %dma_wait3A_350 = tpu.memref_slice %arg5[%mul3A_2, %dma_wait3A_349] : memref<65536x256xf32, #tpu.memory_space<hbm>> -> memref<32x256xf32, #tpu.memory_space<hbm>>
        %dma_wait3A_351 = arith.constant 0 : i32
        %dma_wait3A_352 = arith.constant 0 : i32
        %dma_wait3A_353 = tpu.memref_slice %arg7[%dma_wait3A_341, %dma_wait3A_342, %dma_wait3A_351, %dma_wait3A_352] : memref<2x3x32x256xf32, #tpu.memory_space<vmem>> -> memref<1x1x32x256xf32, #tpu.memory_space<vmem>>
        %dma_wait3A_354 = tpu.memref_squeeze %dma_wait3A_353 : memref<1x1x32x256xf32, #tpu.memory_space<vmem>> -> memref<32x256xf32, #tpu.memory_space<vmem>>
        tpu.wait_dma2 semaphore(%arg12 : memref<!tpu.dma_semaphore, #tpu.memory_space<semaphore_mem>>) src(%dma_wait3A_354 : memref<32x256xf32, #tpu.memory_space<vmem>>) dst(%dma_wait3A_350 : memref<32x256xf32, #tpu.memory_space<hbm>>)
      } else {
      }
      %add3A_97 = arith.constant 1 : i32
      %add3A_98 = arith.addi %mul3A_94, %add3A_97 : i32
      %mul3A_99 = arith.constant 32 : i32
      %mul3A_100 = arith.muli %add3A_98, %mul3A_99 : i32
      %dma_start3A_101 = arith.constant 0 : i32
      %dma_start3A_102 = arith.constant 1 : i32
      %dma_start3A_103 = arith.constant 0 : i32
      %dma_start3A_104 = arith.constant 0 : i32
      %dma_start3A_105 = arith.constant 0 : i32
      %dma_start3A_106 = tpu.memref_slice %arg7[%dma_start3A_102, %dma_start3A_103, %dma_start3A_104, %dma_start3A_105] : memref<2x3x32x256xf32, #tpu.memory_space<vmem>> -> memref<1x1x32x256xf32, #tpu.memory_space<vmem>>
      %dma_start3A_107 = tpu.memref_squeeze %dma_start3A_106 : memref<1x1x32x256xf32, #tpu.memory_space<vmem>> -> memref<32x256xf32, #tpu.memory_space<vmem>>
      %dma_start3A_108 = tpu.memref_slice %arg6[%dma_start3A_101, %mul3A_100] : memref<3x2048xi32, #tpu.memory_space<vmem>> -> memref<1x32xi32, #tpu.memory_space<vmem>>
      %dma_start3A_109 = tpu.memref_squeeze %dma_start3A_108 : memref<1x32xi32, #tpu.memory_space<vmem>> -> memref<32xi32, #tpu.memory_space<vmem>>
      %dma_start3A_110 = arith.constant 0 : i32
      %dma_start3A_111 = arith.constant 0 : i32
      %dma_start3A_112 = tpu.memref_slice %arg4[%dma_start3A_110, %dma_start3A_111] : memref<16384x256xf32, #tpu.memory_space<hbm>> -> memref<16384x256xf32, #tpu.memory_space<hbm>>
      tpu.enqueue_indirect_dma source(%dma_start3A_112 : memref<16384x256xf32, #tpu.memory_space<hbm>>) target(%dma_start3A_107 : memref<32x256xf32, #tpu.memory_space<vmem>>) offsets(%dma_start3A_109 : memref<32xi32, #tpu.memory_space<vmem>>) semaphore(%arg10 : memref<!tpu.dma_semaphore, #tpu.memory_space<semaphore_mem>>)
      %dma_start3A_113 = arith.constant 1 : i32
      %dma_start3A_114 = arith.constant 1 : i32
      %dma_start3A_115 = arith.constant 1 : i32
      %dma_start3A_116 = arith.constant 0 : i32
      %dma_start3A_117 = arith.constant 0 : i32
      %dma_start3A_118 = tpu.memref_slice %arg7[%dma_start3A_114, %dma_start3A_115, %dma_start3A_116, %dma_start3A_117] : memref<2x3x32x256xf32, #tpu.memory_space<vmem>> -> memref<1x1x32x256xf32, #tpu.memory_space<vmem>>
      %dma_start3A_119 = tpu.memref_squeeze %dma_start3A_118 : memref<1x1x32x256xf32, #tpu.memory_space<vmem>> -> memref<32x256xf32, #tpu.memory_space<vmem>>
      %dma_start3A_120 = tpu.memref_slice %arg6[%dma_start3A_113, %mul3A_100] : memref<3x2048xi32, #tpu.memory_space<vmem>> -> memref<1x32xi32, #tpu.memory_space<vmem>>
      %dma_start3A_121 = tpu.memref_squeeze %dma_start3A_120 : memref<1x32xi32, #tpu.memory_space<vmem>> -> memref<32xi32, #tpu.memory_space<vmem>>
      %dma_start3A_122 = arith.constant 0 : i32
      %dma_start3A_123 = arith.constant 0 : i32
      %dma_start3A_124 = tpu.memref_slice %arg4[%dma_start3A_122, %dma_start3A_123] : memref<16384x256xf32, #tpu.memory_space<hbm>> -> memref<16384x256xf32, #tpu.memory_space<hbm>>
      tpu.enqueue_indirect_dma source(%dma_start3A_124 : memref<16384x256xf32, #tpu.memory_space<hbm>>) target(%dma_start3A_119 : memref<32x256xf32, #tpu.memory_space<vmem>>) offsets(%dma_start3A_121 : memref<32xi32, #tpu.memory_space<vmem>>) semaphore(%arg10 : memref<!tpu.dma_semaphore, #tpu.memory_space<semaphore_mem>>)
      %dma_start3A_125 = arith.constant 2 : i32
      %dma_start3A_126 = arith.constant 1 : i32
      %dma_start3A_127 = arith.constant 2 : i32
      %dma_start3A_128 = arith.constant 0 : i32
      %dma_start3A_129 = arith.constant 0 : i32
      %dma_start3A_130 = tpu.memref_slice %arg7[%dma_start3A_126, %dma_start3A_127, %dma_start3A_128, %dma_start3A_129] : memref<2x3x32x256xf32, #tpu.memory_space<vmem>> -> memref<1x1x32x256xf32, #tpu.memory_space<vmem>>
      %dma_start3A_131 = tpu.memref_squeeze %dma_start3A_130 : memref<1x1x32x256xf32, #tpu.memory_space<vmem>> -> memref<32x256xf32, #tpu.memory_space<vmem>>
      %dma_start3A_132 = tpu.memref_slice %arg6[%dma_start3A_125, %mul3A_100] : memref<3x2048xi32, #tpu.memory_space<vmem>> -> memref<1x32xi32, #tpu.memory_space<vmem>>
      %dma_start3A_133 = tpu.memref_squeeze %dma_start3A_132 : memref<1x32xi32, #tpu.memory_space<vmem>> -> memref<32xi32, #tpu.memory_space<vmem>>
      %dma_start3A_134 = arith.constant 0 : i32
      %dma_start3A_135 = arith.constant 0 : i32
      %dma_start3A_136 = tpu.memref_slice %arg4[%dma_start3A_134, %dma_start3A_135] : memref<16384x256xf32, #tpu.memory_space<hbm>> -> memref<16384x256xf32, #tpu.memory_space<hbm>>
      tpu.enqueue_indirect_dma source(%dma_start3A_136 : memref<16384x256xf32, #tpu.memory_space<hbm>>) target(%dma_start3A_131 : memref<32x256xf32, #tpu.memory_space<vmem>>) offsets(%dma_start3A_133 : memref<32xi32, #tpu.memory_space<vmem>>) semaphore(%arg10 : memref<!tpu.dma_semaphore, #tpu.memory_space<semaphore_mem>>)
      %add3A_137 = arith.addi %mul3A_2, %mul3A_100 : i32
      %dma_start3A_138 = arith.constant 1 : i32
      %dma_start3A_139 = arith.constant 0 : i32
      %dma_start3A_140 = arith.constant 0 : i32
      %dma_start3A_141 = arith.constant 0 : i32
      %dma_start3A_142 = tpu.memref_slice %arg8[%dma_start3A_138, %dma_start3A_139, %dma_start3A_140, %dma_start3A_141] : memref<2x3x32x16xf32, #tpu.memory_space<vmem>> -> memref<1x3x32x16xf32, #tpu.memory_space<vmem>>
      %dma_start3A_143 = tpu.memref_squeeze %dma_start3A_142 : memref<1x3x32x16xf32, #tpu.memory_space<vmem>> -> memref<3x32x16xf32, #tpu.memory_space<vmem>>
      %dma_start3A_144 = arith.constant 0 : i32
      %dma_start3A_145 = arith.constant 0 : i32
      %dma_start3A_146 = tpu.memref_slice %arg3[%dma_start3A_144, %add3A_137, %dma_start3A_145] : memref<3x65536x16xf32, #tpu.memory_space<hbm>> -> memref<3x32x16xf32, #tpu.memory_space<hbm>>
      %dma_start3A_147 = arith.constant 0 : i32
      %dma_start3A_148 = arith.constant 0 : i32
      %dma_start3A_149 = arith.constant 0 : i32
      %dma_start3A_150 = tpu.memref_slice %arg8[%dma_start3A_138, %dma_start3A_147, %dma_start3A_148, %dma_start3A_149] : memref<2x3x32x16xf32, #tpu.memory_space<vmem>> -> memref<1x3x32x16xf32, #tpu.memory_space<vmem>>
      %dma_start3A_151 = tpu.memref_squeeze %dma_start3A_150 : memref<1x3x32x16xf32, #tpu.memory_space<vmem>> -> memref<3x32x16xf32, #tpu.memory_space<vmem>>
      %dma_start3A_152 = arith.constant 0 : i32
      %dma_start3A_153 = arith.constant 0 : i32
      %dma_start3A_154 = tpu.memref_slice %arg3[%dma_start3A_152, %add3A_137, %dma_start3A_153] : memref<3x65536x16xf32, #tpu.memory_space<hbm>> -> memref<3x32x16xf32, #tpu.memory_space<hbm>>
      tpu.enqueue_dma source(%dma_start3A_154 : memref<3x32x16xf32, #tpu.memory_space<hbm>>) target(%dma_start3A_151 : memref<3x32x16xf32, #tpu.memory_space<vmem>>) target_semaphore(%arg10 : memref<!tpu.dma_semaphore, #tpu.memory_space<semaphore_mem>>)
      %dma_wait3A_155 = arith.constant 0 : i32
      %dma_wait3A_156 = arith.constant 0 : i32
      %dma_wait3A_157 = arith.constant 0 : i32
      %dma_wait3A_158 = arith.constant 0 : i32
      %dma_wait3A_159 = tpu.memref_slice %arg7[%dma_wait3A_155, %dma_wait3A_156, %dma_wait3A_157, %dma_wait3A_158] : memref<2x3x32x256xf32, #tpu.memory_space<vmem>> -> memref<1x1x32x256xf32, #tpu.memory_space<vmem>>
      %dma_wait3A_160 = tpu.memref_squeeze %dma_wait3A_159 : memref<1x1x32x256xf32, #tpu.memory_space<vmem>> -> memref<32x256xf32, #tpu.memory_space<vmem>>
      %dma_wait3A_161 = arith.constant 0 : i32
      %dma_wait3A_162 = arith.constant 0 : i32
      %dma_wait3A_163 = tpu.memref_slice %arg4[%dma_wait3A_161, %dma_wait3A_162] : memref<16384x256xf32, #tpu.memory_space<hbm>> -> memref<32x256xf32, #tpu.memory_space<hbm>>
      %dma_wait3A_164 = arith.constant 0 : i32
      %dma_wait3A_165 = arith.constant 0 : i32
      %dma_wait3A_166 = tpu.memref_slice %arg7[%dma_wait3A_155, %dma_wait3A_156, %dma_wait3A_164, %dma_wait3A_165] : memref<2x3x32x256xf32, #tpu.memory_space<vmem>> -> memref<1x1x32x256xf32, #tpu.memory_space<vmem>>
      %dma_wait3A_167 = tpu.memref_squeeze %dma_wait3A_166 : memref<1x1x32x256xf32, #tpu.memory_space<vmem>> -> memref<32x256xf32, #tpu.memory_space<vmem>>
      %dma_wait3A_168 = arith.constant 0 : i32
      %dma_wait3A_169 = arith.constant 0 : i32
      %dma_wait3A_170 = tpu.memref_slice %arg4[%dma_wait3A_168, %dma_wait3A_169] : memref<16384x256xf32, #tpu.memory_space<hbm>> -> memref<32x256xf32, #tpu.memory_space<hbm>>
      tpu.wait_dma2 semaphore(%arg9 : memref<!tpu.dma_semaphore, #tpu.memory_space<semaphore_mem>>) src(%dma_wait3A_170 : memref<32x256xf32, #tpu.memory_space<hbm>>) dst(%dma_wait3A_167 : memref<32x256xf32, #tpu.memory_space<vmem>>)
      %dma_wait3A_171 = arith.constant 0 : i32
      %dma_wait3A_172 = arith.constant 1 : i32
      %dma_wait3A_173 = arith.constant 0 : i32
      %dma_wait3A_174 = arith.constant 0 : i32
      %dma_wait3A_175 = tpu.memref_slice %arg7[%dma_wait3A_171, %dma_wait3A_172, %dma_wait3A_173, %dma_wait3A_174] : memref<2x3x32x256xf32, #tpu.memory_space<vmem>> -> memref<1x1x32x256xf32, #tpu.memory_space<vmem>>
      %dma_wait3A_176 = tpu.memref_squeeze %dma_wait3A_175 : memref<1x1x32x256xf32, #tpu.memory_space<vmem>> -> memref<32x256xf32, #tpu.memory_space<vmem>>
      %dma_wait3A_177 = arith.constant 0 : i32
      %dma_wait3A_178 = arith.constant 0 : i32
      %dma_wait3A_179 = tpu.memref_slice %arg4[%dma_wait3A_177, %dma_wait3A_178] : memref<16384x256xf32, #tpu.memory_space<hbm>> -> memref<32x256xf32, #tpu.memory_space<hbm>>
      %dma_wait3A_180 = arith.constant 0 : i32
      %dma_wait3A_181 = arith.constant 0 : i32
      %dma_wait3A_182 = tpu.memref_slice %arg7[%dma_wait3A_171, %dma_wait3A_172, %dma_wait3A_180, %dma_wait3A_181] : memref<2x3x32x256xf32, #tpu.memory_space<vmem>> -> memref<1x1x32x256xf32, #tpu.memory_space<vmem>>
      %dma_wait3A_183 = tpu.memref_squeeze %dma_wait3A_182 : memref<1x1x32x256xf32, #tpu.memory_space<vmem>> -> memref<32x256xf32, #tpu.memory_space<vmem>>
      %dma_wait3A_184 = arith.constant 0 : i32
      %dma_wait3A_185 = arith.constant 0 : i32
      %dma_wait3A_186 = tpu.memref_slice %arg4[%dma_wait3A_184, %dma_wait3A_185] : memref<16384x256xf32, #tpu.memory_space<hbm>> -> memref<32x256xf32, #tpu.memory_space<hbm>>
      tpu.wait_dma2 semaphore(%arg9 : memref<!tpu.dma_semaphore, #tpu.memory_space<semaphore_mem>>) src(%dma_wait3A_186 : memref<32x256xf32, #tpu.memory_space<hbm>>) dst(%dma_wait3A_183 : memref<32x256xf32, #tpu.memory_space<vmem>>)
      %dma_wait3A_187 = arith.constant 0 : i32
      %dma_wait3A_188 = arith.constant 2 : i32
      %dma_wait3A_189 = arith.constant 0 : i32
      %dma_wait3A_190 = arith.constant 0 : i32
      %dma_wait3A_191 = tpu.memref_slice %arg7[%dma_wait3A_187, %dma_wait3A_188, %dma_wait3A_189, %dma_wait3A_190] : memref<2x3x32x256xf32, #tpu.memory_space<vmem>> -> memref<1x1x32x256xf32, #tpu.memory_space<vmem>>
      %dma_wait3A_192 = tpu.memref_squeeze %dma_wait3A_191 : memref<1x1x32x256xf32, #tpu.memory_space<vmem>> -> memref<32x256xf32, #tpu.memory_space<vmem>>
      %dma_wait3A_193 = arith.constant 0 : i32
      %dma_wait3A_194 = arith.constant 0 : i32
      %dma_wait3A_195 = tpu.memref_slice %arg4[%dma_wait3A_193, %dma_wait3A_194] : memref<16384x256xf32, #tpu.memory_space<hbm>> -> memref<32x256xf32, #tpu.memory_space<hbm>>
      %dma_wait3A_196 = arith.constant 0 : i32
      %dma_wait3A_197 = arith.constant 0 : i32
      %dma_wait3A_198 = tpu.memref_slice %arg7[%dma_wait3A_187, %dma_wait3A_188, %dma_wait3A_196, %dma_wait3A_197] : memref<2x3x32x256xf32, #tpu.memory_space<vmem>> -> memref<1x1x32x256xf32, #tpu.memory_space<vmem>>
      %dma_wait3A_199 = tpu.memref_squeeze %dma_wait3A_198 : memref<1x1x32x256xf32, #tpu.memory_space<vmem>> -> memref<32x256xf32, #tpu.memory_space<vmem>>
      %dma_wait3A_200 = arith.constant 0 : i32
      %dma_wait3A_201 = arith.constant 0 : i32
      %dma_wait3A_202 = tpu.memref_slice %arg4[%dma_wait3A_200, %dma_wait3A_201] : memref<16384x256xf32, #tpu.memory_space<hbm>> -> memref<32x256xf32, #tpu.memory_space<hbm>>
      tpu.wait_dma2 semaphore(%arg9 : memref<!tpu.dma_semaphore, #tpu.memory_space<semaphore_mem>>) src(%dma_wait3A_202 : memref<32x256xf32, #tpu.memory_space<hbm>>) dst(%dma_wait3A_199 : memref<32x256xf32, #tpu.memory_space<vmem>>)
      %dma_wait3A_203 = arith.constant 0 : i32
      %dma_wait3A_204 = arith.constant 0 : i32
      %dma_wait3A_205 = arith.constant 0 : i32
      %dma_wait3A_206 = arith.constant 0 : i32
      %dma_wait3A_207 = tpu.memref_slice %arg8[%dma_wait3A_203, %dma_wait3A_204, %dma_wait3A_205, %dma_wait3A_206] : memref<2x3x32x16xf32, #tpu.memory_space<vmem>> -> memref<1x3x32x16xf32, #tpu.memory_space<vmem>>
      %dma_wait3A_208 = tpu.memref_squeeze %dma_wait3A_207 : memref<1x3x32x16xf32, #tpu.memory_space<vmem>> -> memref<3x32x16xf32, #tpu.memory_space<vmem>>
      %dma_wait3A_209 = arith.constant 0 : i32
      %dma_wait3A_210 = arith.constant 0 : i32
      %dma_wait3A_211 = arith.constant 0 : i32
      %dma_wait3A_212 = tpu.memref_slice %arg3[%dma_wait3A_209, %dma_wait3A_210, %dma_wait3A_211] : memref<3x65536x16xf32, #tpu.memory_space<hbm>> -> memref<3x32x16xf32, #tpu.memory_space<hbm>>
      %dma_wait3A_213 = arith.constant 0 : i32
      %dma_wait3A_214 = arith.constant 0 : i32
      %dma_wait3A_215 = arith.constant 0 : i32
      %dma_wait3A_216 = tpu.memref_slice %arg8[%dma_wait3A_203, %dma_wait3A_213, %dma_wait3A_214, %dma_wait3A_215] : memref<2x3x32x16xf32, #tpu.memory_space<vmem>> -> memref<1x3x32x16xf32, #tpu.memory_space<vmem>>
      %dma_wait3A_217 = tpu.memref_squeeze %dma_wait3A_216 : memref<1x3x32x16xf32, #tpu.memory_space<vmem>> -> memref<3x32x16xf32, #tpu.memory_space<vmem>>
      %dma_wait3A_218 = arith.constant 0 : i32
      %dma_wait3A_219 = arith.constant 0 : i32
      %dma_wait3A_220 = arith.constant 0 : i32
      %dma_wait3A_221 = tpu.memref_slice %arg3[%dma_wait3A_218, %dma_wait3A_219, %dma_wait3A_220] : memref<3x65536x16xf32, #tpu.memory_space<hbm>> -> memref<3x32x16xf32, #tpu.memory_space<hbm>>
      tpu.wait_dma2 semaphore(%arg9 : memref<!tpu.dma_semaphore, #tpu.memory_space<semaphore_mem>>) src(%dma_wait3A_221 : memref<3x32x16xf32, #tpu.memory_space<hbm>>) dst(%dma_wait3A_217 : memref<3x32x16xf32, #tpu.memory_space<vmem>>)
      %scan3A_222 = arith.constant 0 : i32
      %scan3A_223 = arith.constant 0 : i32
      %scan3A_224 = arith.constant 32 : i32
      %scan3A_225 = arith.addi %scan3A_223, %scan3A_224 : i32
      %scan3A_226 = arith.constant 1 : i32
      scf.for %scan3A_341 = %scan3A_223 to %scan3A_225 step %scan3A_226  : i32 {
        %get3A = arith.constant 0 : i32
        %get3A_342 = arith.constant 0 : i32
        %get3A_343 = arith.index_cast %get3A : i32 to index
        %get3A_344 = arith.index_cast %get3A_342 : i32 to index
        %get3A_345 = arith.index_cast %scan3A_341 : i32 to index
        %get3A_346 = arith.constant 0 : index
        %get3A_347 = tpu.vector_load %arg8[%get3A_343, %get3A_344, %get3A_345, %get3A_346] {strides = array<i32>} : memref<2x3x32x16xf32, #tpu.memory_space<vmem>>, vector<1x1x1x16xf32>,
        %get3A_348 = vector.shape_cast %get3A_347 : vector<1x1x1x16xf32> to vector<16xf32>
        %get3A_349 = arith.constant 0 : i32
        %get3A_350 = arith.constant 1 : i32
        %get3A_351 = arith.index_cast %get3A_349 : i32 to index
        %get3A_352 = arith.index_cast %get3A_350 : i32 to index
        %get3A_353 = arith.index_cast %scan3A_341 : i32 to index
        %get3A_354 = arith.constant 0 : index
        %get3A_355 = tpu.vector_load %arg8[%get3A_351, %get3A_352, %get3A_353, %get3A_354] {strides = array<i32>} : memref<2x3x32x16xf32, #tpu.memory_space<vmem>>, vector<1x1x1x16xf32>,
        %get3A_356 = vector.shape_cast %get3A_355 : vector<1x1x1x16xf32> to vector<16xf32>
        %get3A_357 = arith.constant 0 : i32
        %get3A_358 = arith.constant 2 : i32
        %get3A_359 = arith.index_cast %get3A_357 : i32 to index
        %get3A_360 = arith.index_cast %get3A_358 : i32 to index
        %get3A_361 = arith.index_cast %scan3A_341 : i32 to index
        %get3A_362 = arith.constant 0 : index
        %get3A_363 = tpu.vector_load %arg8[%get3A_359, %get3A_360, %get3A_361, %get3A_362] {strides = array<i32>} : memref<2x3x32x16xf32, #tpu.memory_space<vmem>>, vector<1x1x1x16xf32>,
        %get3A_364 = vector.shape_cast %get3A_363 : vector<1x1x1x16xf32> to vector<16xf32>
        %get3A_365 = arith.constant 0 : i32
        %get3A_366 = arith.constant 0 : i32
        %get3A_367 = arith.index_cast %get3A_365 : i32 to index
        %get3A_368 = arith.index_cast %get3A_366 : i32 to index
        %get3A_369 = arith.index_cast %scan3A_341 : i32 to index
        %get3A_370 = arith.constant 0 : index
        %get3A_371 = tpu.vector_load %arg7[%get3A_367, %get3A_368, %get3A_369, %get3A_370] {strides = array<i32>} : memref<2x3x32x256xf32, #tpu.memory_space<vmem>>, vector<1x1x1x16xf32>,
        %get3A_372 = vector.shape_cast %get3A_371 : vector<1x1x1x16xf32> to vector<16xf32>
        %mul3A_373 = arith.mulf %get3A_348, %get3A_372 : vector<16xf32>
        %get3A_374 = arith.constant 0 : i32
        %get3A_375 = arith.constant 1 : i32
        %get3A_376 = arith.index_cast %get3A_374 : i32 to index
        %get3A_377 = arith.index_cast %get3A_375 : i32 to index
        %get3A_378 = arith.index_cast %scan3A_341 : i32 to index
        %get3A_379 = arith.constant 0 : index
        %get3A_380 = tpu.vector_load %arg7[%get3A_376, %get3A_377, %get3A_378, %get3A_379] {strides = array<i32>} : memref<2x3x32x256xf32, #tpu.memory_space<vmem>>, vector<1x1x1x16xf32>,
        %get3A_381 = vector.shape_cast %get3A_380 : vector<1x1x1x16xf32> to vector<16xf32>
        %mul3A_382 = arith.mulf %get3A_356, %get3A_381 : vector<16xf32>
        %add3A_383 = arith.addf %mul3A_373, %mul3A_382 : vector<16xf32>
        %get3A_384 = arith.constant 0 : i32
        %get3A_385 = arith.constant 2 : i32
        %get3A_386 = arith.index_cast %get3A_384 : i32 to index
        %get3A_387 = arith.index_cast %get3A_385 : i32 to index
        %get3A_388 = arith.index_cast %scan3A_341 : i32 to index
        %get3A_389 = arith.constant 0 : index
        %get3A_390 = tpu.vector_load %arg7[%get3A_386, %get3A_387, %get3A_388, %get3A_389] {strides = array<i32>} : memref<2x3x32x256xf32, #tpu.memory_space<vmem>>, vector<1x1x1x16xf32>,
        %get3A_391 = vector.shape_cast %get3A_390 : vector<1x1x1x16xf32> to vector<16xf32>
        %mul3A_392 = arith.mulf %get3A_364, %get3A_391 : vector<16xf32>
        %add3A_393 = arith.addf %add3A_383, %mul3A_392 : vector<16xf32>
        %swap3A = arith.constant 0 : i32
        %swap3A_394 = arith.constant 0 : i32
        %swap3A_395 = arith.index_cast %swap3A : i32 to index
        %swap3A_396 = arith.index_cast %swap3A_394 : i32 to index
        %swap3A_397 = arith.index_cast %scan3A_341 : i32 to index
        %swap3A_398 = arith.constant 0 : index
        %swap3A_399 = tpu.vector_load %arg7[%swap3A_395, %swap3A_396, %swap3A_397, %swap3A_398] {strides = array<i32>} : memref<2x3x32x256xf32, #tpu.memory_space<vmem>>, vector<1x1x1x16xf32>,
        %swap3A_400 = vector.shape_cast %swap3A_399 : vector<1x1x1x16xf32> to vector<16xf32>
        %swap3A_401 = vector.shape_cast %add3A_393 : vector<16xf32> to vector<1x1x1x16xf32>
        tpu.vector_store %arg7[%swap3A_395, %swap3A_396, %swap3A_397, %swap3A_398], %swap3A_401 {strides = array<i32>} : memref<2x3x32x256xf32, #tpu.memory_space<vmem>>, vector<1x1x1x16xf32>,
        %get3A_402 = arith.constant 0 : i32
        %get3A_403 = arith.constant 0 : i32
        %get3A_404 = arith.index_cast %get3A_402 : i32 to index
        %get3A_405 = arith.index_cast %get3A_403 : i32 to index
        %get3A_406 = arith.index_cast %scan3A_341 : i32 to index
        %get3A_407 = arith.constant 16 : index
        %get3A_408 = tpu.vector_load %arg7[%get3A_404, %get3A_405, %get3A_406, %get3A_407] {strides = array<i32>} : memref<2x3x32x256xf32, #tpu.memory_space<vmem>>, vector<1x1x1x16xf32>,
        %get3A_409 = vector.shape_cast %get3A_408 : vector<1x1x1x16xf32> to vector<16xf32>
        %mul3A_410 = arith.mulf %get3A_348, %get3A_409 : vector<16xf32>
        %get3A_411 = arith.constant 0 : i32
        %get3A_412 = arith.constant 1 : i32
        %get3A_413 = arith.index_cast %get3A_411 : i32 to index
        %get3A_414 = arith.index_cast %get3A_412 : i32 to index
        %get3A_415 = arith.index_cast %scan3A_341 : i32 to index
        %get3A_416 = arith.constant 16 : index
        %get3A_417 = tpu.vector_load %arg7[%get3A_413, %get3A_414, %get3A_415, %get3A_416] {strides = array<i32>} : memref<2x3x32x256xf32, #tpu.memory_space<vmem>>, vector<1x1x1x16xf32>,
        %get3A_418 = vector.shape_cast %get3A_417 : vector<1x1x1x16xf32> to vector<16xf32>
        %mul3A_419 = arith.mulf %get3A_356, %get3A_418 : vector<16xf32>
        %add3A_420 = arith.addf %mul3A_410, %mul3A_419 : vector<16xf32>
        %get3A_421 = arith.constant 0 : i32
        %get3A_422 = arith.constant 2 : i32
        %get3A_423 = arith.index_cast %get3A_421 : i32 to index
        %get3A_424 = arith.index_cast %get3A_422 : i32 to index
        %get3A_425 = arith.index_cast %scan3A_341 : i32 to index
        %get3A_426 = arith.constant 16 : index
        %get3A_427 = tpu.vector_load %arg7[%get3A_423, %get3A_424, %get3A_425, %get3A_426] {strides = array<i32>} : memref<2x3x32x256xf32, #tpu.memory_space<vmem>>, vector<1x1x1x16xf32>,
        %get3A_428 = vector.shape_cast %get3A_427 : vector<1x1x1x16xf32> to vector<16xf32>
        %mul3A_429 = arith.mulf %get3A_364, %get3A_428 : vector<16xf32>
        %add3A_430 = arith.addf %add3A_420, %mul3A_429 : vector<16xf32>
        %swap3A_431 = arith.constant 0 : i32
        %swap3A_432 = arith.constant 0 : i32
        %swap3A_433 = arith.index_cast %swap3A_431 : i32 to index
        %swap3A_434 = arith.index_cast %swap3A_432 : i32 to index
        %swap3A_435 = arith.index_cast %scan3A_341 : i32 to index
        %swap3A_436 = arith.constant 16 : index
        %swap3A_437 = tpu.vector_load %arg7[%swap3A_433, %swap3A_434, %swap3A_435, %swap3A_436] {strides = array<i32>} : memref<2x3x32x256xf32, #tpu.memory_space<vmem>>, vector<1x1x1x16xf32>,
        %swap3A_438 = vector.shape_cast %swap3A_437 : vector<1x1x1x16xf32> to vector<16xf32>
        %swap3A_439 = vector.shape_cast %add3A_430 : vector<16xf32> to vector<1x1x1x16xf32>
        tpu.vector_store %arg7[%swap3A_433, %swap3A_434, %swap3A_435, %swap3A_436], %swap3A_439 {strides = array<i32>} : memref<2x3x32x256xf32, #tpu.memory_space<vmem>>, vector<1x1x1x16xf32>,
        %get3A_440 = arith.constant 0 : i32
        %get3A_441 = arith.constant 0 : i32
        %get3A_442 = arith.index_cast %get3A_440 : i32 to index
        %get3A_443 = arith.index_cast %get3A_441 : i32 to index
        %get3A_444 = arith.index_cast %scan3A_341 : i32 to index
        %get3A_445 = arith.constant 32 : index
        %get3A_446 = tpu.vector_load %arg7[%get3A_442, %get3A_443, %get3A_444, %get3A_445] {strides = array<i32>} : memref<2x3x32x256xf32, #tpu.memory_space<vmem>>, vector<1x1x1x16xf32>,
        %get3A_447 = vector.shape_cast %get3A_446 : vector<1x1x1x16xf32> to vector<16xf32>
        %mul3A_448 = arith.mulf %get3A_348, %get3A_447 : vector<16xf32>
        %get3A_449 = arith.constant 0 : i32
        %get3A_450 = arith.constant 1 : i32
        %get3A_451 = arith.index_cast %get3A_449 : i32 to index
        %get3A_452 = arith.index_cast %get3A_450 : i32 to index
        %get3A_453 = arith.index_cast %scan3A_341 : i32 to index
        %get3A_454 = arith.constant 32 : index
        %get3A_455 = tpu.vector_load %arg7[%get3A_451, %get3A_452, %get3A_453, %get3A_454] {strides = array<i32>} : memref<2x3x32x256xf32, #tpu.memory_space<vmem>>, vector<1x1x1x16xf32>,
        %get3A_456 = vector.shape_cast %get3A_455 : vector<1x1x1x16xf32> to vector<16xf32>
        %mul3A_457 = arith.mulf %get3A_356, %get3A_456 : vector<16xf32>
        %add3A_458 = arith.addf %mul3A_448, %mul3A_457 : vector<16xf32>
        %get3A_459 = arith.constant 0 : i32
        %get3A_460 = arith.constant 2 : i32
        %get3A_461 = arith.index_cast %get3A_459 : i32 to index
        %get3A_462 = arith.index_cast %get3A_460 : i32 to index
        %get3A_463 = arith.index_cast %scan3A_341 : i32 to index
        %get3A_464 = arith.constant 32 : index
        %get3A_465 = tpu.vector_load %arg7[%get3A_461, %get3A_462, %get3A_463, %get3A_464] {strides = array<i32>} : memref<2x3x32x256xf32, #tpu.memory_space<vmem>>, vector<1x1x1x16xf32>,
        %get3A_466 = vector.shape_cast %get3A_465 : vector<1x1x1x16xf32> to vector<16xf32>
        %mul3A_467 = arith.mulf %get3A_364, %get3A_466 : vector<16xf32>
        %add3A_468 = arith.addf %add3A_458, %mul3A_467 : vector<16xf32>
        %swap3A_469 = arith.constant 0 : i32
        %swap3A_470 = arith.constant 0 : i32
        %swap3A_471 = arith.index_cast %swap3A_469 : i32 to index
        %swap3A_472 = arith.index_cast %swap3A_470 : i32 to index
        %swap3A_473 = arith.index_cast %scan3A_341 : i32 to index
        %swap3A_474 = arith.constant 32 : index
        %swap3A_475 = tpu.vector_load %arg7[%swap3A_471, %swap3A_472, %swap3A_473, %swap3A_474] {strides = array<i32>} : memref<2x3x32x256xf32, #tpu.memory_space<vmem>>, vector<1x1x1x16xf32>,
        %swap3A_476 = vector.shape_cast %swap3A_475 : vector<1x1x1x16xf32> to vector<16xf32>
        %swap3A_477 = vector.shape_cast %add3A_468 : vector<16xf32> to vector<1x1x1x16xf32>
        tpu.vector_store %arg7[%swap3A_471, %swap3A_472, %swap3A_473, %swap3A_474], %swap3A_477 {strides = array<i32>} : memref<2x3x32x256xf32, #tpu.memory_space<vmem>>, vector<1x1x1x16xf32>,
        %get3A_478 = arith.constant 0 : i32
        %get3A_479 = arith.constant 0 : i32
        %get3A_480 = arith.index_cast %get3A_478 : i32 to index
        %get3A_481 = arith.index_cast %get3A_479 : i32 to index
        %get3A_482 = arith.index_cast %scan3A_341 : i32 to index
        %get3A_483 = arith.constant 48 : index
        %get3A_484 = tpu.vector_load %arg7[%get3A_480, %get3A_481, %get3A_482, %get3A_483] {strides = array<i32>} : memref<2x3x32x256xf32, #tpu.memory_space<vmem>>, vector<1x1x1x16xf32>,
        %get3A_485 = vector.shape_cast %get3A_484 : vector<1x1x1x16xf32> to vector<16xf32>
        %mul3A_486 = arith.mulf %get3A_348, %get3A_485 : vector<16xf32>
        %get3A_487 = arith.constant 0 : i32
        %get3A_488 = arith.constant 1 : i32
        %get3A_489 = arith.index_cast %get3A_487 : i32 to index
        %get3A_490 = arith.index_cast %get3A_488 : i32 to index
        %get3A_491 = arith.index_cast %scan3A_341 : i32 to index
        %get3A_492 = arith.constant 48 : index
        %get3A_493 = tpu.vector_load %arg7[%get3A_489, %get3A_490, %get3A_491, %get3A_492] {strides = array<i32>} : memref<2x3x32x256xf32, #tpu.memory_space<vmem>>, vector<1x1x1x16xf32>,
        %get3A_494 = vector.shape_cast %get3A_493 : vector<1x1x1x16xf32> to vector<16xf32>
        %mul3A_495 = arith.mulf %get3A_356, %get3A_494 : vector<16xf32>
        %add3A_496 = arith.addf %mul3A_486, %mul3A_495 : vector<16xf32>
        %get3A_497 = arith.constant 0 : i32
        %get3A_498 = arith.constant 2 : i32
        %get3A_499 = arith.index_cast %get3A_497 : i32 to index
        %get3A_500 = arith.index_cast %get3A_498 : i32 to index
        %get3A_501 = arith.index_cast %scan3A_341 : i32 to index
        %get3A_502 = arith.constant 48 : index
        %get3A_503 = tpu.vector_load %arg7[%get3A_499, %get3A_500, %get3A_501, %get3A_502] {strides = array<i32>} : memref<2x3x32x256xf32, #tpu.memory_space<vmem>>, vector<1x1x1x16xf32>,
        %get3A_504 = vector.shape_cast %get3A_503 : vector<1x1x1x16xf32> to vector<16xf32>
        %mul3A_505 = arith.mulf %get3A_364, %get3A_504 : vector<16xf32>
        %add3A_506 = arith.addf %add3A_496, %mul3A_505 : vector<16xf32>
        %swap3A_507 = arith.constant 0 : i32
        %swap3A_508 = arith.constant 0 : i32
        %swap3A_509 = arith.index_cast %swap3A_507 : i32 to index
        %swap3A_510 = arith.index_cast %swap3A_508 : i32 to index
        %swap3A_511 = arith.index_cast %scan3A_341 : i32 to index
        %swap3A_512 = arith.constant 48 : index
        %swap3A_513 = tpu.vector_load %arg7[%swap3A_509, %swap3A_510, %swap3A_511, %swap3A_512] {strides = array<i32>} : memref<2x3x32x256xf32, #tpu.memory_space<vmem>>, vector<1x1x1x16xf32>,
        %swap3A_514 = vector.shape_cast %swap3A_513 : vector<1x1x1x16xf32> to vector<16xf32>
        %swap3A_515 = vector.shape_cast %add3A_506 : vector<16xf32> to vector<1x1x1x16xf32>
        tpu.vector_store %arg7[%swap3A_509, %swap3A_510, %swap3A_511, %swap3A_512], %swap3A_515 {strides = array<i32>} : memref<2x3x32x256xf32, #tpu.memory_space<vmem>>, vector<1x1x1x16xf32>,
        %get3A_516 = arith.constant 0 : i32
        %get3A_517 = arith.constant 0 : i32
        %get3A_518 = arith.index_cast %get3A_516 : i32 to index
        %get3A_519 = arith.index_cast %get3A_517 : i32 to index
        %get3A_520 = arith.index_cast %scan3A_341 : i32 to index
        %get3A_521 = arith.constant 64 : index
        %get3A_522 = tpu.vector_load %arg7[%get3A_518, %get3A_519, %get3A_520, %get3A_521] {strides = array<i32>} : memref<2x3x32x256xf32, #tpu.memory_space<vmem>>, vector<1x1x1x16xf32>,
        %get3A_523 = vector.shape_cast %get3A_522 : vector<1x1x1x16xf32> to vector<16xf32>
        %mul3A_524 = arith.mulf %get3A_348, %get3A_523 : vector<16xf32>
        %get3A_525 = arith.constant 0 : i32
        %get3A_526 = arith.constant 1 : i32
        %get3A_527 = arith.index_cast %get3A_525 : i32 to index
        %get3A_528 = arith.index_cast %get3A_526 : i32 to index
        %get3A_529 = arith.index_cast %scan3A_341 : i32 to index
        %get3A_530 = arith.constant 64 : index
        %get3A_531 = tpu.vector_load %arg7[%get3A_527, %get3A_528, %get3A_529, %get3A_530] {strides = array<i32>} : memref<2x3x32x256xf32, #tpu.memory_space<vmem>>, vector<1x1x1x16xf32>,
        %get3A_532 = vector.shape_cast %get3A_531 : vector<1x1x1x16xf32> to vector<16xf32>
        %mul3A_533 = arith.mulf %get3A_356, %get3A_532 : vector<16xf32>
        %add3A_534 = arith.addf %mul3A_524, %mul3A_533 : vector<16xf32>
        %get3A_535 = arith.constant 0 : i32
        %get3A_536 = arith.constant 2 : i32
        %get3A_537 = arith.index_cast %get3A_535 : i32 to index
        %get3A_538 = arith.index_cast %get3A_536 : i32 to index
        %get3A_539 = arith.index_cast %scan3A_341 : i32 to index
        %get3A_540 = arith.constant 64 : index
        %get3A_541 = tpu.vector_load %arg7[%get3A_537, %get3A_538, %get3A_539, %get3A_540] {strides = array<i32>} : memref<2x3x32x256xf32, #tpu.memory_space<vmem>>, vector<1x1x1x16xf32>,
        %get3A_542 = vector.shape_cast %get3A_541 : vector<1x1x1x16xf32> to vector<16xf32>
        %mul3A_543 = arith.mulf %get3A_364, %get3A_542 : vector<16xf32>
        %add3A_544 = arith.addf %add3A_534, %mul3A_543 : vector<16xf32>
        %swap3A_545 = arith.constant 0 : i32
        %swap3A_546 = arith.constant 0 : i32
        %swap3A_547 = arith.index_cast %swap3A_545 : i32 to index
        %swap3A_548 = arith.index_cast %swap3A_546 : i32 to index
        %swap3A_549 = arith.index_cast %scan3A_341 : i32 to index
        %swap3A_550 = arith.constant 64 : index
        %swap3A_551 = tpu.vector_load %arg7[%swap3A_547, %swap3A_548, %swap3A_549, %swap3A_550] {strides = array<i32>} : memref<2x3x32x256xf32, #tpu.memory_space<vmem>>, vector<1x1x1x16xf32>,
        %swap3A_552 = vector.shape_cast %swap3A_551 : vector<1x1x1x16xf32> to vector<16xf32>
        %swap3A_553 = vector.shape_cast %add3A_544 : vector<16xf32> to vector<1x1x1x16xf32>
        tpu.vector_store %arg7[%swap3A_547, %swap3A_548, %swap3A_549, %swap3A_550], %swap3A_553 {strides = array<i32>} : memref<2x3x32x256xf32, #tpu.memory_space<vmem>>, vector<1x1x1x16xf32>,
        %get3A_554 = arith.constant 0 : i32
        %get3A_555 = arith.constant 0 : i32
        %get3A_556 = arith.index_cast %get3A_554 : i32 to index
        %get3A_557 = arith.index_cast %get3A_555 : i32 to index
        %get3A_558 = arith.index_cast %scan3A_341 : i32 to index
        %get3A_559 = arith.constant 80 : index
        %get3A_560 = tpu.vector_load %arg7[%get3A_556, %get3A_557, %get3A_558, %get3A_559] {strides = array<i32>} : memref<2x3x32x256xf32, #tpu.memory_space<vmem>>, vector<1x1x1x16xf32>,
        %get3A_561 = vector.shape_cast %get3A_560 : vector<1x1x1x16xf32> to vector<16xf32>
        %mul3A_562 = arith.mulf %get3A_348, %get3A_561 : vector<16xf32>
        %get3A_563 = arith.constant 0 : i32
        %get3A_564 = arith.constant 1 : i32
        %get3A_565 = arith.index_cast %get3A_563 : i32 to index
        %get3A_566 = arith.index_cast %get3A_564 : i32 to index
        %get3A_567 = arith.index_cast %scan3A_341 : i32 to index
        %get3A_568 = arith.constant 80 : index
        %get3A_569 = tpu.vector_load %arg7[%get3A_565, %get3A_566, %get3A_567, %get3A_568] {strides = array<i32>} : memref<2x3x32x256xf32, #tpu.memory_space<vmem>>, vector<1x1x1x16xf32>,
        %get3A_570 = vector.shape_cast %get3A_569 : vector<1x1x1x16xf32> to vector<16xf32>
        %mul3A_571 = arith.mulf %get3A_356, %get3A_570 : vector<16xf32>
        %add3A_572 = arith.addf %mul3A_562, %mul3A_571 : vector<16xf32>
        %get3A_573 = arith.constant 0 : i32
        %get3A_574 = arith.constant 2 : i32
        %get3A_575 = arith.index_cast %get3A_573 : i32 to index
        %get3A_576 = arith.index_cast %get3A_574 : i32 to index
        %get3A_577 = arith.index_cast %scan3A_341 : i32 to index
        %get3A_578 = arith.constant 80 : index
        %get3A_579 = tpu.vector_load %arg7[%get3A_575, %get3A_576, %get3A_577, %get3A_578] {strides = array<i32>} : memref<2x3x32x256xf32, #tpu.memory_space<vmem>>, vector<1x1x1x16xf32>,
        %get3A_580 = vector.shape_cast %get3A_579 : vector<1x1x1x16xf32> to vector<16xf32>
        %mul3A_581 = arith.mulf %get3A_364, %get3A_580 : vector<16xf32>
        %add3A_582 = arith.addf %add3A_572, %mul3A_581 : vector<16xf32>
        %swap3A_583 = arith.constant 0 : i32
        %swap3A_584 = arith.constant 0 : i32
        %swap3A_585 = arith.index_cast %swap3A_583 : i32 to index
        %swap3A_586 = arith.index_cast %swap3A_584 : i32 to index
        %swap3A_587 = arith.index_cast %scan3A_341 : i32 to index
        %swap3A_588 = arith.constant 80 : index
        %swap3A_589 = tpu.vector_load %arg7[%swap3A_585, %swap3A_586, %swap3A_587, %swap3A_588] {strides = array<i32>} : memref<2x3x32x256xf32, #tpu.memory_space<vmem>>, vector<1x1x1x16xf32>,
        %swap3A_590 = vector.shape_cast %swap3A_589 : vector<1x1x1x16xf32> to vector<16xf32>
        %swap3A_591 = vector.shape_cast %add3A_582 : vector<16xf32> to vector<1x1x1x16xf32>
        tpu.vector_store %arg7[%swap3A_585, %swap3A_586, %swap3A_587, %swap3A_588], %swap3A_591 {strides = array<i32>} : memref<2x3x32x256xf32, #tpu.memory_space<vmem>>, vector<1x1x1x16xf32>,
        %get3A_592 = arith.constant 0 : i32
        %get3A_593 = arith.constant 0 : i32
        %get3A_594 = arith.index_cast %get3A_592 : i32 to index
        %get3A_595 = arith.index_cast %get3A_593 : i32 to index
        %get3A_596 = arith.index_cast %scan3A_341 : i32 to index
        %get3A_597 = arith.constant 96 : index
        %get3A_598 = tpu.vector_load %arg7[%get3A_594, %get3A_595, %get3A_596, %get3A_597] {strides = array<i32>} : memref<2x3x32x256xf32, #tpu.memory_space<vmem>>, vector<1x1x1x16xf32>,
        %get3A_599 = vector.shape_cast %get3A_598 : vector<1x1x1x16xf32> to vector<16xf32>
        %mul3A_600 = arith.mulf %get3A_348, %get3A_599 : vector<16xf32>
        %get3A_601 = arith.constant 0 : i32
        %get3A_602 = arith.constant 1 : i32
        %get3A_603 = arith.index_cast %get3A_601 : i32 to index
        %get3A_604 = arith.index_cast %get3A_602 : i32 to index
        %get3A_605 = arith.index_cast %scan3A_341 : i32 to index
        %get3A_606 = arith.constant 96 : index
        %get3A_607 = tpu.vector_load %arg7[%get3A_603, %get3A_604, %get3A_605, %get3A_606] {strides = array<i32>} : memref<2x3x32x256xf32, #tpu.memory_space<vmem>>, vector<1x1x1x16xf32>,
        %get3A_608 = vector.shape_cast %get3A_607 : vector<1x1x1x16xf32> to vector<16xf32>
        %mul3A_609 = arith.mulf %get3A_356, %get3A_608 : vector<16xf32>
        %add3A_610 = arith.addf %mul3A_600, %mul3A_609 : vector<16xf32>
        %get3A_611 = arith.constant 0 : i32
        %get3A_612 = arith.constant 2 : i32
        %get3A_613 = arith.index_cast %get3A_611 : i32 to index
        %get3A_614 = arith.index_cast %get3A_612 : i32 to index
        %get3A_615 = arith.index_cast %scan3A_341 : i32 to index
        %get3A_616 = arith.constant 96 : index
        %get3A_617 = tpu.vector_load %arg7[%get3A_613, %get3A_614, %get3A_615, %get3A_616] {strides = array<i32>} : memref<2x3x32x256xf32, #tpu.memory_space<vmem>>, vector<1x1x1x16xf32>,
        %get3A_618 = vector.shape_cast %get3A_617 : vector<1x1x1x16xf32> to vector<16xf32>
        %mul3A_619 = arith.mulf %get3A_364, %get3A_618 : vector<16xf32>
        %add3A_620 = arith.addf %add3A_610, %mul3A_619 : vector<16xf32>
        %swap3A_621 = arith.constant 0 : i32
        %swap3A_622 = arith.constant 0 : i32
        %swap3A_623 = arith.index_cast %swap3A_621 : i32 to index
        %swap3A_624 = arith.index_cast %swap3A_622 : i32 to index
        %swap3A_625 = arith.index_cast %scan3A_341 : i32 to index
        %swap3A_626 = arith.constant 96 : index
        %swap3A_627 = tpu.vector_load %arg7[%swap3A_623, %swap3A_624, %swap3A_625, %swap3A_626] {strides = array<i32>} : memref<2x3x32x256xf32, #tpu.memory_space<vmem>>, vector<1x1x1x16xf32>,
        %swap3A_628 = vector.shape_cast %swap3A_627 : vector<1x1x1x16xf32> to vector<16xf32>
        %swap3A_629 = vector.shape_cast %add3A_620 : vector<16xf32> to vector<1x1x1x16xf32>
        tpu.vector_store %arg7[%swap3A_623, %swap3A_624, %swap3A_625, %swap3A_626], %swap3A_629 {strides = array<i32>} : memref<2x3x32x256xf32, #tpu.memory_space<vmem>>, vector<1x1x1x16xf32>,
        %get3A_630 = arith.constant 0 : i32
        %get3A_631 = arith.constant 0 : i32
        %get3A_632 = arith.index_cast %get3A_630 : i32 to index
        %get3A_633 = arith.index_cast %get3A_631 : i32 to index
        %get3A_634 = arith.index_cast %scan3A_341 : i32 to index
        %get3A_635 = arith.constant 112 : index
        %get3A_636 = tpu.vector_load %arg7[%get3A_632, %get3A_633, %get3A_634, %get3A_635] {strides = array<i32>} : memref<2x3x32x256xf32, #tpu.memory_space<vmem>>, vector<1x1x1x16xf32>,
        %get3A_637 = vector.shape_cast %get3A_636 : vector<1x1x1x16xf32> to vector<16xf32>
        %mul3A_638 = arith.mulf %get3A_348, %get3A_637 : vector<16xf32>
        %get3A_639 = arith.constant 0 : i32
        %get3A_640 = arith.constant 1 : i32
        %get3A_641 = arith.index_cast %get3A_639 : i32 to index
        %get3A_642 = arith.index_cast %get3A_640 : i32 to index
        %get3A_643 = arith.index_cast %scan3A_341 : i32 to index
        %get3A_644 = arith.constant 112 : index
        %get3A_645 = tpu.vector_load %arg7[%get3A_641, %get3A_642, %get3A_643, %get3A_644] {strides = array<i32>} : memref<2x3x32x256xf32, #tpu.memory_space<vmem>>, vector<1x1x1x16xf32>,
        %get3A_646 = vector.shape_cast %get3A_645 : vector<1x1x1x16xf32> to vector<16xf32>
        %mul3A_647 = arith.mulf %get3A_356, %get3A_646 : vector<16xf32>
        %add3A_648 = arith.addf %mul3A_638, %mul3A_647 : vector<16xf32>
        %get3A_649 = arith.constant 0 : i32
        %get3A_650 = arith.constant 2 : i32
        %get3A_651 = arith.index_cast %get3A_649 : i32 to index
        %get3A_652 = arith.index_cast %get3A_650 : i32 to index
        %get3A_653 = arith.index_cast %scan3A_341 : i32 to index
        %get3A_654 = arith.constant 112 : index
        %get3A_655 = tpu.vector_load %arg7[%get3A_651, %get3A_652, %get3A_653, %get3A_654] {strides = array<i32>} : memref<2x3x32x256xf32, #tpu.memory_space<vmem>>, vector<1x1x1x16xf32>,
        %get3A_656 = vector.shape_cast %get3A_655 : vector<1x1x1x16xf32> to vector<16xf32>
        %mul3A_657 = arith.mulf %get3A_364, %get3A_656 : vector<16xf32>
        %add3A_658 = arith.addf %add3A_648, %mul3A_657 : vector<16xf32>
        %swap3A_659 = arith.constant 0 : i32
        %swap3A_660 = arith.constant 0 : i32
        %swap3A_661 = arith.index_cast %swap3A_659 : i32 to index
        %swap3A_662 = arith.index_cast %swap3A_660 : i32 to index
        %swap3A_663 = arith.index_cast %scan3A_341 : i32 to index
        %swap3A_664 = arith.constant 112 : index
        %swap3A_665 = tpu.vector_load %arg7[%swap3A_661, %swap3A_662, %swap3A_663, %swap3A_664] {strides = array<i32>} : memref<2x3x32x256xf32, #tpu.memory_space<vmem>>, vector<1x1x1x16xf32>,
        %swap3A_666 = vector.shape_cast %swap3A_665 : vector<1x1x1x16xf32> to vector<16xf32>
        %swap3A_667 = vector.shape_cast %add3A_658 : vector<16xf32> to vector<1x1x1x16xf32>
        tpu.vector_store %arg7[%swap3A_661, %swap3A_662, %swap3A_663, %swap3A_664], %swap3A_667 {strides = array<i32>} : memref<2x3x32x256xf32, #tpu.memory_space<vmem>>, vector<1x1x1x16xf32>,
        %get3A_668 = arith.constant 0 : i32
        %get3A_669 = arith.constant 0 : i32
        %get3A_670 = arith.index_cast %get3A_668 : i32 to index
        %get3A_671 = arith.index_cast %get3A_669 : i32 to index
        %get3A_672 = arith.index_cast %scan3A_341 : i32 to index
        %get3A_673 = arith.constant 128 : index
        %get3A_674 = tpu.vector_load %arg7[%get3A_670, %get3A_671, %get3A_672, %get3A_673] {strides = array<i32>} : memref<2x3x32x256xf32, #tpu.memory_space<vmem>>, vector<1x1x1x16xf32>,
        %get3A_675 = vector.shape_cast %get3A_674 : vector<1x1x1x16xf32> to vector<16xf32>
        %mul3A_676 = arith.mulf %get3A_348, %get3A_675 : vector<16xf32>
        %get3A_677 = arith.constant 0 : i32
        %get3A_678 = arith.constant 1 : i32
        %get3A_679 = arith.index_cast %get3A_677 : i32 to index
        %get3A_680 = arith.index_cast %get3A_678 : i32 to index
        %get3A_681 = arith.index_cast %scan3A_341 : i32 to index
        %get3A_682 = arith.constant 128 : index
        %get3A_683 = tpu.vector_load %arg7[%get3A_679, %get3A_680, %get3A_681, %get3A_682] {strides = array<i32>} : memref<2x3x32x256xf32, #tpu.memory_space<vmem>>, vector<1x1x1x16xf32>,
        %get3A_684 = vector.shape_cast %get3A_683 : vector<1x1x1x16xf32> to vector<16xf32>
        %mul3A_685 = arith.mulf %get3A_356, %get3A_684 : vector<16xf32>
        %add3A_686 = arith.addf %mul3A_676, %mul3A_685 : vector<16xf32>
        %get3A_687 = arith.constant 0 : i32
        %get3A_688 = arith.constant 2 : i32
        %get3A_689 = arith.index_cast %get3A_687 : i32 to index
        %get3A_690 = arith.index_cast %get3A_688 : i32 to index
        %get3A_691 = arith.index_cast %scan3A_341 : i32 to index
        %get3A_692 = arith.constant 128 : index
        %get3A_693 = tpu.vector_load %arg7[%get3A_689, %get3A_690, %get3A_691, %get3A_692] {strides = array<i32>} : memref<2x3x32x256xf32, #tpu.memory_space<vmem>>, vector<1x1x1x16xf32>,
        %get3A_694 = vector.shape_cast %get3A_693 : vector<1x1x1x16xf32> to vector<16xf32>
        %mul3A_695 = arith.mulf %get3A_364, %get3A_694 : vector<16xf32>
        %add3A_696 = arith.addf %add3A_686, %mul3A_695 : vector<16xf32>
        %swap3A_697 = arith.constant 0 : i32
        %swap3A_698 = arith.constant 0 : i32
        %swap3A_699 = arith.index_cast %swap3A_697 : i32 to index
        %swap3A_700 = arith.index_cast %swap3A_698 : i32 to index
        %swap3A_701 = arith.index_cast %scan3A_341 : i32 to index
        %swap3A_702 = arith.constant 128 : index
        %swap3A_703 = tpu.vector_load %arg7[%swap3A_699, %swap3A_700, %swap3A_701, %swap3A_702] {strides = array<i32>} : memref<2x3x32x256xf32, #tpu.memory_space<vmem>>, vector<1x1x1x16xf32>,
        %swap3A_704 = vector.shape_cast %swap3A_703 : vector<1x1x1x16xf32> to vector<16xf32>
        %swap3A_705 = vector.shape_cast %add3A_696 : vector<16xf32> to vector<1x1x1x16xf32>
        tpu.vector_store %arg7[%swap3A_699, %swap3A_700, %swap3A_701, %swap3A_702], %swap3A_705 {strides = array<i32>} : memref<2x3x32x256xf32, #tpu.memory_space<vmem>>, vector<1x1x1x16xf32>,
        %get3A_706 = arith.constant 0 : i32
        %get3A_707 = arith.constant 0 : i32
        %get3A_708 = arith.index_cast %get3A_706 : i32 to index
        %get3A_709 = arith.index_cast %get3A_707 : i32 to index
        %get3A_710 = arith.index_cast %scan3A_341 : i32 to index
        %get3A_711 = arith.constant 144 : index
        %get3A_712 = tpu.vector_load %arg7[%get3A_708, %get3A_709, %get3A_710, %get3A_711] {strides = array<i32>} : memref<2x3x32x256xf32, #tpu.memory_space<vmem>>, vector<1x1x1x16xf32>,
        %get3A_713 = vector.shape_cast %get3A_712 : vector<1x1x1x16xf32> to vector<16xf32>
        %mul3A_714 = arith.mulf %get3A_348, %get3A_713 : vector<16xf32>
        %get3A_715 = arith.constant 0 : i32
        %get3A_716 = arith.constant 1 : i32
        %get3A_717 = arith.index_cast %get3A_715 : i32 to index
        %get3A_718 = arith.index_cast %get3A_716 : i32 to index
        %get3A_719 = arith.index_cast %scan3A_341 : i32 to index
        %get3A_720 = arith.constant 144 : index
        %get3A_721 = tpu.vector_load %arg7[%get3A_717, %get3A_718, %get3A_719, %get3A_720] {strides = array<i32>} : memref<2x3x32x256xf32, #tpu.memory_space<vmem>>, vector<1x1x1x16xf32>,
        %get3A_722 = vector.shape_cast %get3A_721 : vector<1x1x1x16xf32> to vector<16xf32>
        %mul3A_723 = arith.mulf %get3A_356, %get3A_722 : vector<16xf32>
        %add3A_724 = arith.addf %mul3A_714, %mul3A_723 : vector<16xf32>
        %get3A_725 = arith.constant 0 : i32
        %get3A_726 = arith.constant 2 : i32
        %get3A_727 = arith.index_cast %get3A_725 : i32 to index
        %get3A_728 = arith.index_cast %get3A_726 : i32 to index
        %get3A_729 = arith.index_cast %scan3A_341 : i32 to index
        %get3A_730 = arith.constant 144 : index
        %get3A_731 = tpu.vector_load %arg7[%get3A_727, %get3A_728, %get3A_729, %get3A_730] {strides = array<i32>} : memref<2x3x32x256xf32, #tpu.memory_space<vmem>>, vector<1x1x1x16xf32>,
        %get3A_732 = vector.shape_cast %get3A_731 : vector<1x1x1x16xf32> to vector<16xf32>
        %mul3A_733 = arith.mulf %get3A_364, %get3A_732 : vector<16xf32>
        %add3A_734 = arith.addf %add3A_724, %mul3A_733 : vector<16xf32>
        %swap3A_735 = arith.constant 0 : i32
        %swap3A_736 = arith.constant 0 : i32
        %swap3A_737 = arith.index_cast %swap3A_735 : i32 to index
        %swap3A_738 = arith.index_cast %swap3A_736 : i32 to index
        %swap3A_739 = arith.index_cast %scan3A_341 : i32 to index
        %swap3A_740 = arith.constant 144 : index
        %swap3A_741 = tpu.vector_load %arg7[%swap3A_737, %swap3A_738, %swap3A_739, %swap3A_740] {strides = array<i32>} : memref<2x3x32x256xf32, #tpu.memory_space<vmem>>, vector<1x1x1x16xf32>,
        %swap3A_742 = vector.shape_cast %swap3A_741 : vector<1x1x1x16xf32> to vector<16xf32>
        %swap3A_743 = vector.shape_cast %add3A_734 : vector<16xf32> to vector<1x1x1x16xf32>
        tpu.vector_store %arg7[%swap3A_737, %swap3A_738, %swap3A_739, %swap3A_740], %swap3A_743 {strides = array<i32>} : memref<2x3x32x256xf32, #tpu.memory_space<vmem>>, vector<1x1x1x16xf32>,
        %get3A_744 = arith.constant 0 : i32
        %get3A_745 = arith.constant 0 : i32
        %get3A_746 = arith.index_cast %get3A_744 : i32 to index
        %get3A_747 = arith.index_cast %get3A_745 : i32 to index
        %get3A_748 = arith.index_cast %scan3A_341 : i32 to index
        %get3A_749 = arith.constant 160 : index
        %get3A_750 = tpu.vector_load %arg7[%get3A_746, %get3A_747, %get3A_748, %get3A_749] {strides = array<i32>} : memref<2x3x32x256xf32, #tpu.memory_space<vmem>>, vector<1x1x1x16xf32>,
        %get3A_751 = vector.shape_cast %get3A_750 : vector<1x1x1x16xf32> to vector<16xf32>
        %mul3A_752 = arith.mulf %get3A_348, %get3A_751 : vector<16xf32>
        %get3A_753 = arith.constant 0 : i32
        %get3A_754 = arith.constant 1 : i32
        %get3A_755 = arith.index_cast %get3A_753 : i32 to index
        %get3A_756 = arith.index_cast %get3A_754 : i32 to index
        %get3A_757 = arith.index_cast %scan3A_341 : i32 to index
        %get3A_758 = arith.constant 160 : index
        %get3A_759 = tpu.vector_load %arg7[%get3A_755, %get3A_756, %get3A_757, %get3A_758] {strides = array<i32>} : memref<2x3x32x256xf32, #tpu.memory_space<vmem>>, vector<1x1x1x16xf32>,
        %get3A_760 = vector.shape_cast %get3A_759 : vector<1x1x1x16xf32> to vector<16xf32>
        %mul3A_761 = arith.mulf %get3A_356, %get3A_760 : vector<16xf32>
        %add3A_762 = arith.addf %mul3A_752, %mul3A_761 : vector<16xf32>
        %get3A_763 = arith.constant 0 : i32
        %get3A_764 = arith.constant 2 : i32
        %get3A_765 = arith.index_cast %get3A_763 : i32 to index
        %get3A_766 = arith.index_cast %get3A_764 : i32 to index
        %get3A_767 = arith.index_cast %scan3A_341 : i32 to index
        %get3A_768 = arith.constant 160 : index
        %get3A_769 = tpu.vector_load %arg7[%get3A_765, %get3A_766, %get3A_767, %get3A_768] {strides = array<i32>} : memref<2x3x32x256xf32, #tpu.memory_space<vmem>>, vector<1x1x1x16xf32>,
        %get3A_770 = vector.shape_cast %get3A_769 : vector<1x1x1x16xf32> to vector<16xf32>
        %mul3A_771 = arith.mulf %get3A_364, %get3A_770 : vector<16xf32>
        %add3A_772 = arith.addf %add3A_762, %mul3A_771 : vector<16xf32>
        %swap3A_773 = arith.constant 0 : i32
        %swap3A_774 = arith.constant 0 : i32
        %swap3A_775 = arith.index_cast %swap3A_773 : i32 to index
        %swap3A_776 = arith.index_cast %swap3A_774 : i32 to index
        %swap3A_777 = arith.index_cast %scan3A_341 : i32 to index
        %swap3A_778 = arith.constant 160 : index
        %swap3A_779 = tpu.vector_load %arg7[%swap3A_775, %swap3A_776, %swap3A_777, %swap3A_778] {strides = array<i32>} : memref<2x3x32x256xf32, #tpu.memory_space<vmem>>, vector<1x1x1x16xf32>,
        %swap3A_780 = vector.shape_cast %swap3A_779 : vector<1x1x1x16xf32> to vector<16xf32>
        %swap3A_781 = vector.shape_cast %add3A_772 : vector<16xf32> to vector<1x1x1x16xf32>
        tpu.vector_store %arg7[%swap3A_775, %swap3A_776, %swap3A_777, %swap3A_778], %swap3A_781 {strides = array<i32>} : memref<2x3x32x256xf32, #tpu.memory_space<vmem>>, vector<1x1x1x16xf32>,
        %get3A_782 = arith.constant 0 : i32
        %get3A_783 = arith.constant 0 : i32
        %get3A_784 = arith.index_cast %get3A_782 : i32 to index
        %get3A_785 = arith.index_cast %get3A_783 : i32 to index
        %get3A_786 = arith.index_cast %scan3A_341 : i32 to index
        %get3A_787 = arith.constant 176 : index
        %get3A_788 = tpu.vector_load %arg7[%get3A_784, %get3A_785, %get3A_786, %get3A_787] {strides = array<i32>} : memref<2x3x32x256xf32, #tpu.memory_space<vmem>>, vector<1x1x1x16xf32>,
        %get3A_789 = vector.shape_cast %get3A_788 : vector<1x1x1x16xf32> to vector<16xf32>
        %mul3A_790 = arith.mulf %get3A_348, %get3A_789 : vector<16xf32>
        %get3A_791 = arith.constant 0 : i32
        %get3A_792 = arith.constant 1 : i32
        %get3A_793 = arith.index_cast %get3A_791 : i32 to index
        %get3A_794 = arith.index_cast %get3A_792 : i32 to index
        %get3A_795 = arith.index_cast %scan3A_341 : i32 to index
        %get3A_796 = arith.constant 176 : index
        %get3A_797 = tpu.vector_load %arg7[%get3A_793, %get3A_794, %get3A_795, %get3A_796] {strides = array<i32>} : memref<2x3x32x256xf32, #tpu.memory_space<vmem>>, vector<1x1x1x16xf32>,
        %get3A_798 = vector.shape_cast %get3A_797 : vector<1x1x1x16xf32> to vector<16xf32>
        %mul3A_799 = arith.mulf %get3A_356, %get3A_798 : vector<16xf32>
        %add3A_800 = arith.addf %mul3A_790, %mul3A_799 : vector<16xf32>
        %get3A_801 = arith.constant 0 : i32
        %get3A_802 = arith.constant 2 : i32
        %get3A_803 = arith.index_cast %get3A_801 : i32 to index
        %get3A_804 = arith.index_cast %get3A_802 : i32 to index
        %get3A_805 = arith.index_cast %scan3A_341 : i32 to index
        %get3A_806 = arith.constant 176 : index
        %get3A_807 = tpu.vector_load %arg7[%get3A_803, %get3A_804, %get3A_805, %get3A_806] {strides = array<i32>} : memref<2x3x32x256xf32, #tpu.memory_space<vmem>>, vector<1x1x1x16xf32>,
        %get3A_808 = vector.shape_cast %get3A_807 : vector<1x1x1x16xf32> to vector<16xf32>
        %mul3A_809 = arith.mulf %get3A_364, %get3A_808 : vector<16xf32>
        %add3A_810 = arith.addf %add3A_800, %mul3A_809 : vector<16xf32>
        %swap3A_811 = arith.constant 0 : i32
        %swap3A_812 = arith.constant 0 : i32
        %swap3A_813 = arith.index_cast %swap3A_811 : i32 to index
        %swap3A_814 = arith.index_cast %swap3A_812 : i32 to index
        %swap3A_815 = arith.index_cast %scan3A_341 : i32 to index
        %swap3A_816 = arith.constant 176 : index
        %swap3A_817 = tpu.vector_load %arg7[%swap3A_813, %swap3A_814, %swap3A_815, %swap3A_816] {strides = array<i32>} : memref<2x3x32x256xf32, #tpu.memory_space<vmem>>, vector<1x1x1x16xf32>,
        %swap3A_818 = vector.shape_cast %swap3A_817 : vector<1x1x1x16xf32> to vector<16xf32>
        %swap3A_819 = vector.shape_cast %add3A_810 : vector<16xf32> to vector<1x1x1x16xf32>
        tpu.vector_store %arg7[%swap3A_813, %swap3A_814, %swap3A_815, %swap3A_816], %swap3A_819 {strides = array<i32>} : memref<2x3x32x256xf32, #tpu.memory_space<vmem>>, vector<1x1x1x16xf32>,
        %get3A_820 = arith.constant 0 : i32
        %get3A_821 = arith.constant 0 : i32
        %get3A_822 = arith.index_cast %get3A_820 : i32 to index
        %get3A_823 = arith.index_cast %get3A_821 : i32 to index
        %get3A_824 = arith.index_cast %scan3A_341 : i32 to index
        %get3A_825 = arith.constant 192 : index
        %get3A_826 = tpu.vector_load %arg7[%get3A_822, %get3A_823, %get3A_824, %get3A_825] {strides = array<i32>} : memref<2x3x32x256xf32, #tpu.memory_space<vmem>>, vector<1x1x1x16xf32>,
        %get3A_827 = vector.shape_cast %get3A_826 : vector<1x1x1x16xf32> to vector<16xf32>
        %mul3A_828 = arith.mulf %get3A_348, %get3A_827 : vector<16xf32>
        %get3A_829 = arith.constant 0 : i32
        %get3A_830 = arith.constant 1 : i32
        %get3A_831 = arith.index_cast %get3A_829 : i32 to index
        %get3A_832 = arith.index_cast %get3A_830 : i32 to index
        %get3A_833 = arith.index_cast %scan3A_341 : i32 to index
        %get3A_834 = arith.constant 192 : index
        %get3A_835 = tpu.vector_load %arg7[%get3A_831, %get3A_832, %get3A_833, %get3A_834] {strides = array<i32>} : memref<2x3x32x256xf32, #tpu.memory_space<vmem>>, vector<1x1x1x16xf32>,
        %get3A_836 = vector.shape_cast %get3A_835 : vector<1x1x1x16xf32> to vector<16xf32>
        %mul3A_837 = arith.mulf %get3A_356, %get3A_836 : vector<16xf32>
        %add3A_838 = arith.addf %mul3A_828, %mul3A_837 : vector<16xf32>
        %get3A_839 = arith.constant 0 : i32
        %get3A_840 = arith.constant 2 : i32
        %get3A_841 = arith.index_cast %get3A_839 : i32 to index
        %get3A_842 = arith.index_cast %get3A_840 : i32 to index
        %get3A_843 = arith.index_cast %scan3A_341 : i32 to index
        %get3A_844 = arith.constant 192 : index
        %get3A_845 = tpu.vector_load %arg7[%get3A_841, %get3A_842, %get3A_843, %get3A_844] {strides = array<i32>} : memref<2x3x32x256xf32, #tpu.memory_space<vmem>>, vector<1x1x1x16xf32>,
        %get3A_846 = vector.shape_cast %get3A_845 : vector<1x1x1x16xf32> to vector<16xf32>
        %mul3A_847 = arith.mulf %get3A_364, %get3A_846 : vector<16xf32>
        %add3A_848 = arith.addf %add3A_838, %mul3A_847 : vector<16xf32>
        %swap3A_849 = arith.constant 0 : i32
        %swap3A_850 = arith.constant 0 : i32
        %swap3A_851 = arith.index_cast %swap3A_849 : i32 to index
        %swap3A_852 = arith.index_cast %swap3A_850 : i32 to index
        %swap3A_853 = arith.index_cast %scan3A_341 : i32 to index
        %swap3A_854 = arith.constant 192 : index
        %swap3A_855 = tpu.vector_load %arg7[%swap3A_851, %swap3A_852, %swap3A_853, %swap3A_854] {strides = array<i32>} : memref<2x3x32x256xf32, #tpu.memory_space<vmem>>, vector<1x1x1x16xf32>,
        %swap3A_856 = vector.shape_cast %swap3A_855 : vector<1x1x1x16xf32> to vector<16xf32>
        %swap3A_857 = vector.shape_cast %add3A_848 : vector<16xf32> to vector<1x1x1x16xf32>
        tpu.vector_store %arg7[%swap3A_851, %swap3A_852, %swap3A_853, %swap3A_854], %swap3A_857 {strides = array<i32>} : memref<2x3x32x256xf32, #tpu.memory_space<vmem>>, vector<1x1x1x16xf32>,
        %get3A_858 = arith.constant 0 : i32
        %get3A_859 = arith.constant 0 : i32
        %get3A_860 = arith.index_cast %get3A_858 : i32 to index
        %get3A_861 = arith.index_cast %get3A_859 : i32 to index
        %get3A_862 = arith.index_cast %scan3A_341 : i32 to index
        %get3A_863 = arith.constant 208 : index
        %get3A_864 = tpu.vector_load %arg7[%get3A_860, %get3A_861, %get3A_862, %get3A_863] {strides = array<i32>} : memref<2x3x32x256xf32, #tpu.memory_space<vmem>>, vector<1x1x1x16xf32>,
        %get3A_865 = vector.shape_cast %get3A_864 : vector<1x1x1x16xf32> to vector<16xf32>
        %mul3A_866 = arith.mulf %get3A_348, %get3A_865 : vector<16xf32>
        %get3A_867 = arith.constant 0 : i32
        %get3A_868 = arith.constant 1 : i32
        %get3A_869 = arith.index_cast %get3A_867 : i32 to index
        %get3A_870 = arith.index_cast %get3A_868 : i32 to index
        %get3A_871 = arith.index_cast %scan3A_341 : i32 to index
        %get3A_872 = arith.constant 208 : index
        %get3A_873 = tpu.vector_load %arg7[%get3A_869, %get3A_870, %get3A_871, %get3A_872] {strides = array<i32>} : memref<2x3x32x256xf32, #tpu.memory_space<vmem>>, vector<1x1x1x16xf32>,
        %get3A_874 = vector.shape_cast %get3A_873 : vector<1x1x1x16xf32> to vector<16xf32>
        %mul3A_875 = arith.mulf %get3A_356, %get3A_874 : vector<16xf32>
        %add3A_876 = arith.addf %mul3A_866, %mul3A_875 : vector<16xf32>
        %get3A_877 = arith.constant 0 : i32
        %get3A_878 = arith.constant 2 : i32
        %get3A_879 = arith.index_cast %get3A_877 : i32 to index
        %get3A_880 = arith.index_cast %get3A_878 : i32 to index
        %get3A_881 = arith.index_cast %scan3A_341 : i32 to index
        %get3A_882 = arith.constant 208 : index
        %get3A_883 = tpu.vector_load %arg7[%get3A_879, %get3A_880, %get3A_881, %get3A_882] {strides = array<i32>} : memref<2x3x32x256xf32, #tpu.memory_space<vmem>>, vector<1x1x1x16xf32>,
        %get3A_884 = vector.shape_cast %get3A_883 : vector<1x1x1x16xf32> to vector<16xf32>
        %mul3A_885 = arith.mulf %get3A_364, %get3A_884 : vector<16xf32>
        %add3A_886 = arith.addf %add3A_876, %mul3A_885 : vector<16xf32>
        %swap3A_887 = arith.constant 0 : i32
        %swap3A_888 = arith.constant 0 : i32
        %swap3A_889 = arith.index_cast %swap3A_887 : i32 to index
        %swap3A_890 = arith.index_cast %swap3A_888 : i32 to index
        %swap3A_891 = arith.index_cast %scan3A_341 : i32 to index
        %swap3A_892 = arith.constant 208 : index
        %swap3A_893 = tpu.vector_load %arg7[%swap3A_889, %swap3A_890, %swap3A_891, %swap3A_892] {strides = array<i32>} : memref<2x3x32x256xf32, #tpu.memory_space<vmem>>, vector<1x1x1x16xf32>,
        %swap3A_894 = vector.shape_cast %swap3A_893 : vector<1x1x1x16xf32> to vector<16xf32>
        %swap3A_895 = vector.shape_cast %add3A_886 : vector<16xf32> to vector<1x1x1x16xf32>
        tpu.vector_store %arg7[%swap3A_889, %swap3A_890, %swap3A_891, %swap3A_892], %swap3A_895 {strides = array<i32>} : memref<2x3x32x256xf32, #tpu.memory_space<vmem>>, vector<1x1x1x16xf32>,
        %get3A_896 = arith.constant 0 : i32
        %get3A_897 = arith.constant 0 : i32
        %get3A_898 = arith.index_cast %get3A_896 : i32 to index
        %get3A_899 = arith.index_cast %get3A_897 : i32 to index
        %get3A_900 = arith.index_cast %scan3A_341 : i32 to index
        %get3A_901 = arith.constant 224 : index
        %get3A_902 = tpu.vector_load %arg7[%get3A_898, %get3A_899, %get3A_900, %get3A_901] {strides = array<i32>} : memref<2x3x32x256xf32, #tpu.memory_space<vmem>>, vector<1x1x1x16xf32>,
        %get3A_903 = vector.shape_cast %get3A_902 : vector<1x1x1x16xf32> to vector<16xf32>
        %mul3A_904 = arith.mulf %get3A_348, %get3A_903 : vector<16xf32>
        %get3A_905 = arith.constant 0 : i32
        %get3A_906 = arith.constant 1 : i32
        %get3A_907 = arith.index_cast %get3A_905 : i32 to index
        %get3A_908 = arith.index_cast %get3A_906 : i32 to index
        %get3A_909 = arith.index_cast %scan3A_341 : i32 to index
        %get3A_910 = arith.constant 224 : index
        %get3A_911 = tpu.vector_load %arg7[%get3A_907, %get3A_908, %get3A_909, %get3A_910] {strides = array<i32>} : memref<2x3x32x256xf32, #tpu.memory_space<vmem>>, vector<1x1x1x16xf32>,
        %get3A_912 = vector.shape_cast %get3A_911 : vector<1x1x1x16xf32> to vector<16xf32>
        %mul3A_913 = arith.mulf %get3A_356, %get3A_912 : vector<16xf32>
        %add3A_914 = arith.addf %mul3A_904, %mul3A_913 : vector<16xf32>
        %get3A_915 = arith.constant 0 : i32
        %get3A_916 = arith.constant 2 : i32
        %get3A_917 = arith.index_cast %get3A_915 : i32 to index
        %get3A_918 = arith.index_cast %get3A_916 : i32 to index
        %get3A_919 = arith.index_cast %scan3A_341 : i32 to index
        %get3A_920 = arith.constant 224 : index
        %get3A_921 = tpu.vector_load %arg7[%get3A_917, %get3A_918, %get3A_919, %get3A_920] {strides = array<i32>} : memref<2x3x32x256xf32, #tpu.memory_space<vmem>>, vector<1x1x1x16xf32>,
        %get3A_922 = vector.shape_cast %get3A_921 : vector<1x1x1x16xf32> to vector<16xf32>
        %mul3A_923 = arith.mulf %get3A_364, %get3A_922 : vector<16xf32>
        %add3A_924 = arith.addf %add3A_914, %mul3A_923 : vector<16xf32>
        %swap3A_925 = arith.constant 0 : i32
        %swap3A_926 = arith.constant 0 : i32
        %swap3A_927 = arith.index_cast %swap3A_925 : i32 to index
        %swap3A_928 = arith.index_cast %swap3A_926 : i32 to index
        %swap3A_929 = arith.index_cast %scan3A_341 : i32 to index
        %swap3A_930 = arith.constant 224 : index
        %swap3A_931 = tpu.vector_load %arg7[%swap3A_927, %swap3A_928, %swap3A_929, %swap3A_930] {strides = array<i32>} : memref<2x3x32x256xf32, #tpu.memory_space<vmem>>, vector<1x1x1x16xf32>,
        %swap3A_932 = vector.shape_cast %swap3A_931 : vector<1x1x1x16xf32> to vector<16xf32>
        %swap3A_933 = vector.shape_cast %add3A_924 : vector<16xf32> to vector<1x1x1x16xf32>
        tpu.vector_store %arg7[%swap3A_927, %swap3A_928, %swap3A_929, %swap3A_930], %swap3A_933 {strides = array<i32>} : memref<2x3x32x256xf32, #tpu.memory_space<vmem>>, vector<1x1x1x16xf32>,
        %get3A_934 = arith.constant 0 : i32
        %get3A_935 = arith.constant 0 : i32
        %get3A_936 = arith.index_cast %get3A_934 : i32 to index
        %get3A_937 = arith.index_cast %get3A_935 : i32 to index
        %get3A_938 = arith.index_cast %scan3A_341 : i32 to index
        %get3A_939 = arith.constant 240 : index
        %get3A_940 = tpu.vector_load %arg7[%get3A_936, %get3A_937, %get3A_938, %get3A_939] {strides = array<i32>} : memref<2x3x32x256xf32, #tpu.memory_space<vmem>>, vector<1x1x1x16xf32>,
        %get3A_941 = vector.shape_cast %get3A_940 : vector<1x1x1x16xf32> to vector<16xf32>
        %mul3A_942 = arith.mulf %get3A_348, %get3A_941 : vector<16xf32>
        %get3A_943 = arith.constant 0 : i32
        %get3A_944 = arith.constant 1 : i32
        %get3A_945 = arith.index_cast %get3A_943 : i32 to index
        %get3A_946 = arith.index_cast %get3A_944 : i32 to index
        %get3A_947 = arith.index_cast %scan3A_341 : i32 to index
        %get3A_948 = arith.constant 240 : index
        %get3A_949 = tpu.vector_load %arg7[%get3A_945, %get3A_946, %get3A_947, %get3A_948] {strides = array<i32>} : memref<2x3x32x256xf32, #tpu.memory_space<vmem>>, vector<1x1x1x16xf32>,
        %get3A_950 = vector.shape_cast %get3A_949 : vector<1x1x1x16xf32> to vector<16xf32>
        %mul3A_951 = arith.mulf %get3A_356, %get3A_950 : vector<16xf32>
        %add3A_952 = arith.addf %mul3A_942, %mul3A_951 : vector<16xf32>
        %get3A_953 = arith.constant 0 : i32
        %get3A_954 = arith.constant 2 : i32
        %get3A_955 = arith.index_cast %get3A_953 : i32 to index
        %get3A_956 = arith.index_cast %get3A_954 : i32 to index
        %get3A_957 = arith.index_cast %scan3A_341 : i32 to index
        %get3A_958 = arith.constant 240 : index
        %get3A_959 = tpu.vector_load %arg7[%get3A_955, %get3A_956, %get3A_957, %get3A_958] {strides = array<i32>} : memref<2x3x32x256xf32, #tpu.memory_space<vmem>>, vector<1x1x1x16xf32>,
        %get3A_960 = vector.shape_cast %get3A_959 : vector<1x1x1x16xf32> to vector<16xf32>
        %mul3A_961 = arith.mulf %get3A_364, %get3A_960 : vector<16xf32>
        %add3A_962 = arith.addf %add3A_952, %mul3A_961 : vector<16xf32>
        %swap3A_963 = arith.constant 0 : i32
        %swap3A_964 = arith.constant 0 : i32
        %swap3A_965 = arith.index_cast %swap3A_963 : i32 to index
        %swap3A_966 = arith.index_cast %swap3A_964 : i32 to index
        %swap3A_967 = arith.index_cast %scan3A_341 : i32 to index
        %swap3A_968 = arith.constant 240 : index
        %swap3A_969 = tpu.vector_load %arg7[%swap3A_965, %swap3A_966, %swap3A_967, %swap3A_968] {strides = array<i32>} : memref<2x3x32x256xf32, #tpu.memory_space<vmem>>, vector<1x1x1x16xf32>,
        %swap3A_970 = vector.shape_cast %swap3A_969 : vector<1x1x1x16xf32> to vector<16xf32>
        %swap3A_971 = vector.shape_cast %add3A_962 : vector<16xf32> to vector<1x1x1x16xf32>
        tpu.vector_store %arg7[%swap3A_965, %swap3A_966, %swap3A_967, %swap3A_968], %swap3A_971 {strides = array<i32>} : memref<2x3x32x256xf32, #tpu.memory_space<vmem>>, vector<1x1x1x16xf32>,
      }
      %scan3A_227 = arith.constant 32 : i32
      %mul3A_228 = arith.constant 32 : i32
      %mul3A_229 = arith.muli %mul3A_94, %mul3A_228 : i32
      %add3A_230 = arith.addi %mul3A_2, %mul3A_229 : i32
      %dma_start3A_231 = arith.constant 0 : i32
      %dma_start3A_232 = arith.constant 0 : i32
      %dma_start3A_233 = arith.constant 0 : i32
      %dma_start3A_234 = arith.constant 0 : i32
      %dma_start3A_235 = tpu.memref_slice %arg7[%dma_start3A_231, %dma_start3A_232, %dma_start3A_233, %dma_start3A_234] : memref<2x3x32x256xf32, #tpu.memory_space<vmem>> -> memref<1x1x32x256xf32, #tpu.memory_space<vmem>>
      %dma_start3A_236 = tpu.memref_squeeze %dma_start3A_235 : memref<1x1x32x256xf32, #tpu.memory_space<vmem>> -> memref<32x256xf32, #tpu.memory_space<vmem>>
      %dma_start3A_237 = arith.constant 0 : i32
      %dma_start3A_238 = tpu.memref_slice %arg5[%add3A_230, %dma_start3A_237] : memref<65536x256xf32, #tpu.memory_space<hbm>> -> memref<32x256xf32, #tpu.memory_space<hbm>>
      %dma_start3A_239 = arith.constant 0 : i32
      %dma_start3A_240 = tpu.memref_slice %arg5[%add3A_230, %dma_start3A_239] : memref<65536x256xf32, #tpu.memory_space<hbm>> -> memref<32x256xf32, #tpu.memory_space<hbm>>
      %dma_start3A_241 = arith.constant 0 : i32
      %dma_start3A_242 = arith.constant 0 : i32
      %dma_start3A_243 = tpu.memref_slice %arg7[%dma_start3A_231, %dma_start3A_232, %dma_start3A_241, %dma_start3A_242] : memref<2x3x32x256xf32, #tpu.memory_space<vmem>> -> memref<1x1x32x256xf32, #tpu.memory_space<vmem>>
      %dma_start3A_244 = tpu.memref_squeeze %dma_start3A_243 : memref<1x1x32x256xf32, #tpu.memory_space<vmem>> -> memref<32x256xf32, #tpu.memory_space<vmem>>
      tpu.enqueue_dma source(%dma_start3A_244 : memref<32x256xf32, #tpu.memory_space<vmem>>) target(%dma_start3A_240 : memref<32x256xf32, #tpu.memory_space<hbm>>) target_semaphore(%arg11 : memref<!tpu.dma_semaphore, #tpu.memory_space<semaphore_mem>>)
      %lt3A = arith.constant 31 : i32
      %lt3A_245 = arith.cmpi slt, %scan3A_92, %lt3A : i32
      %convert_element_type3A_246 = arith.extui %lt3A_245 : i1 to i32
      %cond3A_247 = arith.constant 0 : i32
      %cond3A_248 = arith.cmpi ne, %convert_element_type3A_246, %cond3A_247 : i32
      scf.if %cond3A_248 {
        %dma_wait3A_341 = arith.constant 0 : i32
        %dma_wait3A_342 = arith.constant 0 : i32
        %dma_wait3A_343 = arith.constant 0 : i32
        %dma_wait3A_344 = arith.constant 0 : i32
        %dma_wait3A_345 = tpu.memref_slice %arg7[%dma_wait3A_341, %dma_wait3A_342, %dma_wait3A_343, %dma_wait3A_344] : memref<2x3x32x256xf32, #tpu.memory_space<vmem>> -> memref<1x1x32x256xf32, #tpu.memory_space<vmem>>
        %dma_wait3A_346 = tpu.memref_squeeze %dma_wait3A_345 : memref<1x1x32x256xf32, #tpu.memory_space<vmem>> -> memref<32x256xf32, #tpu.memory_space<vmem>>
        %dma_wait3A_347 = arith.constant 0 : i32
        %dma_wait3A_348 = tpu.memref_slice %arg5[%mul3A_2, %dma_wait3A_347] : memref<65536x256xf32, #tpu.memory_space<hbm>> -> memref<32x256xf32, #tpu.memory_space<hbm>>
        %dma_wait3A_349 = arith.constant 0 : i32
        %dma_wait3A_350 = tpu.memref_slice %arg5[%mul3A_2, %dma_wait3A_349] : memref<65536x256xf32, #tpu.memory_space<hbm>> -> memref<32x256xf32, #tpu.memory_space<hbm>>
        %dma_wait3A_351 = arith.constant 0 : i32
        %dma_wait3A_352 = arith.constant 0 : i32
        %dma_wait3A_353 = tpu.memref_slice %arg7[%dma_wait3A_341, %dma_wait3A_342, %dma_wait3A_351, %dma_wait3A_352] : memref<2x3x32x256xf32, #tpu.memory_space<vmem>> -> memref<1x1x32x256xf32, #tpu.memory_space<vmem>>
        %dma_wait3A_354 = tpu.memref_squeeze %dma_wait3A_353 : memref<1x1x32x256xf32, #tpu.memory_space<vmem>> -> memref<32x256xf32, #tpu.memory_space<vmem>>
        tpu.wait_dma2 semaphore(%arg11 : memref<!tpu.dma_semaphore, #tpu.memory_space<semaphore_mem>>) src(%dma_wait3A_354 : memref<32x256xf32, #tpu.memory_space<vmem>>) dst(%dma_wait3A_350 : memref<32x256xf32, #tpu.memory_space<hbm>>)
        %add3A_355 = arith.constant 2 : i32
        %add3A_356 = arith.addi %mul3A_94, %add3A_355 : i32
        %mul3A_357 = arith.constant 32 : i32
        %mul3A_358 = arith.muli %add3A_356, %mul3A_357 : i32
        %dma_start3A_359 = arith.constant 0 : i32
        %dma_start3A_360 = arith.constant 0 : i32
        %dma_start3A_361 = arith.constant 0 : i32
        %dma_start3A_362 = arith.constant 0 : i32
        %dma_start3A_363 = arith.constant 0 : i32
        %dma_start3A_364 = tpu.memref_slice %arg7[%dma_start3A_360, %dma_start3A_361, %dma_start3A_362, %dma_start3A_363] : memref<2x3x32x256xf32, #tpu.memory_space<vmem>> -> memref<1x1x32x256xf32, #tpu.memory_space<vmem>>
        %dma_start3A_365 = tpu.memref_squeeze %dma_start3A_364 : memref<1x1x32x256xf32, #tpu.memory_space<vmem>> -> memref<32x256xf32, #tpu.memory_space<vmem>>
        %dma_start3A_366 = tpu.memref_slice %arg6[%dma_start3A_359, %mul3A_358] : memref<3x2048xi32, #tpu.memory_space<vmem>> -> memref<1x32xi32, #tpu.memory_space<vmem>>
        %dma_start3A_367 = tpu.memref_squeeze %dma_start3A_366 : memref<1x32xi32, #tpu.memory_space<vmem>> -> memref<32xi32, #tpu.memory_space<vmem>>
        %dma_start3A_368 = arith.constant 0 : i32
        %dma_start3A_369 = arith.constant 0 : i32
        %dma_start3A_370 = tpu.memref_slice %arg4[%dma_start3A_368, %dma_start3A_369] : memref<16384x256xf32, #tpu.memory_space<hbm>> -> memref<16384x256xf32, #tpu.memory_space<hbm>>
        tpu.enqueue_indirect_dma source(%dma_start3A_370 : memref<16384x256xf32, #tpu.memory_space<hbm>>) target(%dma_start3A_365 : memref<32x256xf32, #tpu.memory_space<vmem>>) offsets(%dma_start3A_367 : memref<32xi32, #tpu.memory_space<vmem>>) semaphore(%arg9 : memref<!tpu.dma_semaphore, #tpu.memory_space<semaphore_mem>>)
        %dma_start3A_371 = arith.constant 1 : i32
        %dma_start3A_372 = arith.constant 0 : i32
        %dma_start3A_373 = arith.constant 1 : i32
        %dma_start3A_374 = arith.constant 0 : i32
        %dma_start3A_375 = arith.constant 0 : i32
        %dma_start3A_376 = tpu.memref_slice %arg7[%dma_start3A_372, %dma_start3A_373, %dma_start3A_374, %dma_start3A_375] : memref<2x3x32x256xf32, #tpu.memory_space<vmem>> -> memref<1x1x32x256xf32, #tpu.memory_space<vmem>>
        %dma_start3A_377 = tpu.memref_squeeze %dma_start3A_376 : memref<1x1x32x256xf32, #tpu.memory_space<vmem>> -> memref<32x256xf32, #tpu.memory_space<vmem>>
        %dma_start3A_378 = tpu.memref_slice %arg6[%dma_start3A_371, %mul3A_358] : memref<3x2048xi32, #tpu.memory_space<vmem>> -> memref<1x32xi32, #tpu.memory_space<vmem>>
        %dma_start3A_379 = tpu.memref_squeeze %dma_start3A_378 : memref<1x32xi32, #tpu.memory_space<vmem>> -> memref<32xi32, #tpu.memory_space<vmem>>
        %dma_start3A_380 = arith.constant 0 : i32
        %dma_start3A_381 = arith.constant 0 : i32
        %dma_start3A_382 = tpu.memref_slice %arg4[%dma_start3A_380, %dma_start3A_381] : memref<16384x256xf32, #tpu.memory_space<hbm>> -> memref<16384x256xf32, #tpu.memory_space<hbm>>
        tpu.enqueue_indirect_dma source(%dma_start3A_382 : memref<16384x256xf32, #tpu.memory_space<hbm>>) target(%dma_start3A_377 : memref<32x256xf32, #tpu.memory_space<vmem>>) offsets(%dma_start3A_379 : memref<32xi32, #tpu.memory_space<vmem>>) semaphore(%arg9 : memref<!tpu.dma_semaphore, #tpu.memory_space<semaphore_mem>>)
        %dma_start3A_383 = arith.constant 2 : i32
        %dma_start3A_384 = arith.constant 0 : i32
        %dma_start3A_385 = arith.constant 2 : i32
        %dma_start3A_386 = arith.constant 0 : i32
        %dma_start3A_387 = arith.constant 0 : i32
        %dma_start3A_388 = tpu.memref_slice %arg7[%dma_start3A_384, %dma_start3A_385, %dma_start3A_386, %dma_start3A_387] : memref<2x3x32x256xf32, #tpu.memory_space<vmem>> -> memref<1x1x32x256xf32, #tpu.memory_space<vmem>>
        %dma_start3A_389 = tpu.memref_squeeze %dma_start3A_388 : memref<1x1x32x256xf32, #tpu.memory_space<vmem>> -> memref<32x256xf32, #tpu.memory_space<vmem>>
        %dma_start3A_390 = tpu.memref_slice %arg6[%dma_start3A_383, %mul3A_358] : memref<3x2048xi32, #tpu.memory_space<vmem>> -> memref<1x32xi32, #tpu.memory_space<vmem>>
        %dma_start3A_391 = tpu.memref_squeeze %dma_start3A_390 : memref<1x32xi32, #tpu.memory_space<vmem>> -> memref<32xi32, #tpu.memory_space<vmem>>
        %dma_start3A_392 = arith.constant 0 : i32
        %dma_start3A_393 = arith.constant 0 : i32
        %dma_start3A_394 = tpu.memref_slice %arg4[%dma_start3A_392, %dma_start3A_393] : memref<16384x256xf32, #tpu.memory_space<hbm>> -> memref<16384x256xf32, #tpu.memory_space<hbm>>
        tpu.enqueue_indirect_dma source(%dma_start3A_394 : memref<16384x256xf32, #tpu.memory_space<hbm>>) target(%dma_start3A_389 : memref<32x256xf32, #tpu.memory_space<vmem>>) offsets(%dma_start3A_391 : memref<32xi32, #tpu.memory_space<vmem>>) semaphore(%arg9 : memref<!tpu.dma_semaphore, #tpu.memory_space<semaphore_mem>>)
        %add3A_395 = arith.addi %mul3A_2, %mul3A_358 : i32
        %dma_start3A_396 = arith.constant 0 : i32
        %dma_start3A_397 = arith.constant 0 : i32
        %dma_start3A_398 = arith.constant 0 : i32
        %dma_start3A_399 = arith.constant 0 : i32
        %dma_start3A_400 = tpu.memref_slice %arg8[%dma_start3A_396, %dma_start3A_397, %dma_start3A_398, %dma_start3A_399] : memref<2x3x32x16xf32, #tpu.memory_space<vmem>> -> memref<1x3x32x16xf32, #tpu.memory_space<vmem>>
        %dma_start3A_401 = tpu.memref_squeeze %dma_start3A_400 : memref<1x3x32x16xf32, #tpu.memory_space<vmem>> -> memref<3x32x16xf32, #tpu.memory_space<vmem>>
        %dma_start3A_402 = arith.constant 0 : i32
        %dma_start3A_403 = arith.constant 0 : i32
        %dma_start3A_404 = tpu.memref_slice %arg3[%dma_start3A_402, %add3A_395, %dma_start3A_403] : memref<3x65536x16xf32, #tpu.memory_space<hbm>> -> memref<3x32x16xf32, #tpu.memory_space<hbm>>
        %dma_start3A_405 = arith.constant 0 : i32
        %dma_start3A_406 = arith.constant 0 : i32
        %dma_start3A_407 = arith.constant 0 : i32
        %dma_start3A_408 = tpu.memref_slice %arg8[%dma_start3A_396, %dma_start3A_405, %dma_start3A_406, %dma_start3A_407] : memref<2x3x32x16xf32, #tpu.memory_space<vmem>> -> memref<1x3x32x16xf32, #tpu.memory_space<vmem>>
        %dma_start3A_409 = tpu.memref_squeeze %dma_start3A_408 : memref<1x3x32x16xf32, #tpu.memory_space<vmem>> -> memref<3x32x16xf32, #tpu.memory_space<vmem>>
        %dma_start3A_410 = arith.constant 0 : i32
        %dma_start3A_411 = arith.constant 0 : i32
        %dma_start3A_412 = tpu.memref_slice %arg3[%dma_start3A_410, %add3A_395, %dma_start3A_411] : memref<3x65536x16xf32, #tpu.memory_space<hbm>> -> memref<3x32x16xf32, #tpu.memory_space<hbm>>
        tpu.enqueue_dma source(%dma_start3A_412 : memref<3x32x16xf32, #tpu.memory_space<hbm>>) target(%dma_start3A_409 : memref<3x32x16xf32, #tpu.memory_space<vmem>>) target_semaphore(%arg9 : memref<!tpu.dma_semaphore, #tpu.memory_space<semaphore_mem>>)
      } else {
      }
      %dma_wait3A_249 = arith.constant 1 : i32
      %dma_wait3A_250 = arith.constant 0 : i32
      %dma_wait3A_251 = arith.constant 0 : i32
      %dma_wait3A_252 = arith.constant 0 : i32
      %dma_wait3A_253 = tpu.memref_slice %arg7[%dma_wait3A_249, %dma_wait3A_250, %dma_wait3A_251, %dma_wait3A_252] : memref<2x3x32x256xf32, #tpu.memory_space<vmem>> -> memref<1x1x32x256xf32, #tpu.memory_space<vmem>>
      %dma_wait3A_254 = tpu.memref_squeeze %dma_wait3A_253 : memref<1x1x32x256xf32, #tpu.memory_space<vmem>> -> memref<32x256xf32, #tpu.memory_space<vmem>>
      %dma_wait3A_255 = arith.constant 0 : i32
      %dma_wait3A_256 = arith.constant 0 : i32
      %dma_wait3A_257 = tpu.memref_slice %arg4[%dma_wait3A_255, %dma_wait3A_256] : memref<16384x256xf32, #tpu.memory_space<hbm>> -> memref<32x256xf32, #tpu.memory_space<hbm>>
      %dma_wait3A_258 = arith.constant 0 : i32
      %dma_wait3A_259 = arith.constant 0 : i32
      %dma_wait3A_260 = tpu.memref_slice %arg7[%dma_wait3A_249, %dma_wait3A_250, %dma_wait3A_258, %dma_wait3A_259] : memref<2x3x32x256xf32, #tpu.memory_space<vmem>> -> memref<1x1x32x256xf32, #tpu.memory_space<vmem>>
      %dma_wait3A_261 = tpu.memref_squeeze %dma_wait3A_260 : memref<1x1x32x256xf32, #tpu.memory_space<vmem>> -> memref<32x256xf32, #tpu.memory_space<vmem>>
      %dma_wait3A_262 = arith.constant 0 : i32
      %dma_wait3A_263 = arith.constant 0 : i32
      %dma_wait3A_264 = tpu.memref_slice %arg4[%dma_wait3A_262, %dma_wait3A_263] : memref<16384x256xf32, #tpu.memory_space<hbm>> -> memref<32x256xf32, #tpu.memory_space<hbm>>
      tpu.wait_dma2 semaphore(%arg10 : memref<!tpu.dma_semaphore, #tpu.memory_space<semaphore_mem>>) src(%dma_wait3A_264 : memref<32x256xf32, #tpu.memory_space<hbm>>) dst(%dma_wait3A_261 : memref<32x256xf32, #tpu.memory_space<vmem>>)
      %dma_wait3A_265 = arith.constant 1 : i32
      %dma_wait3A_266 = arith.constant 1 : i32
      %dma_wait3A_267 = arith.constant 0 : i32
      %dma_wait3A_268 = arith.constant 0 : i32
      %dma_wait3A_269 = tpu.memref_slice %arg7[%dma_wait3A_265, %dma_wait3A_266, %dma_wait3A_267, %dma_wait3A_268] : memref<2x3x32x256xf32, #tpu.memory_space<vmem>> -> memref<1x1x32x256xf32, #tpu.memory_space<vmem>>
      %dma_wait3A_270 = tpu.memref_squeeze %dma_wait3A_269 : memref<1x1x32x256xf32, #tpu.memory_space<vmem>> -> memref<32x256xf32, #tpu.memory_space<vmem>>
      %dma_wait3A_271 = arith.constant 0 : i32
      %dma_wait3A_272 = arith.constant 0 : i32
      %dma_wait3A_273 = tpu.memref_slice %arg4[%dma_wait3A_271, %dma_wait3A_272] : memref<16384x256xf32, #tpu.memory_space<hbm>> -> memref<32x256xf32, #tpu.memory_space<hbm>>
      %dma_wait3A_274 = arith.constant 0 : i32
      %dma_wait3A_275 = arith.constant 0 : i32
      %dma_wait3A_276 = tpu.memref_slice %arg7[%dma_wait3A_265, %dma_wait3A_266, %dma_wait3A_274, %dma_wait3A_275] : memref<2x3x32x256xf32, #tpu.memory_space<vmem>> -> memref<1x1x32x256xf32, #tpu.memory_space<vmem>>
      %dma_wait3A_277 = tpu.memref_squeeze %dma_wait3A_276 : memref<1x1x32x256xf32, #tpu.memory_space<vmem>> -> memref<32x256xf32, #tpu.memory_space<vmem>>
      %dma_wait3A_278 = arith.constant 0 : i32
      %dma_wait3A_279 = arith.constant 0 : i32
      %dma_wait3A_280 = tpu.memref_slice %arg4[%dma_wait3A_278, %dma_wait3A_279] : memref<16384x256xf32, #tpu.memory_space<hbm>> -> memref<32x256xf32, #tpu.memory_space<hbm>>
      tpu.wait_dma2 semaphore(%arg10 : memref<!tpu.dma_semaphore, #tpu.memory_space<semaphore_mem>>) src(%dma_wait3A_280 : memref<32x256xf32, #tpu.memory_space<hbm>>) dst(%dma_wait3A_277 : memref<32x256xf32, #tpu.memory_space<vmem>>)
      %dma_wait3A_281 = arith.constant 1 : i32
      %dma_wait3A_282 = arith.constant 2 : i32
      %dma_wait3A_283 = arith.constant 0 : i32
      %dma_wait3A_284 = arith.constant 0 : i32
      %dma_wait3A_285 = tpu.memref_slice %arg7[%dma_wait3A_281, %dma_wait3A_282, %dma_wait3A_283, %dma_wait3A_284] : memref<2x3x32x256xf32, #tpu.memory_space<vmem>> -> memref<1x1x32x256xf32, #tpu.memory_space<vmem>>
      %dma_wait3A_286 = tpu.memref_squeeze %dma_wait3A_285 : memref<1x1x32x256xf32, #tpu.memory_space<vmem>> -> memref<32x256xf32, #tpu.memory_space<vmem>>
      %dma_wait3A_287 = arith.constant 0 : i32
      %dma_wait3A_288 = arith.constant 0 : i32
      %dma_wait3A_289 = tpu.memref_slice %arg4[%dma_wait3A_287, %dma_wait3A_288] : memref<16384x256xf32, #tpu.memory_space<hbm>> -> memref<32x256xf32, #tpu.memory_space<hbm>>
      %dma_wait3A_290 = arith.constant 0 : i32
      %dma_wait3A_291 = arith.constant 0 : i32
      %dma_wait3A_292 = tpu.memref_slice %arg7[%dma_wait3A_281, %dma_wait3A_282, %dma_wait3A_290, %dma_wait3A_291] : memref<2x3x32x256xf32, #tpu.memory_space<vmem>> -> memref<1x1x32x256xf32, #tpu.memory_space<vmem>>
      %dma_wait3A_293 = tpu.memref_squeeze %dma_wait3A_292 : memref<1x1x32x256xf32, #tpu.memory_space<vmem>> -> memref<32x256xf32, #tpu.memory_space<vmem>>
      %dma_wait3A_294 = arith.constant 0 : i32
      %dma_wait3A_295 = arith.constant 0 : i32
      %dma_wait3A_296 = tpu.memref_slice %arg4[%dma_wait3A_294, %dma_wait3A_295] : memref<16384x256xf32, #tpu.memory_space<hbm>> -> memref<32x256xf32, #tpu.memory_space<hbm>>
      tpu.wait_dma2 semaphore(%arg10 : memref<!tpu.dma_semaphore, #tpu.memory_space<semaphore_mem>>) src(%dma_wait3A_296 : memref<32x256xf32, #tpu.memory_space<hbm>>) dst(%dma_wait3A_293 : memref<32x256xf32, #tpu.memory_space<vmem>>)
      %dma_wait3A_297 = arith.constant 1 : i32
      %dma_wait3A_298 = arith.constant 0 : i32
      %dma_wait3A_299 = arith.constant 0 : i32
      %dma_wait3A_300 = arith.constant 0 : i32
      %dma_wait3A_301 = tpu.memref_slice %arg8[%dma_wait3A_297, %dma_wait3A_298, %dma_wait3A_299, %dma_wait3A_300] : memref<2x3x32x16xf32, #tpu.memory_space<vmem>> -> memref<1x3x32x16xf32, #tpu.memory_space<vmem>>
      %dma_wait3A_302 = tpu.memref_squeeze %dma_wait3A_301 : memref<1x3x32x16xf32, #tpu.memory_space<vmem>> -> memref<3x32x16xf32, #tpu.memory_space<vmem>>
      %dma_wait3A_303 = arith.constant 0 : i32
      %dma_wait3A_304 = arith.constant 0 : i32
      %dma_wait3A_305 = arith.constant 0 : i32
      %dma_wait3A_306 = tpu.memref_slice %arg3[%dma_wait3A_303, %dma_wait3A_304, %dma_wait3A_305] : memref<3x65536x16xf32, #tpu.memory_space<hbm>> -> memref<3x32x16xf32, #tpu.memory_space<hbm>>
      %dma_wait3A_307 = arith.constant 0 : i32
      %dma_wait3A_308 = arith.constant 0 : i32
      %dma_wait3A_309 = arith.constant 0 : i32
      %dma_wait3A_310 = tpu.memref_slice %arg8[%dma_wait3A_297, %dma_wait3A_307, %dma_wait3A_308, %dma_wait3A_309] : memref<2x3x32x16xf32, #tpu.memory_space<vmem>> -> memref<1x3x32x16xf32, #tpu.memory_space<vmem>>
      %dma_wait3A_311 = tpu.memref_squeeze %dma_wait3A_310 : memref<1x3x32x16xf32, #tpu.memory_space<vmem>> -> memref<3x32x16xf32, #tpu.memory_space<vmem>>
      %dma_wait3A_312 = arith.constant 0 : i32
      %dma_wait3A_313 = arith.constant 0 : i32
      %dma_wait3A_314 = arith.constant 0 : i32
      %dma_wait3A_315 = tpu.memref_slice %arg3[%dma_wait3A_312, %dma_wait3A_313, %dma_wait3A_314] : memref<3x65536x16xf32, #tpu.memory_space<hbm>> -> memref<3x32x16xf32, #tpu.memory_space<hbm>>
      tpu.wait_dma2 semaphore(%arg10 : memref<!tpu.dma_semaphore, #tpu.memory_space<semaphore_mem>>) src(%dma_wait3A_315 : memref<3x32x16xf32, #tpu.memory_space<hbm>>) dst(%dma_wait3A_311 : memref<3x32x16xf32, #tpu.memory_space<vmem>>)
      %scan3A_316 = arith.constant 0 : i32
      %scan3A_317 = arith.constant 0 : i32
      %scan3A_318 = arith.constant 32 : i32
      %scan3A_319 = arith.addi %scan3A_317, %scan3A_318 : i32
      %scan3A_320 = arith.constant 1 : i32
      scf.for %scan3A_341 = %scan3A_317 to %scan3A_319 step %scan3A_320  : i32 {
        %get3A = arith.constant 1 : i32
        %get3A_342 = arith.constant 0 : i32
        %get3A_343 = arith.index_cast %get3A : i32 to index
        %get3A_344 = arith.index_cast %get3A_342 : i32 to index
        %get3A_345 = arith.index_cast %scan3A_341 : i32 to index
        %get3A_346 = arith.constant 0 : index
        %get3A_347 = tpu.vector_load %arg8[%get3A_343, %get3A_344, %get3A_345, %get3A_346] {strides = array<i32>} : memref<2x3x32x16xf32, #tpu.memory_space<vmem>>, vector<1x1x1x16xf32>,
        %get3A_348 = vector.shape_cast %get3A_347 : vector<1x1x1x16xf32> to vector<16xf32>
        %get3A_349 = arith.constant 1 : i32
        %get3A_350 = arith.constant 1 : i32
        %get3A_351 = arith.index_cast %get3A_349 : i32 to index
        %get3A_352 = arith.index_cast %get3A_350 : i32 to index
        %get3A_353 = arith.index_cast %scan3A_341 : i32 to index
        %get3A_354 = arith.constant 0 : index
        %get3A_355 = tpu.vector_load %arg8[%get3A_351, %get3A_352, %get3A_353, %get3A_354] {strides = array<i32>} : memref<2x3x32x16xf32, #tpu.memory_space<vmem>>, vector<1x1x1x16xf32>,
        %get3A_356 = vector.shape_cast %get3A_355 : vector<1x1x1x16xf32> to vector<16xf32>
        %get3A_357 = arith.constant 1 : i32
        %get3A_358 = arith.constant 2 : i32
        %get3A_359 = arith.index_cast %get3A_357 : i32 to index
        %get3A_360 = arith.index_cast %get3A_358 : i32 to index
        %get3A_361 = arith.index_cast %scan3A_341 : i32 to index
        %get3A_362 = arith.constant 0 : index
        %get3A_363 = tpu.vector_load %arg8[%get3A_359, %get3A_360, %get3A_361, %get3A_362] {strides = array<i32>} : memref<2x3x32x16xf32, #tpu.memory_space<vmem>>, vector<1x1x1x16xf32>,
        %get3A_364 = vector.shape_cast %get3A_363 : vector<1x1x1x16xf32> to vector<16xf32>
        %get3A_365 = arith.constant 1 : i32
        %get3A_366 = arith.constant 0 : i32
        %get3A_367 = arith.index_cast %get3A_365 : i32 to index
        %get3A_368 = arith.index_cast %get3A_366 : i32 to index
        %get3A_369 = arith.index_cast %scan3A_341 : i32 to index
        %get3A_370 = arith.constant 0 : index
        %get3A_371 = tpu.vector_load %arg7[%get3A_367, %get3A_368, %get3A_369, %get3A_370] {strides = array<i32>} : memref<2x3x32x256xf32, #tpu.memory_space<vmem>>, vector<1x1x1x16xf32>,
        %get3A_372 = vector.shape_cast %get3A_371 : vector<1x1x1x16xf32> to vector<16xf32>
        %mul3A_373 = arith.mulf %get3A_348, %get3A_372 : vector<16xf32>
        %get3A_374 = arith.constant 1 : i32
        %get3A_375 = arith.constant 1 : i32
        %get3A_376 = arith.index_cast %get3A_374 : i32 to index
        %get3A_377 = arith.index_cast %get3A_375 : i32 to index
        %get3A_378 = arith.index_cast %scan3A_341 : i32 to index
        %get3A_379 = arith.constant 0 : index
        %get3A_380 = tpu.vector_load %arg7[%get3A_376, %get3A_377, %get3A_378, %get3A_379] {strides = array<i32>} : memref<2x3x32x256xf32, #tpu.memory_space<vmem>>, vector<1x1x1x16xf32>,
        %get3A_381 = vector.shape_cast %get3A_380 : vector<1x1x1x16xf32> to vector<16xf32>
        %mul3A_382 = arith.mulf %get3A_356, %get3A_381 : vector<16xf32>
        %add3A_383 = arith.addf %mul3A_373, %mul3A_382 : vector<16xf32>
        %get3A_384 = arith.constant 1 : i32
        %get3A_385 = arith.constant 2 : i32
        %get3A_386 = arith.index_cast %get3A_384 : i32 to index
        %get3A_387 = arith.index_cast %get3A_385 : i32 to index
        %get3A_388 = arith.index_cast %scan3A_341 : i32 to index
        %get3A_389 = arith.constant 0 : index
        %get3A_390 = tpu.vector_load %arg7[%get3A_386, %get3A_387, %get3A_388, %get3A_389] {strides = array<i32>} : memref<2x3x32x256xf32, #tpu.memory_space<vmem>>, vector<1x1x1x16xf32>,
        %get3A_391 = vector.shape_cast %get3A_390 : vector<1x1x1x16xf32> to vector<16xf32>
        %mul3A_392 = arith.mulf %get3A_364, %get3A_391 : vector<16xf32>
        %add3A_393 = arith.addf %add3A_383, %mul3A_392 : vector<16xf32>
        %swap3A = arith.constant 1 : i32
        %swap3A_394 = arith.constant 0 : i32
        %swap3A_395 = arith.index_cast %swap3A : i32 to index
        %swap3A_396 = arith.index_cast %swap3A_394 : i32 to index
        %swap3A_397 = arith.index_cast %scan3A_341 : i32 to index
        %swap3A_398 = arith.constant 0 : index
        %swap3A_399 = tpu.vector_load %arg7[%swap3A_395, %swap3A_396, %swap3A_397, %swap3A_398] {strides = array<i32>} : memref<2x3x32x256xf32, #tpu.memory_space<vmem>>, vector<1x1x1x16xf32>,
        %swap3A_400 = vector.shape_cast %swap3A_399 : vector<1x1x1x16xf32> to vector<16xf32>
        %swap3A_401 = vector.shape_cast %add3A_393 : vector<16xf32> to vector<1x1x1x16xf32>
        tpu.vector_store %arg7[%swap3A_395, %swap3A_396, %swap3A_397, %swap3A_398], %swap3A_401 {strides = array<i32>} : memref<2x3x32x256xf32, #tpu.memory_space<vmem>>, vector<1x1x1x16xf32>,
        %get3A_402 = arith.constant 1 : i32
        %get3A_403 = arith.constant 0 : i32
        %get3A_404 = arith.index_cast %get3A_402 : i32 to index
        %get3A_405 = arith.index_cast %get3A_403 : i32 to index
        %get3A_406 = arith.index_cast %scan3A_341 : i32 to index
        %get3A_407 = arith.constant 16 : index
        %get3A_408 = tpu.vector_load %arg7[%get3A_404, %get3A_405, %get3A_406, %get3A_407] {strides = array<i32>} : memref<2x3x32x256xf32, #tpu.memory_space<vmem>>, vector<1x1x1x16xf32>,
        %get3A_409 = vector.shape_cast %get3A_408 : vector<1x1x1x16xf32> to vector<16xf32>
        %mul3A_410 = arith.mulf %get3A_348, %get3A_409 : vector<16xf32>
        %get3A_411 = arith.constant 1 : i32
        %get3A_412 = arith.constant 1 : i32
        %get3A_413 = arith.index_cast %get3A_411 : i32 to index
        %get3A_414 = arith.index_cast %get3A_412 : i32 to index
        %get3A_415 = arith.index_cast %scan3A_341 : i32 to index
        %get3A_416 = arith.constant 16 : index
        %get3A_417 = tpu.vector_load %arg7[%get3A_413, %get3A_414, %get3A_415, %get3A_416] {strides = array<i32>} : memref<2x3x32x256xf32, #tpu.memory_space<vmem>>, vector<1x1x1x16xf32>,
        %get3A_418 = vector.shape_cast %get3A_417 : vector<1x1x1x16xf32> to vector<16xf32>
        %mul3A_419 = arith.mulf %get3A_356, %get3A_418 : vector<16xf32>
        %add3A_420 = arith.addf %mul3A_410, %mul3A_419 : vector<16xf32>
        %get3A_421 = arith.constant 1 : i32
        %get3A_422 = arith.constant 2 : i32
        %get3A_423 = arith.index_cast %get3A_421 : i32 to index
        %get3A_424 = arith.index_cast %get3A_422 : i32 to index
        %get3A_425 = arith.index_cast %scan3A_341 : i32 to index
        %get3A_426 = arith.constant 16 : index
        %get3A_427 = tpu.vector_load %arg7[%get3A_423, %get3A_424, %get3A_425, %get3A_426] {strides = array<i32>} : memref<2x3x32x256xf32, #tpu.memory_space<vmem>>, vector<1x1x1x16xf32>,
        %get3A_428 = vector.shape_cast %get3A_427 : vector<1x1x1x16xf32> to vector<16xf32>
        %mul3A_429 = arith.mulf %get3A_364, %get3A_428 : vector<16xf32>
        %add3A_430 = arith.addf %add3A_420, %mul3A_429 : vector<16xf32>
        %swap3A_431 = arith.constant 1 : i32
        %swap3A_432 = arith.constant 0 : i32
        %swap3A_433 = arith.index_cast %swap3A_431 : i32 to index
        %swap3A_434 = arith.index_cast %swap3A_432 : i32 to index
        %swap3A_435 = arith.index_cast %scan3A_341 : i32 to index
        %swap3A_436 = arith.constant 16 : index
        %swap3A_437 = tpu.vector_load %arg7[%swap3A_433, %swap3A_434, %swap3A_435, %swap3A_436] {strides = array<i32>} : memref<2x3x32x256xf32, #tpu.memory_space<vmem>>, vector<1x1x1x16xf32>,
        %swap3A_438 = vector.shape_cast %swap3A_437 : vector<1x1x1x16xf32> to vector<16xf32>
        %swap3A_439 = vector.shape_cast %add3A_430 : vector<16xf32> to vector<1x1x1x16xf32>
        tpu.vector_store %arg7[%swap3A_433, %swap3A_434, %swap3A_435, %swap3A_436], %swap3A_439 {strides = array<i32>} : memref<2x3x32x256xf32, #tpu.memory_space<vmem>>, vector<1x1x1x16xf32>,
        %get3A_440 = arith.constant 1 : i32
        %get3A_441 = arith.constant 0 : i32
        %get3A_442 = arith.index_cast %get3A_440 : i32 to index
        %get3A_443 = arith.index_cast %get3A_441 : i32 to index
        %get3A_444 = arith.index_cast %scan3A_341 : i32 to index
        %get3A_445 = arith.constant 32 : index
        %get3A_446 = tpu.vector_load %arg7[%get3A_442, %get3A_443, %get3A_444, %get3A_445] {strides = array<i32>} : memref<2x3x32x256xf32, #tpu.memory_space<vmem>>, vector<1x1x1x16xf32>,
        %get3A_447 = vector.shape_cast %get3A_446 : vector<1x1x1x16xf32> to vector<16xf32>
        %mul3A_448 = arith.mulf %get3A_348, %get3A_447 : vector<16xf32>
        %get3A_449 = arith.constant 1 : i32
        %get3A_450 = arith.constant 1 : i32
        %get3A_451 = arith.index_cast %get3A_449 : i32 to index
        %get3A_452 = arith.index_cast %get3A_450 : i32 to index
        %get3A_453 = arith.index_cast %scan3A_341 : i32 to index
        %get3A_454 = arith.constant 32 : index
        %get3A_455 = tpu.vector_load %arg7[%get3A_451, %get3A_452, %get3A_453, %get3A_454] {strides = array<i32>} : memref<2x3x32x256xf32, #tpu.memory_space<vmem>>, vector<1x1x1x16xf32>,
        %get3A_456 = vector.shape_cast %get3A_455 : vector<1x1x1x16xf32> to vector<16xf32>
        %mul3A_457 = arith.mulf %get3A_356, %get3A_456 : vector<16xf32>
        %add3A_458 = arith.addf %mul3A_448, %mul3A_457 : vector<16xf32>
        %get3A_459 = arith.constant 1 : i32
        %get3A_460 = arith.constant 2 : i32
        %get3A_461 = arith.index_cast %get3A_459 : i32 to index
        %get3A_462 = arith.index_cast %get3A_460 : i32 to index
        %get3A_463 = arith.index_cast %scan3A_341 : i32 to index
        %get3A_464 = arith.constant 32 : index
        %get3A_465 = tpu.vector_load %arg7[%get3A_461, %get3A_462, %get3A_463, %get3A_464] {strides = array<i32>} : memref<2x3x32x256xf32, #tpu.memory_space<vmem>>, vector<1x1x1x16xf32>,
        %get3A_466 = vector.shape_cast %get3A_465 : vector<1x1x1x16xf32> to vector<16xf32>
        %mul3A_467 = arith.mulf %get3A_364, %get3A_466 : vector<16xf32>
        %add3A_468 = arith.addf %add3A_458, %mul3A_467 : vector<16xf32>
        %swap3A_469 = arith.constant 1 : i32
        %swap3A_470 = arith.constant 0 : i32
        %swap3A_471 = arith.index_cast %swap3A_469 : i32 to index
        %swap3A_472 = arith.index_cast %swap3A_470 : i32 to index
        %swap3A_473 = arith.index_cast %scan3A_341 : i32 to index
        %swap3A_474 = arith.constant 32 : index
        %swap3A_475 = tpu.vector_load %arg7[%swap3A_471, %swap3A_472, %swap3A_473, %swap3A_474] {strides = array<i32>} : memref<2x3x32x256xf32, #tpu.memory_space<vmem>>, vector<1x1x1x16xf32>,
        %swap3A_476 = vector.shape_cast %swap3A_475 : vector<1x1x1x16xf32> to vector<16xf32>
        %swap3A_477 = vector.shape_cast %add3A_468 : vector<16xf32> to vector<1x1x1x16xf32>
        tpu.vector_store %arg7[%swap3A_471, %swap3A_472, %swap3A_473, %swap3A_474], %swap3A_477 {strides = array<i32>} : memref<2x3x32x256xf32, #tpu.memory_space<vmem>>, vector<1x1x1x16xf32>,
        %get3A_478 = arith.constant 1 : i32
        %get3A_479 = arith.constant 0 : i32
        %get3A_480 = arith.index_cast %get3A_478 : i32 to index
        %get3A_481 = arith.index_cast %get3A_479 : i32 to index
        %get3A_482 = arith.index_cast %scan3A_341 : i32 to index
        %get3A_483 = arith.constant 48 : index
        %get3A_484 = tpu.vector_load %arg7[%get3A_480, %get3A_481, %get3A_482, %get3A_483] {strides = array<i32>} : memref<2x3x32x256xf32, #tpu.memory_space<vmem>>, vector<1x1x1x16xf32>,
        %get3A_485 = vector.shape_cast %get3A_484 : vector<1x1x1x16xf32> to vector<16xf32>
        %mul3A_486 = arith.mulf %get3A_348, %get3A_485 : vector<16xf32>
        %get3A_487 = arith.constant 1 : i32
        %get3A_488 = arith.constant 1 : i32
        %get3A_489 = arith.index_cast %get3A_487 : i32 to index
        %get3A_490 = arith.index_cast %get3A_488 : i32 to index
        %get3A_491 = arith.index_cast %scan3A_341 : i32 to index
        %get3A_492 = arith.constant 48 : index
        %get3A_493 = tpu.vector_load %arg7[%get3A_489, %get3A_490, %get3A_491, %get3A_492] {strides = array<i32>} : memref<2x3x32x256xf32, #tpu.memory_space<vmem>>, vector<1x1x1x16xf32>,
        %get3A_494 = vector.shape_cast %get3A_493 : vector<1x1x1x16xf32> to vector<16xf32>
        %mul3A_495 = arith.mulf %get3A_356, %get3A_494 : vector<16xf32>
        %add3A_496 = arith.addf %mul3A_486, %mul3A_495 : vector<16xf32>
        %get3A_497 = arith.constant 1 : i32
        %get3A_498 = arith.constant 2 : i32
        %get3A_499 = arith.index_cast %get3A_497 : i32 to index
        %get3A_500 = arith.index_cast %get3A_498 : i32 to index
        %get3A_501 = arith.index_cast %scan3A_341 : i32 to index
        %get3A_502 = arith.constant 48 : index
        %get3A_503 = tpu.vector_load %arg7[%get3A_499, %get3A_500, %get3A_501, %get3A_502] {strides = array<i32>} : memref<2x3x32x256xf32, #tpu.memory_space<vmem>>, vector<1x1x1x16xf32>,
        %get3A_504 = vector.shape_cast %get3A_503 : vector<1x1x1x16xf32> to vector<16xf32>
        %mul3A_505 = arith.mulf %get3A_364, %get3A_504 : vector<16xf32>
        %add3A_506 = arith.addf %add3A_496, %mul3A_505 : vector<16xf32>
        %swap3A_507 = arith.constant 1 : i32
        %swap3A_508 = arith.constant 0 : i32
        %swap3A_509 = arith.index_cast %swap3A_507 : i32 to index
        %swap3A_510 = arith.index_cast %swap3A_508 : i32 to index
        %swap3A_511 = arith.index_cast %scan3A_341 : i32 to index
        %swap3A_512 = arith.constant 48 : index
        %swap3A_513 = tpu.vector_load %arg7[%swap3A_509, %swap3A_510, %swap3A_511, %swap3A_512] {strides = array<i32>} : memref<2x3x32x256xf32, #tpu.memory_space<vmem>>, vector<1x1x1x16xf32>,
        %swap3A_514 = vector.shape_cast %swap3A_513 : vector<1x1x1x16xf32> to vector<16xf32>
        %swap3A_515 = vector.shape_cast %add3A_506 : vector<16xf32> to vector<1x1x1x16xf32>
        tpu.vector_store %arg7[%swap3A_509, %swap3A_510, %swap3A_511, %swap3A_512], %swap3A_515 {strides = array<i32>} : memref<2x3x32x256xf32, #tpu.memory_space<vmem>>, vector<1x1x1x16xf32>,
        %get3A_516 = arith.constant 1 : i32
        %get3A_517 = arith.constant 0 : i32
        %get3A_518 = arith.index_cast %get3A_516 : i32 to index
        %get3A_519 = arith.index_cast %get3A_517 : i32 to index
        %get3A_520 = arith.index_cast %scan3A_341 : i32 to index
        %get3A_521 = arith.constant 64 : index
        %get3A_522 = tpu.vector_load %arg7[%get3A_518, %get3A_519, %get3A_520, %get3A_521] {strides = array<i32>} : memref<2x3x32x256xf32, #tpu.memory_space<vmem>>, vector<1x1x1x16xf32>,
        %get3A_523 = vector.shape_cast %get3A_522 : vector<1x1x1x16xf32> to vector<16xf32>
        %mul3A_524 = arith.mulf %get3A_348, %get3A_523 : vector<16xf32>
        %get3A_525 = arith.constant 1 : i32
        %get3A_526 = arith.constant 1 : i32
        %get3A_527 = arith.index_cast %get3A_525 : i32 to index
        %get3A_528 = arith.index_cast %get3A_526 : i32 to index
        %get3A_529 = arith.index_cast %scan3A_341 : i32 to index
        %get3A_530 = arith.constant 64 : index
        %get3A_531 = tpu.vector_load %arg7[%get3A_527, %get3A_528, %get3A_529, %get3A_530] {strides = array<i32>} : memref<2x3x32x256xf32, #tpu.memory_space<vmem>>, vector<1x1x1x16xf32>,
        %get3A_532 = vector.shape_cast %get3A_531 : vector<1x1x1x16xf32> to vector<16xf32>
        %mul3A_533 = arith.mulf %get3A_356, %get3A_532 : vector<16xf32>
        %add3A_534 = arith.addf %mul3A_524, %mul3A_533 : vector<16xf32>
        %get3A_535 = arith.constant 1 : i32
        %get3A_536 = arith.constant 2 : i32
        %get3A_537 = arith.index_cast %get3A_535 : i32 to index
        %get3A_538 = arith.index_cast %get3A_536 : i32 to index
        %get3A_539 = arith.index_cast %scan3A_341 : i32 to index
        %get3A_540 = arith.constant 64 : index
        %get3A_541 = tpu.vector_load %arg7[%get3A_537, %get3A_538, %get3A_539, %get3A_540] {strides = array<i32>} : memref<2x3x32x256xf32, #tpu.memory_space<vmem>>, vector<1x1x1x16xf32>,
        %get3A_542 = vector.shape_cast %get3A_541 : vector<1x1x1x16xf32> to vector<16xf32>
        %mul3A_543 = arith.mulf %get3A_364, %get3A_542 : vector<16xf32>
        %add3A_544 = arith.addf %add3A_534, %mul3A_543 : vector<16xf32>
        %swap3A_545 = arith.constant 1 : i32
        %swap3A_546 = arith.constant 0 : i32
        %swap3A_547 = arith.index_cast %swap3A_545 : i32 to index
        %swap3A_548 = arith.index_cast %swap3A_546 : i32 to index
        %swap3A_549 = arith.index_cast %scan3A_341 : i32 to index
        %swap3A_550 = arith.constant 64 : index
        %swap3A_551 = tpu.vector_load %arg7[%swap3A_547, %swap3A_548, %swap3A_549, %swap3A_550] {strides = array<i32>} : memref<2x3x32x256xf32, #tpu.memory_space<vmem>>, vector<1x1x1x16xf32>,
        %swap3A_552 = vector.shape_cast %swap3A_551 : vector<1x1x1x16xf32> to vector<16xf32>
        %swap3A_553 = vector.shape_cast %add3A_544 : vector<16xf32> to vector<1x1x1x16xf32>
        tpu.vector_store %arg7[%swap3A_547, %swap3A_548, %swap3A_549, %swap3A_550], %swap3A_553 {strides = array<i32>} : memref<2x3x32x256xf32, #tpu.memory_space<vmem>>, vector<1x1x1x16xf32>,
        %get3A_554 = arith.constant 1 : i32
        %get3A_555 = arith.constant 0 : i32
        %get3A_556 = arith.index_cast %get3A_554 : i32 to index
        %get3A_557 = arith.index_cast %get3A_555 : i32 to index
        %get3A_558 = arith.index_cast %scan3A_341 : i32 to index
        %get3A_559 = arith.constant 80 : index
        %get3A_560 = tpu.vector_load %arg7[%get3A_556, %get3A_557, %get3A_558, %get3A_559] {strides = array<i32>} : memref<2x3x32x256xf32, #tpu.memory_space<vmem>>, vector<1x1x1x16xf32>,
        %get3A_561 = vector.shape_cast %get3A_560 : vector<1x1x1x16xf32> to vector<16xf32>
        %mul3A_562 = arith.mulf %get3A_348, %get3A_561 : vector<16xf32>
        %get3A_563 = arith.constant 1 : i32
        %get3A_564 = arith.constant 1 : i32
        %get3A_565 = arith.index_cast %get3A_563 : i32 to index
        %get3A_566 = arith.index_cast %get3A_564 : i32 to index
        %get3A_567 = arith.index_cast %scan3A_341 : i32 to index
        %get3A_568 = arith.constant 80 : index
        %get3A_569 = tpu.vector_load %arg7[%get3A_565, %get3A_566, %get3A_567, %get3A_568] {strides = array<i32>} : memref<2x3x32x256xf32, #tpu.memory_space<vmem>>, vector<1x1x1x16xf32>,
        %get3A_570 = vector.shape_cast %get3A_569 : vector<1x1x1x16xf32> to vector<16xf32>
        %mul3A_571 = arith.mulf %get3A_356, %get3A_570 : vector<16xf32>
        %add3A_572 = arith.addf %mul3A_562, %mul3A_571 : vector<16xf32>
        %get3A_573 = arith.constant 1 : i32
        %get3A_574 = arith.constant 2 : i32
        %get3A_575 = arith.index_cast %get3A_573 : i32 to index
        %get3A_576 = arith.index_cast %get3A_574 : i32 to index
        %get3A_577 = arith.index_cast %scan3A_341 : i32 to index
        %get3A_578 = arith.constant 80 : index
        %get3A_579 = tpu.vector_load %arg7[%get3A_575, %get3A_576, %get3A_577, %get3A_578] {strides = array<i32>} : memref<2x3x32x256xf32, #tpu.memory_space<vmem>>, vector<1x1x1x16xf32>,
        %get3A_580 = vector.shape_cast %get3A_579 : vector<1x1x1x16xf32> to vector<16xf32>
        %mul3A_581 = arith.mulf %get3A_364, %get3A_580 : vector<16xf32>
        %add3A_582 = arith.addf %add3A_572, %mul3A_581 : vector<16xf32>
        %swap3A_583 = arith.constant 1 : i32
        %swap3A_584 = arith.constant 0 : i32
        %swap3A_585 = arith.index_cast %swap3A_583 : i32 to index
        %swap3A_586 = arith.index_cast %swap3A_584 : i32 to index
        %swap3A_587 = arith.index_cast %scan3A_341 : i32 to index
        %swap3A_588 = arith.constant 80 : index
        %swap3A_589 = tpu.vector_load %arg7[%swap3A_585, %swap3A_586, %swap3A_587, %swap3A_588] {strides = array<i32>} : memref<2x3x32x256xf32, #tpu.memory_space<vmem>>, vector<1x1x1x16xf32>,
        %swap3A_590 = vector.shape_cast %swap3A_589 : vector<1x1x1x16xf32> to vector<16xf32>
        %swap3A_591 = vector.shape_cast %add3A_582 : vector<16xf32> to vector<1x1x1x16xf32>
        tpu.vector_store %arg7[%swap3A_585, %swap3A_586, %swap3A_587, %swap3A_588], %swap3A_591 {strides = array<i32>} : memref<2x3x32x256xf32, #tpu.memory_space<vmem>>, vector<1x1x1x16xf32>,
        %get3A_592 = arith.constant 1 : i32
        %get3A_593 = arith.constant 0 : i32
        %get3A_594 = arith.index_cast %get3A_592 : i32 to index
        %get3A_595 = arith.index_cast %get3A_593 : i32 to index
        %get3A_596 = arith.index_cast %scan3A_341 : i32 to index
        %get3A_597 = arith.constant 96 : index
        %get3A_598 = tpu.vector_load %arg7[%get3A_594, %get3A_595, %get3A_596, %get3A_597] {strides = array<i32>} : memref<2x3x32x256xf32, #tpu.memory_space<vmem>>, vector<1x1x1x16xf32>,
        %get3A_599 = vector.shape_cast %get3A_598 : vector<1x1x1x16xf32> to vector<16xf32>
        %mul3A_600 = arith.mulf %get3A_348, %get3A_599 : vector<16xf32>
        %get3A_601 = arith.constant 1 : i32
        %get3A_602 = arith.constant 1 : i32
        %get3A_603 = arith.index_cast %get3A_601 : i32 to index
        %get3A_604 = arith.index_cast %get3A_602 : i32 to index
        %get3A_605 = arith.index_cast %scan3A_341 : i32 to index
        %get3A_606 = arith.constant 96 : index
        %get3A_607 = tpu.vector_load %arg7[%get3A_603, %get3A_604, %get3A_605, %get3A_606] {strides = array<i32>} : memref<2x3x32x256xf32, #tpu.memory_space<vmem>>, vector<1x1x1x16xf32>,
        %get3A_608 = vector.shape_cast %get3A_607 : vector<1x1x1x16xf32> to vector<16xf32>
        %mul3A_609 = arith.mulf %get3A_356, %get3A_608 : vector<16xf32>
        %add3A_610 = arith.addf %mul3A_600, %mul3A_609 : vector<16xf32>
        %get3A_611 = arith.constant 1 : i32
        %get3A_612 = arith.constant 2 : i32
        %get3A_613 = arith.index_cast %get3A_611 : i32 to index
        %get3A_614 = arith.index_cast %get3A_612 : i32 to index
        %get3A_615 = arith.index_cast %scan3A_341 : i32 to index
        %get3A_616 = arith.constant 96 : index
        %get3A_617 = tpu.vector_load %arg7[%get3A_613, %get3A_614, %get3A_615, %get3A_616] {strides = array<i32>} : memref<2x3x32x256xf32, #tpu.memory_space<vmem>>, vector<1x1x1x16xf32>,
        %get3A_618 = vector.shape_cast %get3A_617 : vector<1x1x1x16xf32> to vector<16xf32>
        %mul3A_619 = arith.mulf %get3A_364, %get3A_618 : vector<16xf32>
        %add3A_620 = arith.addf %add3A_610, %mul3A_619 : vector<16xf32>
        %swap3A_621 = arith.constant 1 : i32
        %swap3A_622 = arith.constant 0 : i32
        %swap3A_623 = arith.index_cast %swap3A_621 : i32 to index
        %swap3A_624 = arith.index_cast %swap3A_622 : i32 to index
        %swap3A_625 = arith.index_cast %scan3A_341 : i32 to index
        %swap3A_626 = arith.constant 96 : index
        %swap3A_627 = tpu.vector_load %arg7[%swap3A_623, %swap3A_624, %swap3A_625, %swap3A_626] {strides = array<i32>} : memref<2x3x32x256xf32, #tpu.memory_space<vmem>>, vector<1x1x1x16xf32>,
        %swap3A_628 = vector.shape_cast %swap3A_627 : vector<1x1x1x16xf32> to vector<16xf32>
        %swap3A_629 = vector.shape_cast %add3A_620 : vector<16xf32> to vector<1x1x1x16xf32>
        tpu.vector_store %arg7[%swap3A_623, %swap3A_624, %swap3A_625, %swap3A_626], %swap3A_629 {strides = array<i32>} : memref<2x3x32x256xf32, #tpu.memory_space<vmem>>, vector<1x1x1x16xf32>,
        %get3A_630 = arith.constant 1 : i32
        %get3A_631 = arith.constant 0 : i32
        %get3A_632 = arith.index_cast %get3A_630 : i32 to index
        %get3A_633 = arith.index_cast %get3A_631 : i32 to index
        %get3A_634 = arith.index_cast %scan3A_341 : i32 to index
        %get3A_635 = arith.constant 112 : index
        %get3A_636 = tpu.vector_load %arg7[%get3A_632, %get3A_633, %get3A_634, %get3A_635] {strides = array<i32>} : memref<2x3x32x256xf32, #tpu.memory_space<vmem>>, vector<1x1x1x16xf32>,
        %get3A_637 = vector.shape_cast %get3A_636 : vector<1x1x1x16xf32> to vector<16xf32>
        %mul3A_638 = arith.mulf %get3A_348, %get3A_637 : vector<16xf32>
        %get3A_639 = arith.constant 1 : i32
        %get3A_640 = arith.constant 1 : i32
        %get3A_641 = arith.index_cast %get3A_639 : i32 to index
        %get3A_642 = arith.index_cast %get3A_640 : i32 to index
        %get3A_643 = arith.index_cast %scan3A_341 : i32 to index
        %get3A_644 = arith.constant 112 : index
        %get3A_645 = tpu.vector_load %arg7[%get3A_641, %get3A_642, %get3A_643, %get3A_644] {strides = array<i32>} : memref<2x3x32x256xf32, #tpu.memory_space<vmem>>, vector<1x1x1x16xf32>,
        %get3A_646 = vector.shape_cast %get3A_645 : vector<1x1x1x16xf32> to vector<16xf32>
        %mul3A_647 = arith.mulf %get3A_356, %get3A_646 : vector<16xf32>
        %add3A_648 = arith.addf %mul3A_638, %mul3A_647 : vector<16xf32>
        %get3A_649 = arith.constant 1 : i32
        %get3A_650 = arith.constant 2 : i32
        %get3A_651 = arith.index_cast %get3A_649 : i32 to index
        %get3A_652 = arith.index_cast %get3A_650 : i32 to index
        %get3A_653 = arith.index_cast %scan3A_341 : i32 to index
        %get3A_654 = arith.constant 112 : index
        %get3A_655 = tpu.vector_load %arg7[%get3A_651, %get3A_652, %get3A_653, %get3A_654] {strides = array<i32>} : memref<2x3x32x256xf32, #tpu.memory_space<vmem>>, vector<1x1x1x16xf32>,
        %get3A_656 = vector.shape_cast %get3A_655 : vector<1x1x1x16xf32> to vector<16xf32>
        %mul3A_657 = arith.mulf %get3A_364, %get3A_656 : vector<16xf32>
        %add3A_658 = arith.addf %add3A_648, %mul3A_657 : vector<16xf32>
        %swap3A_659 = arith.constant 1 : i32
        %swap3A_660 = arith.constant 0 : i32
        %swap3A_661 = arith.index_cast %swap3A_659 : i32 to index
        %swap3A_662 = arith.index_cast %swap3A_660 : i32 to index
        %swap3A_663 = arith.index_cast %scan3A_341 : i32 to index
        %swap3A_664 = arith.constant 112 : index
        %swap3A_665 = tpu.vector_load %arg7[%swap3A_661, %swap3A_662, %swap3A_663, %swap3A_664] {strides = array<i32>} : memref<2x3x32x256xf32, #tpu.memory_space<vmem>>, vector<1x1x1x16xf32>,
        %swap3A_666 = vector.shape_cast %swap3A_665 : vector<1x1x1x16xf32> to vector<16xf32>
        %swap3A_667 = vector.shape_cast %add3A_658 : vector<16xf32> to vector<1x1x1x16xf32>
        tpu.vector_store %arg7[%swap3A_661, %swap3A_662, %swap3A_663, %swap3A_664], %swap3A_667 {strides = array<i32>} : memref<2x3x32x256xf32, #tpu.memory_space<vmem>>, vector<1x1x1x16xf32>,
        %get3A_668 = arith.constant 1 : i32
        %get3A_669 = arith.constant 0 : i32
        %get3A_670 = arith.index_cast %get3A_668 : i32 to index
        %get3A_671 = arith.index_cast %get3A_669 : i32 to index
        %get3A_672 = arith.index_cast %scan3A_341 : i32 to index
        %get3A_673 = arith.constant 128 : index
        %get3A_674 = tpu.vector_load %arg7[%get3A_670, %get3A_671, %get3A_672, %get3A_673] {strides = array<i32>} : memref<2x3x32x256xf32, #tpu.memory_space<vmem>>, vector<1x1x1x16xf32>,
        %get3A_675 = vector.shape_cast %get3A_674 : vector<1x1x1x16xf32> to vector<16xf32>
        %mul3A_676 = arith.mulf %get3A_348, %get3A_675 : vector<16xf32>
        %get3A_677 = arith.constant 1 : i32
        %get3A_678 = arith.constant 1 : i32
        %get3A_679 = arith.index_cast %get3A_677 : i32 to index
        %get3A_680 = arith.index_cast %get3A_678 : i32 to index
        %get3A_681 = arith.index_cast %scan3A_341 : i32 to index
        %get3A_682 = arith.constant 128 : index
        %get3A_683 = tpu.vector_load %arg7[%get3A_679, %get3A_680, %get3A_681, %get3A_682] {strides = array<i32>} : memref<2x3x32x256xf32, #tpu.memory_space<vmem>>, vector<1x1x1x16xf32>,
        %get3A_684 = vector.shape_cast %get3A_683 : vector<1x1x1x16xf32> to vector<16xf32>
        %mul3A_685 = arith.mulf %get3A_356, %get3A_684 : vector<16xf32>
        %add3A_686 = arith.addf %mul3A_676, %mul3A_685 : vector<16xf32>
        %get3A_687 = arith.constant 1 : i32
        %get3A_688 = arith.constant 2 : i32
        %get3A_689 = arith.index_cast %get3A_687 : i32 to index
        %get3A_690 = arith.index_cast %get3A_688 : i32 to index
        %get3A_691 = arith.index_cast %scan3A_341 : i32 to index
        %get3A_692 = arith.constant 128 : index
        %get3A_693 = tpu.vector_load %arg7[%get3A_689, %get3A_690, %get3A_691, %get3A_692] {strides = array<i32>} : memref<2x3x32x256xf32, #tpu.memory_space<vmem>>, vector<1x1x1x16xf32>,
        %get3A_694 = vector.shape_cast %get3A_693 : vector<1x1x1x16xf32> to vector<16xf32>
        %mul3A_695 = arith.mulf %get3A_364, %get3A_694 : vector<16xf32>
        %add3A_696 = arith.addf %add3A_686, %mul3A_695 : vector<16xf32>
        %swap3A_697 = arith.constant 1 : i32
        %swap3A_698 = arith.constant 0 : i32
        %swap3A_699 = arith.index_cast %swap3A_697 : i32 to index
        %swap3A_700 = arith.index_cast %swap3A_698 : i32 to index
        %swap3A_701 = arith.index_cast %scan3A_341 : i32 to index
        %swap3A_702 = arith.constant 128 : index
        %swap3A_703 = tpu.vector_load %arg7[%swap3A_699, %swap3A_700, %swap3A_701, %swap3A_702] {strides = array<i32>} : memref<2x3x32x256xf32, #tpu.memory_space<vmem>>, vector<1x1x1x16xf32>,
        %swap3A_704 = vector.shape_cast %swap3A_703 : vector<1x1x1x16xf32> to vector<16xf32>
        %swap3A_705 = vector.shape_cast %add3A_696 : vector<16xf32> to vector<1x1x1x16xf32>
        tpu.vector_store %arg7[%swap3A_699, %swap3A_700, %swap3A_701, %swap3A_702], %swap3A_705 {strides = array<i32>} : memref<2x3x32x256xf32, #tpu.memory_space<vmem>>, vector<1x1x1x16xf32>,
        %get3A_706 = arith.constant 1 : i32
        %get3A_707 = arith.constant 0 : i32
        %get3A_708 = arith.index_cast %get3A_706 : i32 to index
        %get3A_709 = arith.index_cast %get3A_707 : i32 to index
        %get3A_710 = arith.index_cast %scan3A_341 : i32 to index
        %get3A_711 = arith.constant 144 : index
        %get3A_712 = tpu.vector_load %arg7[%get3A_708, %get3A_709, %get3A_710, %get3A_711] {strides = array<i32>} : memref<2x3x32x256xf32, #tpu.memory_space<vmem>>, vector<1x1x1x16xf32>,
        %get3A_713 = vector.shape_cast %get3A_712 : vector<1x1x1x16xf32> to vector<16xf32>
        %mul3A_714 = arith.mulf %get3A_348, %get3A_713 : vector<16xf32>
        %get3A_715 = arith.constant 1 : i32
        %get3A_716 = arith.constant 1 : i32
        %get3A_717 = arith.index_cast %get3A_715 : i32 to index
        %get3A_718 = arith.index_cast %get3A_716 : i32 to index
        %get3A_719 = arith.index_cast %scan3A_341 : i32 to index
        %get3A_720 = arith.constant 144 : index
        %get3A_721 = tpu.vector_load %arg7[%get3A_717, %get3A_718, %get3A_719, %get3A_720] {strides = array<i32>} : memref<2x3x32x256xf32, #tpu.memory_space<vmem>>, vector<1x1x1x16xf32>,
        %get3A_722 = vector.shape_cast %get3A_721 : vector<1x1x1x16xf32> to vector<16xf32>
        %mul3A_723 = arith.mulf %get3A_356, %get3A_722 : vector<16xf32>
        %add3A_724 = arith.addf %mul3A_714, %mul3A_723 : vector<16xf32>
        %get3A_725 = arith.constant 1 : i32
        %get3A_726 = arith.constant 2 : i32
        %get3A_727 = arith.index_cast %get3A_725 : i32 to index
        %get3A_728 = arith.index_cast %get3A_726 : i32 to index
        %get3A_729 = arith.index_cast %scan3A_341 : i32 to index
        %get3A_730 = arith.constant 144 : index
        %get3A_731 = tpu.vector_load %arg7[%get3A_727, %get3A_728, %get3A_729, %get3A_730] {strides = array<i32>} : memref<2x3x32x256xf32, #tpu.memory_space<vmem>>, vector<1x1x1x16xf32>,
        %get3A_732 = vector.shape_cast %get3A_731 : vector<1x1x1x16xf32> to vector<16xf32>
        %mul3A_733 = arith.mulf %get3A_364, %get3A_732 : vector<16xf32>
        %add3A_734 = arith.addf %add3A_724, %mul3A_733 : vector<16xf32>
        %swap3A_735 = arith.constant 1 : i32
        %swap3A_736 = arith.constant 0 : i32
        %swap3A_737 = arith.index_cast %swap3A_735 : i32 to index
        %swap3A_738 = arith.index_cast %swap3A_736 : i32 to index
        %swap3A_739 = arith.index_cast %scan3A_341 : i32 to index
        %swap3A_740 = arith.constant 144 : index
        %swap3A_741 = tpu.vector_load %arg7[%swap3A_737, %swap3A_738, %swap3A_739, %swap3A_740] {strides = array<i32>} : memref<2x3x32x256xf32, #tpu.memory_space<vmem>>, vector<1x1x1x16xf32>,
        %swap3A_742 = vector.shape_cast %swap3A_741 : vector<1x1x1x16xf32> to vector<16xf32>
        %swap3A_743 = vector.shape_cast %add3A_734 : vector<16xf32> to vector<1x1x1x16xf32>
        tpu.vector_store %arg7[%swap3A_737, %swap3A_738, %swap3A_739, %swap3A_740], %swap3A_743 {strides = array<i32>} : memref<2x3x32x256xf32, #tpu.memory_space<vmem>>, vector<1x1x1x16xf32>,
        %get3A_744 = arith.constant 1 : i32
        %get3A_745 = arith.constant 0 : i32
        %get3A_746 = arith.index_cast %get3A_744 : i32 to index
        %get3A_747 = arith.index_cast %get3A_745 : i32 to index
        %get3A_748 = arith.index_cast %scan3A_341 : i32 to index
        %get3A_749 = arith.constant 160 : index
        %get3A_750 = tpu.vector_load %arg7[%get3A_746, %get3A_747, %get3A_748, %get3A_749] {strides = array<i32>} : memref<2x3x32x256xf32, #tpu.memory_space<vmem>>, vector<1x1x1x16xf32>,
        %get3A_751 = vector.shape_cast %get3A_750 : vector<1x1x1x16xf32> to vector<16xf32>
        %mul3A_752 = arith.mulf %get3A_348, %get3A_751 : vector<16xf32>
        %get3A_753 = arith.constant 1 : i32
        %get3A_754 = arith.constant 1 : i32
        %get3A_755 = arith.index_cast %get3A_753 : i32 to index
        %get3A_756 = arith.index_cast %get3A_754 : i32 to index
        %get3A_757 = arith.index_cast %scan3A_341 : i32 to index
        %get3A_758 = arith.constant 160 : index
        %get3A_759 = tpu.vector_load %arg7[%get3A_755, %get3A_756, %get3A_757, %get3A_758] {strides = array<i32>} : memref<2x3x32x256xf32, #tpu.memory_space<vmem>>, vector<1x1x1x16xf32>,
        %get3A_760 = vector.shape_cast %get3A_759 : vector<1x1x1x16xf32> to vector<16xf32>
        %mul3A_761 = arith.mulf %get3A_356, %get3A_760 : vector<16xf32>
        %add3A_762 = arith.addf %mul3A_752, %mul3A_761 : vector<16xf32>
        %get3A_763 = arith.constant 1 : i32
        %get3A_764 = arith.constant 2 : i32
        %get3A_765 = arith.index_cast %get3A_763 : i32 to index
        %get3A_766 = arith.index_cast %get3A_764 : i32 to index
        %get3A_767 = arith.index_cast %scan3A_341 : i32 to index
        %get3A_768 = arith.constant 160 : index
        %get3A_769 = tpu.vector_load %arg7[%get3A_765, %get3A_766, %get3A_767, %get3A_768] {strides = array<i32>} : memref<2x3x32x256xf32, #tpu.memory_space<vmem>>, vector<1x1x1x16xf32>,
        %get3A_770 = vector.shape_cast %get3A_769 : vector<1x1x1x16xf32> to vector<16xf32>
        %mul3A_771 = arith.mulf %get3A_364, %get3A_770 : vector<16xf32>
        %add3A_772 = arith.addf %add3A_762, %mul3A_771 : vector<16xf32>
        %swap3A_773 = arith.constant 1 : i32
        %swap3A_774 = arith.constant 0 : i32
        %swap3A_775 = arith.index_cast %swap3A_773 : i32 to index
        %swap3A_776 = arith.index_cast %swap3A_774 : i32 to index
        %swap3A_777 = arith.index_cast %scan3A_341 : i32 to index
        %swap3A_778 = arith.constant 160 : index
        %swap3A_779 = tpu.vector_load %arg7[%swap3A_775, %swap3A_776, %swap3A_777, %swap3A_778] {strides = array<i32>} : memref<2x3x32x256xf32, #tpu.memory_space<vmem>>, vector<1x1x1x16xf32>,
        %swap3A_780 = vector.shape_cast %swap3A_779 : vector<1x1x1x16xf32> to vector<16xf32>
        %swap3A_781 = vector.shape_cast %add3A_772 : vector<16xf32> to vector<1x1x1x16xf32>
        tpu.vector_store %arg7[%swap3A_775, %swap3A_776, %swap3A_777, %swap3A_778], %swap3A_781 {strides = array<i32>} : memref<2x3x32x256xf32, #tpu.memory_space<vmem>>, vector<1x1x1x16xf32>,
        %get3A_782 = arith.constant 1 : i32
        %get3A_783 = arith.constant 0 : i32
        %get3A_784 = arith.index_cast %get3A_782 : i32 to index
        %get3A_785 = arith.index_cast %get3A_783 : i32 to index
        %get3A_786 = arith.index_cast %scan3A_341 : i32 to index
        %get3A_787 = arith.constant 176 : index
        %get3A_788 = tpu.vector_load %arg7[%get3A_784, %get3A_785, %get3A_786, %get3A_787] {strides = array<i32>} : memref<2x3x32x256xf32, #tpu.memory_space<vmem>>, vector<1x1x1x16xf32>,
        %get3A_789 = vector.shape_cast %get3A_788 : vector<1x1x1x16xf32> to vector<16xf32>
        %mul3A_790 = arith.mulf %get3A_348, %get3A_789 : vector<16xf32>
        %get3A_791 = arith.constant 1 : i32
        %get3A_792 = arith.constant 1 : i32
        %get3A_793 = arith.index_cast %get3A_791 : i32 to index
        %get3A_794 = arith.index_cast %get3A_792 : i32 to index
        %get3A_795 = arith.index_cast %scan3A_341 : i32 to index
        %get3A_796 = arith.constant 176 : index
        %get3A_797 = tpu.vector_load %arg7[%get3A_793, %get3A_794, %get3A_795, %get3A_796] {strides = array<i32>} : memref<2x3x32x256xf32, #tpu.memory_space<vmem>>, vector<1x1x1x16xf32>,
        %get3A_798 = vector.shape_cast %get3A_797 : vector<1x1x1x16xf32> to vector<16xf32>
        %mul3A_799 = arith.mulf %get3A_356, %get3A_798 : vector<16xf32>
        %add3A_800 = arith.addf %mul3A_790, %mul3A_799 : vector<16xf32>
        %get3A_801 = arith.constant 1 : i32
        %get3A_802 = arith.constant 2 : i32
        %get3A_803 = arith.index_cast %get3A_801 : i32 to index
        %get3A_804 = arith.index_cast %get3A_802 : i32 to index
        %get3A_805 = arith.index_cast %scan3A_341 : i32 to index
        %get3A_806 = arith.constant 176 : index
        %get3A_807 = tpu.vector_load %arg7[%get3A_803, %get3A_804, %get3A_805, %get3A_806] {strides = array<i32>} : memref<2x3x32x256xf32, #tpu.memory_space<vmem>>, vector<1x1x1x16xf32>,
        %get3A_808 = vector.shape_cast %get3A_807 : vector<1x1x1x16xf32> to vector<16xf32>
        %mul3A_809 = arith.mulf %get3A_364, %get3A_808 : vector<16xf32>
        %add3A_810 = arith.addf %add3A_800, %mul3A_809 : vector<16xf32>
        %swap3A_811 = arith.constant 1 : i32
        %swap3A_812 = arith.constant 0 : i32
        %swap3A_813 = arith.index_cast %swap3A_811 : i32 to index
        %swap3A_814 = arith.index_cast %swap3A_812 : i32 to index
        %swap3A_815 = arith.index_cast %scan3A_341 : i32 to index
        %swap3A_816 = arith.constant 176 : index
        %swap3A_817 = tpu.vector_load %arg7[%swap3A_813, %swap3A_814, %swap3A_815, %swap3A_816] {strides = array<i32>} : memref<2x3x32x256xf32, #tpu.memory_space<vmem>>, vector<1x1x1x16xf32>,
        %swap3A_818 = vector.shape_cast %swap3A_817 : vector<1x1x1x16xf32> to vector<16xf32>
        %swap3A_819 = vector.shape_cast %add3A_810 : vector<16xf32> to vector<1x1x1x16xf32>
        tpu.vector_store %arg7[%swap3A_813, %swap3A_814, %swap3A_815, %swap3A_816], %swap3A_819 {strides = array<i32>} : memref<2x3x32x256xf32, #tpu.memory_space<vmem>>, vector<1x1x1x16xf32>,
        %get3A_820 = arith.constant 1 : i32
        %get3A_821 = arith.constant 0 : i32
        %get3A_822 = arith.index_cast %get3A_820 : i32 to index
        %get3A_823 = arith.index_cast %get3A_821 : i32 to index
        %get3A_824 = arith.index_cast %scan3A_341 : i32 to index
        %get3A_825 = arith.constant 192 : index
        %get3A_826 = tpu.vector_load %arg7[%get3A_822, %get3A_823, %get3A_824, %get3A_825] {strides = array<i32>} : memref<2x3x32x256xf32, #tpu.memory_space<vmem>>, vector<1x1x1x16xf32>,
        %get3A_827 = vector.shape_cast %get3A_826 : vector<1x1x1x16xf32> to vector<16xf32>
        %mul3A_828 = arith.mulf %get3A_348, %get3A_827 : vector<16xf32>
        %get3A_829 = arith.constant 1 : i32
        %get3A_830 = arith.constant 1 : i32
        %get3A_831 = arith.index_cast %get3A_829 : i32 to index
        %get3A_832 = arith.index_cast %get3A_830 : i32 to index
        %get3A_833 = arith.index_cast %scan3A_341 : i32 to index
        %get3A_834 = arith.constant 192 : index
        %get3A_835 = tpu.vector_load %arg7[%get3A_831, %get3A_832, %get3A_833, %get3A_834] {strides = array<i32>} : memref<2x3x32x256xf32, #tpu.memory_space<vmem>>, vector<1x1x1x16xf32>,
        %get3A_836 = vector.shape_cast %get3A_835 : vector<1x1x1x16xf32> to vector<16xf32>
        %mul3A_837 = arith.mulf %get3A_356, %get3A_836 : vector<16xf32>
        %add3A_838 = arith.addf %mul3A_828, %mul3A_837 : vector<16xf32>
        %get3A_839 = arith.constant 1 : i32
        %get3A_840 = arith.constant 2 : i32
        %get3A_841 = arith.index_cast %get3A_839 : i32 to index
        %get3A_842 = arith.index_cast %get3A_840 : i32 to index
        %get3A_843 = arith.index_cast %scan3A_341 : i32 to index
        %get3A_844 = arith.constant 192 : index
        %get3A_845 = tpu.vector_load %arg7[%get3A_841, %get3A_842, %get3A_843, %get3A_844] {strides = array<i32>} : memref<2x3x32x256xf32, #tpu.memory_space<vmem>>, vector<1x1x1x16xf32>,
        %get3A_846 = vector.shape_cast %get3A_845 : vector<1x1x1x16xf32> to vector<16xf32>
        %mul3A_847 = arith.mulf %get3A_364, %get3A_846 : vector<16xf32>
        %add3A_848 = arith.addf %add3A_838, %mul3A_847 : vector<16xf32>
        %swap3A_849 = arith.constant 1 : i32
        %swap3A_850 = arith.constant 0 : i32
        %swap3A_851 = arith.index_cast %swap3A_849 : i32 to index
        %swap3A_852 = arith.index_cast %swap3A_850 : i32 to index
        %swap3A_853 = arith.index_cast %scan3A_341 : i32 to index
        %swap3A_854 = arith.constant 192 : index
        %swap3A_855 = tpu.vector_load %arg7[%swap3A_851, %swap3A_852, %swap3A_853, %swap3A_854] {strides = array<i32>} : memref<2x3x32x256xf32, #tpu.memory_space<vmem>>, vector<1x1x1x16xf32>,
        %swap3A_856 = vector.shape_cast %swap3A_855 : vector<1x1x1x16xf32> to vector<16xf32>
        %swap3A_857 = vector.shape_cast %add3A_848 : vector<16xf32> to vector<1x1x1x16xf32>
        tpu.vector_store %arg7[%swap3A_851, %swap3A_852, %swap3A_853, %swap3A_854], %swap3A_857 {strides = array<i32>} : memref<2x3x32x256xf32, #tpu.memory_space<vmem>>, vector<1x1x1x16xf32>,
        %get3A_858 = arith.constant 1 : i32
        %get3A_859 = arith.constant 0 : i32
        %get3A_860 = arith.index_cast %get3A_858 : i32 to index
        %get3A_861 = arith.index_cast %get3A_859 : i32 to index
        %get3A_862 = arith.index_cast %scan3A_341 : i32 to index
        %get3A_863 = arith.constant 208 : index
        %get3A_864 = tpu.vector_load %arg7[%get3A_860, %get3A_861, %get3A_862, %get3A_863] {strides = array<i32>} : memref<2x3x32x256xf32, #tpu.memory_space<vmem>>, vector<1x1x1x16xf32>,
        %get3A_865 = vector.shape_cast %get3A_864 : vector<1x1x1x16xf32> to vector<16xf32>
        %mul3A_866 = arith.mulf %get3A_348, %get3A_865 : vector<16xf32>
        %get3A_867 = arith.constant 1 : i32
        %get3A_868 = arith.constant 1 : i32
        %get3A_869 = arith.index_cast %get3A_867 : i32 to index
        %get3A_870 = arith.index_cast %get3A_868 : i32 to index
        %get3A_871 = arith.index_cast %scan3A_341 : i32 to index
        %get3A_872 = arith.constant 208 : index
        %get3A_873 = tpu.vector_load %arg7[%get3A_869, %get3A_870, %get3A_871, %get3A_872] {strides = array<i32>} : memref<2x3x32x256xf32, #tpu.memory_space<vmem>>, vector<1x1x1x16xf32>,
        %get3A_874 = vector.shape_cast %get3A_873 : vector<1x1x1x16xf32> to vector<16xf32>
        %mul3A_875 = arith.mulf %get3A_356, %get3A_874 : vector<16xf32>
        %add3A_876 = arith.addf %mul3A_866, %mul3A_875 : vector<16xf32>
        %get3A_877 = arith.constant 1 : i32
        %get3A_878 = arith.constant 2 : i32
        %get3A_879 = arith.index_cast %get3A_877 : i32 to index
        %get3A_880 = arith.index_cast %get3A_878 : i32 to index
        %get3A_881 = arith.index_cast %scan3A_341 : i32 to index
        %get3A_882 = arith.constant 208 : index
        %get3A_883 = tpu.vector_load %arg7[%get3A_879, %get3A_880, %get3A_881, %get3A_882] {strides = array<i32>} : memref<2x3x32x256xf32, #tpu.memory_space<vmem>>, vector<1x1x1x16xf32>,
        %get3A_884 = vector.shape_cast %get3A_883 : vector<1x1x1x16xf32> to vector<16xf32>
        %mul3A_885 = arith.mulf %get3A_364, %get3A_884 : vector<16xf32>
        %add3A_886 = arith.addf %add3A_876, %mul3A_885 : vector<16xf32>
        %swap3A_887 = arith.constant 1 : i32
        %swap3A_888 = arith.constant 0 : i32
        %swap3A_889 = arith.index_cast %swap3A_887 : i32 to index
        %swap3A_890 = arith.index_cast %swap3A_888 : i32 to index
        %swap3A_891 = arith.index_cast %scan3A_341 : i32 to index
        %swap3A_892 = arith.constant 208 : index
        %swap3A_893 = tpu.vector_load %arg7[%swap3A_889, %swap3A_890, %swap3A_891, %swap3A_892] {strides = array<i32>} : memref<2x3x32x256xf32, #tpu.memory_space<vmem>>, vector<1x1x1x16xf32>,
        %swap3A_894 = vector.shape_cast %swap3A_893 : vector<1x1x1x16xf32> to vector<16xf32>
        %swap3A_895 = vector.shape_cast %add3A_886 : vector<16xf32> to vector<1x1x1x16xf32>
        tpu.vector_store %arg7[%swap3A_889, %swap3A_890, %swap3A_891, %swap3A_892], %swap3A_895 {strides = array<i32>} : memref<2x3x32x256xf32, #tpu.memory_space<vmem>>, vector<1x1x1x16xf32>,
        %get3A_896 = arith.constant 1 : i32
        %get3A_897 = arith.constant 0 : i32
        %get3A_898 = arith.index_cast %get3A_896 : i32 to index
        %get3A_899 = arith.index_cast %get3A_897 : i32 to index
        %get3A_900 = arith.index_cast %scan3A_341 : i32 to index
        %get3A_901 = arith.constant 224 : index
        %get3A_902 = tpu.vector_load %arg7[%get3A_898, %get3A_899, %get3A_900, %get3A_901] {strides = array<i32>} : memref<2x3x32x256xf32, #tpu.memory_space<vmem>>, vector<1x1x1x16xf32>,
        %get3A_903 = vector.shape_cast %get3A_902 : vector<1x1x1x16xf32> to vector<16xf32>
        %mul3A_904 = arith.mulf %get3A_348, %get3A_903 : vector<16xf32>
        %get3A_905 = arith.constant 1 : i32
        %get3A_906 = arith.constant 1 : i32
        %get3A_907 = arith.index_cast %get3A_905 : i32 to index
        %get3A_908 = arith.index_cast %get3A_906 : i32 to index
        %get3A_909 = arith.index_cast %scan3A_341 : i32 to index
        %get3A_910 = arith.constant 224 : index
        %get3A_911 = tpu.vector_load %arg7[%get3A_907, %get3A_908, %get3A_909, %get3A_910] {strides = array<i32>} : memref<2x3x32x256xf32, #tpu.memory_space<vmem>>, vector<1x1x1x16xf32>,
        %get3A_912 = vector.shape_cast %get3A_911 : vector<1x1x1x16xf32> to vector<16xf32>
        %mul3A_913 = arith.mulf %get3A_356, %get3A_912 : vector<16xf32>
        %add3A_914 = arith.addf %mul3A_904, %mul3A_913 : vector<16xf32>
        %get3A_915 = arith.constant 1 : i32
        %get3A_916 = arith.constant 2 : i32
        %get3A_917 = arith.index_cast %get3A_915 : i32 to index
        %get3A_918 = arith.index_cast %get3A_916 : i32 to index
        %get3A_919 = arith.index_cast %scan3A_341 : i32 to index
        %get3A_920 = arith.constant 224 : index
        %get3A_921 = tpu.vector_load %arg7[%get3A_917, %get3A_918, %get3A_919, %get3A_920] {strides = array<i32>} : memref<2x3x32x256xf32, #tpu.memory_space<vmem>>, vector<1x1x1x16xf32>,
        %get3A_922 = vector.shape_cast %get3A_921 : vector<1x1x1x16xf32> to vector<16xf32>
        %mul3A_923 = arith.mulf %get3A_364, %get3A_922 : vector<16xf32>
        %add3A_924 = arith.addf %add3A_914, %mul3A_923 : vector<16xf32>
        %swap3A_925 = arith.constant 1 : i32
        %swap3A_926 = arith.constant 0 : i32
        %swap3A_927 = arith.index_cast %swap3A_925 : i32 to index
        %swap3A_928 = arith.index_cast %swap3A_926 : i32 to index
        %swap3A_929 = arith.index_cast %scan3A_341 : i32 to index
        %swap3A_930 = arith.constant 224 : index
        %swap3A_931 = tpu.vector_load %arg7[%swap3A_927, %swap3A_928, %swap3A_929, %swap3A_930] {strides = array<i32>} : memref<2x3x32x256xf32, #tpu.memory_space<vmem>>, vector<1x1x1x16xf32>,
        %swap3A_932 = vector.shape_cast %swap3A_931 : vector<1x1x1x16xf32> to vector<16xf32>
        %swap3A_933 = vector.shape_cast %add3A_924 : vector<16xf32> to vector<1x1x1x16xf32>
        tpu.vector_store %arg7[%swap3A_927, %swap3A_928, %swap3A_929, %swap3A_930], %swap3A_933 {strides = array<i32>} : memref<2x3x32x256xf32, #tpu.memory_space<vmem>>, vector<1x1x1x16xf32>,
        %get3A_934 = arith.constant 1 : i32
        %get3A_935 = arith.constant 0 : i32
        %get3A_936 = arith.index_cast %get3A_934 : i32 to index
        %get3A_937 = arith.index_cast %get3A_935 : i32 to index
        %get3A_938 = arith.index_cast %scan3A_341 : i32 to index
        %get3A_939 = arith.constant 240 : index
        %get3A_940 = tpu.vector_load %arg7[%get3A_936, %get3A_937, %get3A_938, %get3A_939] {strides = array<i32>} : memref<2x3x32x256xf32, #tpu.memory_space<vmem>>, vector<1x1x1x16xf32>,
        %get3A_941 = vector.shape_cast %get3A_940 : vector<1x1x1x16xf32> to vector<16xf32>
        %mul3A_942 = arith.mulf %get3A_348, %get3A_941 : vector<16xf32>
        %get3A_943 = arith.constant 1 : i32
        %get3A_944 = arith.constant 1 : i32
        %get3A_945 = arith.index_cast %get3A_943 : i32 to index
        %get3A_946 = arith.index_cast %get3A_944 : i32 to index
        %get3A_947 = arith.index_cast %scan3A_341 : i32 to index
        %get3A_948 = arith.constant 240 : index
        %get3A_949 = tpu.vector_load %arg7[%get3A_945, %get3A_946, %get3A_947, %get3A_948] {strides = array<i32>} : memref<2x3x32x256xf32, #tpu.memory_space<vmem>>, vector<1x1x1x16xf32>,
        %get3A_950 = vector.shape_cast %get3A_949 : vector<1x1x1x16xf32> to vector<16xf32>
        %mul3A_951 = arith.mulf %get3A_356, %get3A_950 : vector<16xf32>
        %add3A_952 = arith.addf %mul3A_942, %mul3A_951 : vector<16xf32>
        %get3A_953 = arith.constant 1 : i32
        %get3A_954 = arith.constant 2 : i32
        %get3A_955 = arith.index_cast %get3A_953 : i32 to index
        %get3A_956 = arith.index_cast %get3A_954 : i32 to index
        %get3A_957 = arith.index_cast %scan3A_341 : i32 to index
        %get3A_958 = arith.constant 240 : index
        %get3A_959 = tpu.vector_load %arg7[%get3A_955, %get3A_956, %get3A_957, %get3A_958] {strides = array<i32>} : memref<2x3x32x256xf32, #tpu.memory_space<vmem>>, vector<1x1x1x16xf32>,
        %get3A_960 = vector.shape_cast %get3A_959 : vector<1x1x1x16xf32> to vector<16xf32>
        %mul3A_961 = arith.mulf %get3A_364, %get3A_960 : vector<16xf32>
        %add3A_962 = arith.addf %add3A_952, %mul3A_961 : vector<16xf32>
        %swap3A_963 = arith.constant 1 : i32
        %swap3A_964 = arith.constant 0 : i32
        %swap3A_965 = arith.index_cast %swap3A_963 : i32 to index
        %swap3A_966 = arith.index_cast %swap3A_964 : i32 to index
        %swap3A_967 = arith.index_cast %scan3A_341 : i32 to index
        %swap3A_968 = arith.constant 240 : index
        %swap3A_969 = tpu.vector_load %arg7[%swap3A_965, %swap3A_966, %swap3A_967, %swap3A_968] {strides = array<i32>} : memref<2x3x32x256xf32, #tpu.memory_space<vmem>>, vector<1x1x1x16xf32>,
        %swap3A_970 = vector.shape_cast %swap3A_969 : vector<1x1x1x16xf32> to vector<16xf32>
        %swap3A_971 = vector.shape_cast %add3A_962 : vector<16xf32> to vector<1x1x1x16xf32>
        tpu.vector_store %arg7[%swap3A_965, %swap3A_966, %swap3A_967, %swap3A_968], %swap3A_971 {strides = array<i32>} : memref<2x3x32x256xf32, #tpu.memory_space<vmem>>, vector<1x1x1x16xf32>,
      }
      %scan3A_321 = arith.constant 32 : i32
      %add3A_322 = arith.constant 1 : i32
      %add3A_323 = arith.addi %mul3A_94, %add3A_322 : i32
      %mul3A_324 = arith.constant 32 : i32
      %mul3A_325 = arith.muli %add3A_323, %mul3A_324 : i32
      %add3A_326 = arith.addi %mul3A_2, %mul3A_325 : i32
      %dma_start3A_327 = arith.constant 1 : i32
      %dma_start3A_328 = arith.constant 0 : i32
      %dma_start3A_329 = arith.constant 0 : i32
      %dma_start3A_330 = arith.constant 0 : i32
      %dma_start3A_331 = tpu.memref_slice %arg7[%dma_start3A_327, %dma_start3A_328, %dma_start3A_329, %dma_start3A_330] : memref<2x3x32x256xf32, #tpu.memory_space<vmem>> -> memref<1x1x32x256xf32, #tpu.memory_space<vmem>>
      %dma_start3A_332 = tpu.memref_squeeze %dma_start3A_331 : memref<1x1x32x256xf32, #tpu.memory_space<vmem>> -> memref<32x256xf32, #tpu.memory_space<vmem>>
      %dma_start3A_333 = arith.constant 0 : i32
      %dma_start3A_334 = tpu.memref_slice %arg5[%add3A_326, %dma_start3A_333] : memref<65536x256xf32, #tpu.memory_space<hbm>> -> memref<32x256xf32, #tpu.memory_space<hbm>>
      %dma_start3A_335 = arith.constant 0 : i32
      %dma_start3A_336 = tpu.memref_slice %arg5[%add3A_326, %dma_start3A_335] : memref<65536x256xf32, #tpu.memory_space<hbm>> -> memref<32x256xf32, #tpu.memory_space<hbm>>
      %dma_start3A_337 = arith.constant 0 : i32
      %dma_start3A_338 = arith.constant 0 : i32
      %dma_start3A_339 = tpu.memref_slice %arg7[%dma_start3A_327, %dma_start3A_328, %dma_start3A_337, %dma_start3A_338] : memref<2x3x32x256xf32, #tpu.memory_space<vmem>> -> memref<1x1x32x256xf32, #tpu.memory_space<vmem>>
      %dma_start3A_340 = tpu.memref_squeeze %dma_start3A_339 : memref<1x1x32x256xf32, #tpu.memory_space<vmem>> -> memref<32x256xf32, #tpu.memory_space<vmem>>
      tpu.enqueue_dma source(%dma_start3A_340 : memref<32x256xf32, #tpu.memory_space<vmem>>) target(%dma_start3A_336 : memref<32x256xf32, #tpu.memory_space<hbm>>) target_semaphore(%arg12 : memref<!tpu.dma_semaphore, #tpu.memory_space<semaphore_mem>>)
    }
    %scan3A_64 = arith.constant 32 : i32
    %dma_wait3A = arith.constant 0 : i32
    %dma_wait3A_65 = arith.constant 0 : i32
    %dma_wait3A_66 = arith.constant 0 : i32
    %dma_wait3A_67 = arith.constant 0 : i32
    %dma_wait3A_68 = tpu.memref_slice %arg7[%dma_wait3A, %dma_wait3A_65, %dma_wait3A_66, %dma_wait3A_67] : memref<2x3x32x256xf32, #tpu.memory_space<vmem>> -> memref<1x1x32x256xf32, #tpu.memory_space<vmem>>
    %dma_wait3A_69 = tpu.memref_squeeze %dma_wait3A_68 : memref<1x1x32x256xf32, #tpu.memory_space<vmem>> -> memref<32x256xf32, #tpu.memory_space<vmem>>
    %dma_wait3A_70 = arith.constant 0 : i32
    %dma_wait3A_71 = tpu.memref_slice %arg5[%mul3A_2, %dma_wait3A_70] : memref<65536x256xf32, #tpu.memory_space<hbm>> -> memref<32x256xf32, #tpu.memory_space<hbm>>
    %dma_wait3A_72 = arith.constant 0 : i32
    %dma_wait3A_73 = tpu.memref_slice %arg5[%mul3A_2, %dma_wait3A_72] : memref<65536x256xf32, #tpu.memory_space<hbm>> -> memref<32x256xf32, #tpu.memory_space<hbm>>
    %dma_wait3A_74 = arith.constant 0 : i32
    %dma_wait3A_75 = arith.constant 0 : i32
    %dma_wait3A_76 = tpu.memref_slice %arg7[%dma_wait3A, %dma_wait3A_65, %dma_wait3A_74, %dma_wait3A_75] : memref<2x3x32x256xf32, #tpu.memory_space<vmem>> -> memref<1x1x32x256xf32, #tpu.memory_space<vmem>>
    %dma_wait3A_77 = tpu.memref_squeeze %dma_wait3A_76 : memref<1x1x32x256xf32, #tpu.memory_space<vmem>> -> memref<32x256xf32, #tpu.memory_space<vmem>>
    tpu.wait_dma2 semaphore(%arg11 : memref<!tpu.dma_semaphore, #tpu.memory_space<semaphore_mem>>) src(%dma_wait3A_77 : memref<32x256xf32, #tpu.memory_space<vmem>>) dst(%dma_wait3A_73 : memref<32x256xf32, #tpu.memory_space<hbm>>)
    %dma_wait3A_78 = arith.constant 1 : i32
    %dma_wait3A_79 = arith.constant 0 : i32
    %dma_wait3A_80 = arith.constant 0 : i32
    %dma_wait3A_81 = arith.constant 0 : i32
    %dma_wait3A_82 = tpu.memref_slice %arg7[%dma_wait3A_78, %dma_wait3A_79, %dma_wait3A_80, %dma_wait3A_81] : memref<2x3x32x256xf32, #tpu.memory_space<vmem>> -> memref<1x1x32x256xf32, #tpu.memory_space<vmem>>
    %dma_wait3A_83 = tpu.memref_squeeze %dma_wait3A_82 : memref<1x1x32x256xf32, #tpu.memory_space<vmem>> -> memref<32x256xf32, #tpu.memory_space<vmem>>
    %dma_wait3A_84 = arith.constant 0 : i32
    %dma_wait3A_85 = tpu.memref_slice %arg5[%mul3A_2, %dma_wait3A_84] : memref<65536x256xf32, #tpu.memory_space<hbm>> -> memref<32x256xf32, #tpu.memory_space<hbm>>
    %dma_wait3A_86 = arith.constant 0 : i32
    %dma_wait3A_87 = tpu.memref_slice %arg5[%mul3A_2, %dma_wait3A_86] : memref<65536x256xf32, #tpu.memory_space<hbm>> -> memref<32x256xf32, #tpu.memory_space<hbm>>
    %dma_wait3A_88 = arith.constant 0 : i32
    %dma_wait3A_89 = arith.constant 0 : i32
    %dma_wait3A_90 = tpu.memref_slice %arg7[%dma_wait3A_78, %dma_wait3A_79, %dma_wait3A_88, %dma_wait3A_89] : memref<2x3x32x256xf32, #tpu.memory_space<vmem>> -> memref<1x1x32x256xf32, #tpu.memory_space<vmem>>
    %dma_wait3A_91 = tpu.memref_squeeze %dma_wait3A_90 : memref<1x1x32x256xf32, #tpu.memory_space<vmem>> -> memref<32x256xf32, #tpu.memory_space<vmem>>
    tpu.wait_dma2 semaphore(%arg12 : memref<!tpu.dma_semaphore, #tpu.memory_space<semaphore_mem>>) src(%dma_wait3A_91 : memref<32x256xf32, #tpu.memory_space<vmem>>) dst(%dma_wait3A_87 : memref<32x256xf32, #tpu.memory_space<hbm>>)
    return
  }
}

module attributes {stable_mosaic.version = 14 : i64} {
  func.func @_k1_body(%arg0: i32, %arg1: i32, %arg2: memref<1x3x1024xf32, #tpu.memory_space<vmem>>, %arg3: memref<1x1024x3xf32, #tpu.memory_space<vmem>>, %arg4: memref<3x1x1x1024xi32, #tpu.memory_space<vmem>>, %arg5: memref<3x1x1x1024xf32, #tpu.memory_space<vmem>>) attributes {dimension_semantics = [#tpu.dimension_semantics<arbitrary>, #tpu.dimension_semantics<arbitrary>], iteration_bounds = array<i64: 16, 4>, scalar_prefetch = 0 : i64, scratch_operands = 0 : i64, tpu.core_type = #tpu.core_type<tc>, window_params = [{transform_indices = @transform_0, window_bounds = array<i64: 1, 3, 1024>}, {transform_indices = @transform_1, window_bounds = array<i64: 1, 1024, 3>}, {transform_indices = @transform_2, window_bounds = array<i64: 3, 1, 1, 1024>}, {transform_indices = @transform_3, window_bounds = array<i64: 3, 1, 1, 1024>}]} {
    %get3A = arith.constant 0 : index
    %get3A_0 = arith.constant 0 : index
    %get3A_1 = arith.constant 0 : index
    %get3A_2 = vector.load %arg2[%get3A, %get3A_0, %get3A_1] : memref<1x3x1024xf32, #tpu.memory_space<vmem>>, vector<1x3x1024xf32>
    %get3A_3 = vector.shape_cast %get3A_2 : vector<1x3x1024xf32> to vector<3x1024xf32>
    %get3A_4 = arith.constant 0 : index
    %get3A_5 = arith.constant 0 : index
    %get3A_6 = arith.constant 0 : index
    %get3A_7 = vector.load %arg3[%get3A_4, %get3A_5, %get3A_6] : memref<1x1024x3xf32, #tpu.memory_space<vmem>>, vector<1x1024x3xf32>
    %get3A_8 = vector.shape_cast %get3A_7 : vector<1x1024x3xf32> to vector<1024x3xf32>
    %dot_general3A = arith.constant dense<0.000000e+00> : vector<1024x1024xf32>
    %dot_general3A_9 = tpu.matmul %get3A_8, %get3A_3, %dot_general3A {dimension_numbers = #tpu.dot_dimension_numbers<[1], [0], [0], [1], [0, 0, 1, 1], [], []>, transpose_lhs_hint = false} : vector<1024x3xf32>, vector<3x1024xf32>, vector<1024x1024xf32> -> vector<1024x1024xf32>
    %mul3A = arith.mulf %get3A_3, %get3A_3 : vector<3x1024xf32>
    %reduce_sum3A = arith.constant dense<0.000000e+00> : vector<1024xf32>
    %reduce_sum3A_10 = vector.multi_reduction <add>, %mul3A, %reduce_sum3A [0] : vector<3x1024xf32> to vector<1024xf32>
    %broadcast_in_dim3A = vector.shape_cast %reduce_sum3A_10 : vector<1024xf32> to vector<1x1024xf32>
    %mul3A_11 = arith.mulf %get3A_8, %get3A_8 : vector<1024x3xf32>
    %reduce_sum3A_12 = arith.constant dense<0.000000e+00> : vector<1024xf32>
    %reduce_sum3A_13 = vector.multi_reduction <add>, %mul3A_11, %reduce_sum3A_12 [1] : vector<1024x3xf32> to vector<1024xf32>
    %broadcast_in_dim3A_14 = vector.shape_cast %reduce_sum3A_13 : vector<1024xf32> to vector<1024x1xf32>
    %mul3A_15 = arith.constant -2.000000e+00 : f32
    %mul3A_16 = vector.broadcast %mul3A_15 : f32 to vector<1024x1024xf32>
    %mul3A_17 = arith.mulf %mul3A_16, %dot_general3A_9 : vector<1024x1024xf32>
    %add3A = vector.broadcast %broadcast_in_dim3A : vector<1x1024xf32> to vector<1024x1024xf32>
    %add3A_18 = arith.addf %mul3A_17, %add3A : vector<1024x1024xf32>
    %add3A_19 = vector.broadcast %broadcast_in_dim3A_14 : vector<1024x1xf32> to vector<1024x1024xf32>
    %add3A_20 = arith.addf %add3A_18, %add3A_19 : vector<1024x1024xf32>
    %iota3A = tpu.iota {dimensions = array<i32: 0>} : vector<1024x1024xi32>
    %reduce_min3A = arith.constant dense<0x7F800000> : vector<1024xf32>
    %reduce_min3A_21 = vector.multi_reduction <minimumf>, %add3A_20, %reduce_min3A [0] : vector<1024x1024xf32> to vector<1024xf32>
    %broadcast_in_dim3A_22 = vector.shape_cast %reduce_min3A_21 : vector<1024xf32> to vector<1x1024xf32>
    %eq3A = vector.broadcast %broadcast_in_dim3A_22 : vector<1x1024xf32> to vector<1024x1024xf32>
    %eq3A_23 = arith.cmpf oeq, %add3A_20, %eq3A : vector<1024x1024xf32>
    %jit3A = arith.constant 1024 : i32
    %broadcast_in_dim3A_24 = vector.broadcast %jit3A : i32 to vector<1024x1024xi32>
    %select_n3A = arith.select %eq3A_23, %iota3A, %broadcast_in_dim3A_24 : vector<1024x1024xi1>, vector<1024x1024xi32>
    %reduce_min3A_25 = arith.constant dense<2147483647> : vector<1024xi32>
    %reduce_min3A_26 = vector.multi_reduction <minsi>, %select_n3A, %reduce_min3A_25 [0] : vector<1024x1024xi32> to vector<1024xi32>
    %broadcast_in_dim3A_27 = vector.shape_cast %reduce_min3A_26 : vector<1024xi32> to vector<1x1024xi32>
    %add3A_28 = arith.constant 9.99999993E-9 : f32
    %add3A_29 = vector.broadcast %add3A_28 : f32 to vector<1x1024xf32>
    %add3A_30 = arith.addf %broadcast_in_dim3A_22, %add3A_29 : vector<1x1024xf32>
    %div3A = arith.constant 1.000000e+00 : f32
    %div3A_31 = vector.broadcast %div3A : f32 to vector<1x1024xf32>
    %div3A_32 = arith.divf %div3A_31, %add3A_30 : vector<1x1024xf32>
    %eq3A_33 = vector.broadcast %broadcast_in_dim3A_27 : vector<1x1024xi32> to vector<1024x1024xi32>
    %eq3A_34 = arith.cmpi eq, %iota3A, %eq3A_33 : vector<1024x1024xi32>
    %jit3A_35 = arith.constant 0x7F800000 : f32
    %broadcast_in_dim3A_36 = vector.broadcast %jit3A_35 : f32 to vector<1024x1024xf32>
    %select_n3A_37 = arith.select %eq3A_34, %broadcast_in_dim3A_36, %add3A_20 : vector<1024x1024xi1>, vector<1024x1024xf32>
    %reduce_min3A_38 = arith.constant dense<0x7F800000> : vector<1024xf32>
    %reduce_min3A_39 = vector.multi_reduction <minimumf>, %select_n3A_37, %reduce_min3A_38 [0] : vector<1024x1024xf32> to vector<1024xf32>
    %broadcast_in_dim3A_40 = vector.shape_cast %reduce_min3A_39 : vector<1024xf32> to vector<1x1024xf32>
    %eq3A_41 = vector.broadcast %broadcast_in_dim3A_40 : vector<1x1024xf32> to vector<1024x1024xf32>
    %eq3A_42 = arith.cmpf oeq, %select_n3A_37, %eq3A_41 : vector<1024x1024xf32>
    %jit3A_43 = arith.constant 1024 : i32
    %broadcast_in_dim3A_44 = vector.broadcast %jit3A_43 : i32 to vector<1024x1024xi32>
    %select_n3A_45 = arith.select %eq3A_42, %iota3A, %broadcast_in_dim3A_44 : vector<1024x1024xi1>, vector<1024x1024xi32>
    %reduce_min3A_46 = arith.constant dense<2147483647> : vector<1024xi32>
    %reduce_min3A_47 = vector.multi_reduction <minsi>, %select_n3A_45, %reduce_min3A_46 [0] : vector<1024x1024xi32> to vector<1024xi32>
    %broadcast_in_dim3A_48 = vector.shape_cast %reduce_min3A_47 : vector<1024xi32> to vector<1x1024xi32>
    %add3A_49 = arith.constant 9.99999993E-9 : f32
    %add3A_50 = vector.broadcast %add3A_49 : f32 to vector<1x1024xf32>
    %add3A_51 = arith.addf %broadcast_in_dim3A_40, %add3A_50 : vector<1x1024xf32>
    %div3A_52 = arith.constant 1.000000e+00 : f32
    %div3A_53 = vector.broadcast %div3A_52 : f32 to vector<1x1024xf32>
    %div3A_54 = arith.divf %div3A_53, %add3A_51 : vector<1x1024xf32>
    %eq3A_55 = vector.broadcast %broadcast_in_dim3A_48 : vector<1x1024xi32> to vector<1024x1024xi32>
    %eq3A_56 = arith.cmpi eq, %iota3A, %eq3A_55 : vector<1024x1024xi32>
    %jit3A_57 = arith.constant 0x7F800000 : f32
    %broadcast_in_dim3A_58 = vector.broadcast %jit3A_57 : f32 to vector<1024x1024xf32>
    %select_n3A_59 = arith.select %eq3A_56, %broadcast_in_dim3A_58, %select_n3A_37 : vector<1024x1024xi1>, vector<1024x1024xf32>
    %reduce_min3A_60 = arith.constant dense<0x7F800000> : vector<1024xf32>
    %reduce_min3A_61 = vector.multi_reduction <minimumf>, %select_n3A_59, %reduce_min3A_60 [0] : vector<1024x1024xf32> to vector<1024xf32>
    %broadcast_in_dim3A_62 = vector.shape_cast %reduce_min3A_61 : vector<1024xf32> to vector<1x1024xf32>
    %eq3A_63 = vector.broadcast %broadcast_in_dim3A_62 : vector<1x1024xf32> to vector<1024x1024xf32>
    %eq3A_64 = arith.cmpf oeq, %select_n3A_59, %eq3A_63 : vector<1024x1024xf32>
    %jit3A_65 = arith.constant 1024 : i32
    %broadcast_in_dim3A_66 = vector.broadcast %jit3A_65 : i32 to vector<1024x1024xi32>
    %select_n3A_67 = arith.select %eq3A_64, %iota3A, %broadcast_in_dim3A_66 : vector<1024x1024xi1>, vector<1024x1024xi32>
    %reduce_min3A_68 = arith.constant dense<2147483647> : vector<1024xi32>
    %reduce_min3A_69 = vector.multi_reduction <minsi>, %select_n3A_67, %reduce_min3A_68 [0] : vector<1024x1024xi32> to vector<1024xi32>
    %broadcast_in_dim3A_70 = vector.shape_cast %reduce_min3A_69 : vector<1024xi32> to vector<1x1024xi32>
    %add3A_71 = arith.constant 9.99999993E-9 : f32
    %add3A_72 = vector.broadcast %add3A_71 : f32 to vector<1x1024xf32>
    %add3A_73 = arith.addf %broadcast_in_dim3A_62, %add3A_72 : vector<1x1024xf32>
    %div3A_74 = arith.constant 1.000000e+00 : f32
    %div3A_75 = vector.broadcast %div3A_74 : f32 to vector<1x1024xf32>
    %div3A_76 = arith.divf %div3A_75, %add3A_73 : vector<1x1024xf32>
    %add3A_77 = arith.addf %div3A_32, %div3A_54 : vector<1x1024xf32>
    %add3A_78 = arith.addf %add3A_77, %div3A_76 : vector<1x1024xf32>
    %mul3A_79 = arith.constant 1024 : i32
    %mul3A_80 = arith.muli %arg0, %mul3A_79 : i32
    %squeeze3A = vector.shape_cast %broadcast_in_dim3A_27 : vector<1x1024xi32> to vector<1024xi32>
    %add3A_81 = vector.broadcast %mul3A_80 : i32 to vector<1024xi32>
    %add3A_82 = arith.addi %squeeze3A, %add3A_81 : vector<1024xi32>
    %swap3A = arith.constant 0 : index
    %swap3A_83 = arith.constant 0 : index
    %swap3A_84 = arith.constant 0 : index
    %swap3A_85 = arith.constant 0 : index
    %swap3A_86 = vector.load %arg4[%swap3A, %swap3A_83, %swap3A_84, %swap3A_85] : memref<3x1x1x1024xi32, #tpu.memory_space<vmem>>, vector<1x1x1x1024xi32>
    %swap3A_87 = vector.shape_cast %swap3A_86 : vector<1x1x1x1024xi32> to vector<1024xi32>
    %swap3A_88 = vector.shape_cast %add3A_82 : vector<1024xi32> to vector<1x1x1x1024xi32>
    tpu.vector_store %arg4[%swap3A, %swap3A_83, %swap3A_84, %swap3A_85], %swap3A_88 {strides = array<i32>} : memref<3x1x1x1024xi32, #tpu.memory_space<vmem>>, vector<1x1x1x1024xi32>,
    %div3A_89 = arith.divf %div3A_32, %add3A_78 : vector<1x1024xf32>
    %squeeze3A_90 = vector.shape_cast %div3A_89 : vector<1x1024xf32> to vector<1024xf32>
    %swap3A_91 = arith.constant 0 : index
    %swap3A_92 = arith.constant 0 : index
    %swap3A_93 = arith.constant 0 : index
    %swap3A_94 = arith.constant 0 : index
    %swap3A_95 = vector.load %arg5[%swap3A_91, %swap3A_92, %swap3A_93, %swap3A_94] : memref<3x1x1x1024xf32, #tpu.memory_space<vmem>>, vector<1x1x1x1024xf32>
    %swap3A_96 = vector.shape_cast %swap3A_95 : vector<1x1x1x1024xf32> to vector<1024xf32>
    %swap3A_97 = vector.shape_cast %squeeze3A_90 : vector<1024xf32> to vector<1x1x1x1024xf32>
    tpu.vector_store %arg5[%swap3A_91, %swap3A_92, %swap3A_93, %swap3A_94], %swap3A_97 {strides = array<i32>} : memref<3x1x1x1024xf32, #tpu.memory_space<vmem>>, vector<1x1x1x1024xf32>,
    %squeeze3A_98 = vector.shape_cast %broadcast_in_dim3A_48 : vector<1x1024xi32> to vector<1024xi32>
    %add3A_99 = vector.broadcast %mul3A_80 : i32 to vector<1024xi32>
    %add3A_100 = arith.addi %squeeze3A_98, %add3A_99 : vector<1024xi32>
    %swap3A_101 = arith.constant 1 : index
    %swap3A_102 = arith.constant 0 : index
    %swap3A_103 = arith.constant 0 : index
    %swap3A_104 = arith.constant 0 : index
    %swap3A_105 = vector.load %arg4[%swap3A_101, %swap3A_102, %swap3A_103, %swap3A_104] : memref<3x1x1x1024xi32, #tpu.memory_space<vmem>>, vector<1x1x1x1024xi32>
    %swap3A_106 = vector.shape_cast %swap3A_105 : vector<1x1x1x1024xi32> to vector<1024xi32>
    %swap3A_107 = vector.shape_cast %add3A_100 : vector<1024xi32> to vector<1x1x1x1024xi32>
    tpu.vector_store %arg4[%swap3A_101, %swap3A_102, %swap3A_103, %swap3A_104], %swap3A_107 {strides = array<i32>} : memref<3x1x1x1024xi32, #tpu.memory_space<vmem>>, vector<1x1x1x1024xi32>,
    %div3A_108 = arith.divf %div3A_54, %add3A_78 : vector<1x1024xf32>
    %squeeze3A_109 = vector.shape_cast %div3A_108 : vector<1x1024xf32> to vector<1024xf32>
    %swap3A_110 = arith.constant 1 : index
    %swap3A_111 = arith.constant 0 : index
    %swap3A_112 = arith.constant 0 : index
    %swap3A_113 = arith.constant 0 : index
    %swap3A_114 = vector.load %arg5[%swap3A_110, %swap3A_111, %swap3A_112, %swap3A_113] : memref<3x1x1x1024xf32, #tpu.memory_space<vmem>>, vector<1x1x1x1024xf32>
    %swap3A_115 = vector.shape_cast %swap3A_114 : vector<1x1x1x1024xf32> to vector<1024xf32>
    %swap3A_116 = vector.shape_cast %squeeze3A_109 : vector<1024xf32> to vector<1x1x1x1024xf32>
    tpu.vector_store %arg5[%swap3A_110, %swap3A_111, %swap3A_112, %swap3A_113], %swap3A_116 {strides = array<i32>} : memref<3x1x1x1024xf32, #tpu.memory_space<vmem>>, vector<1x1x1x1024xf32>,
    %squeeze3A_117 = vector.shape_cast %broadcast_in_dim3A_70 : vector<1x1024xi32> to vector<1024xi32>
    %add3A_118 = vector.broadcast %mul3A_80 : i32 to vector<1024xi32>
    %add3A_119 = arith.addi %squeeze3A_117, %add3A_118 : vector<1024xi32>
    %swap3A_120 = arith.constant 2 : index
    %swap3A_121 = arith.constant 0 : index
    %swap3A_122 = arith.constant 0 : index
    %swap3A_123 = arith.constant 0 : index
    %swap3A_124 = vector.load %arg4[%swap3A_120, %swap3A_121, %swap3A_122, %swap3A_123] : memref<3x1x1x1024xi32, #tpu.memory_space<vmem>>, vector<1x1x1x1024xi32>
    %swap3A_125 = vector.shape_cast %swap3A_124 : vector<1x1x1x1024xi32> to vector<1024xi32>
    %swap3A_126 = vector.shape_cast %add3A_119 : vector<1024xi32> to vector<1x1x1x1024xi32>
    tpu.vector_store %arg4[%swap3A_120, %swap3A_121, %swap3A_122, %swap3A_123], %swap3A_126 {strides = array<i32>} : memref<3x1x1x1024xi32, #tpu.memory_space<vmem>>, vector<1x1x1x1024xi32>,
    %div3A_127 = arith.divf %div3A_76, %add3A_78 : vector<1x1024xf32>
    %squeeze3A_128 = vector.shape_cast %div3A_127 : vector<1x1024xf32> to vector<1024xf32>
    %swap3A_129 = arith.constant 2 : index
    %swap3A_130 = arith.constant 0 : index
    %swap3A_131 = arith.constant 0 : index
    %swap3A_132 = arith.constant 0 : index
    %swap3A_133 = vector.load %arg5[%swap3A_129, %swap3A_130, %swap3A_131, %swap3A_132] : memref<3x1x1x1024xf32, #tpu.memory_space<vmem>>, vector<1x1x1x1024xf32>
    %swap3A_134 = vector.shape_cast %swap3A_133 : vector<1x1x1x1024xf32> to vector<1024xf32>
    %swap3A_135 = vector.shape_cast %squeeze3A_128 : vector<1024xf32> to vector<1x1x1x1024xf32>
    tpu.vector_store %arg5[%swap3A_129, %swap3A_130, %swap3A_131, %swap3A_132], %swap3A_135 {strides = array<i32>} : memref<3x1x1x1024xf32, #tpu.memory_space<vmem>>, vector<1x1x1x1024xf32>,
    return
  }
  func.func @transform_0(%arg0: i32, %arg1: i32) -> (i32, i32, i32) {
    %c0_i32 = arith.constant 0 : i32
    %c0_i32_0 = arith.constant 0 : i32
    return %arg0, %c0_i32, %arg1 : i32, i32, i32
  }
  func.func @transform_1(%arg0: i32, %arg1: i32) -> (i32, i32, i32) {
    %c0_i32 = arith.constant 0 : i32
    %c0_i32_0 = arith.constant 0 : i32
    %c0_i32_1 = arith.constant 0 : i32
    return %arg0, %c0_i32, %c0_i32_0 : i32, i32, i32
  }
  func.func @transform_2(%arg0: i32, %arg1: i32) -> (i32, i32, i32, i32) {
    %c0_i32 = arith.constant 0 : i32
    %c0_i32_0 = arith.constant 0 : i32
    %c0_i32_1 = arith.constant 0 : i32
    return %c0_i32, %arg0, %c0_i32_0, %arg1 : i32, i32, i32, i32
  }
  func.func @transform_3(%arg0: i32, %arg1: i32) -> (i32, i32, i32, i32) {
    %c0_i32 = arith.constant 0 : i32
    %c0_i32_0 = arith.constant 0 : i32
    %c0_i32_1 = arith.constant 0 : i32
    return %c0_i32, %arg0, %c0_i32_0, %arg1 : i32, i32, i32, i32
  }
}

module attributes {stable_mosaic.version = 14 : i64} {
  func.func @_k2_body(%arg0: i32, %arg1: i32, %arg2: memref<1x1024x128xf32, #tpu.memory_space<vmem>>, %arg3: memref<1x1024x256xf32, #tpu.memory_space<vmem>>, %arg4: memref<384x256xf32, #tpu.memory_space<vmem>>, %arg5: memref<1x256xf32, #tpu.memory_space<vmem>>, %arg6: memref<1x1024x256xbf16, #tpu.memory_space<vmem>>, %arg7: memref<1x256xf32, #tpu.memory_space<vmem>>, %arg8: memref<1x256xf32, #tpu.memory_space<vmem>>) attributes {dimension_semantics = [#tpu.dimension_semantics<arbitrary>, #tpu.dimension_semantics<arbitrary>], iteration_bounds = array<i64: 16, 4>, scalar_prefetch = 0 : i64, scratch_operands = 0 : i64, tpu.core_type = #tpu.core_type<tc>, window_params = [{transform_indices = @transform_0, window_bounds = array<i64: 1, 1024, 128>}, {transform_indices = @transform_1, window_bounds = array<i64: 1, 1024, 256>}, {pipeline_mode = #tpu.pipeline_mode<synchronous>, transform_indices = @transform_2, window_bounds = array<i64: 384, 256>}, {pipeline_mode = #tpu.pipeline_mode<synchronous>, transform_indices = @transform_3, window_bounds = array<i64: 1, 256>}, {transform_indices = @transform_4, window_bounds = array<i64: 1, 1024, 256>}, {pipeline_mode = #tpu.pipeline_mode<synchronous>, transform_indices = @transform_5, window_bounds = array<i64: 1, 256>}, {pipeline_mode = #tpu.pipeline_mode<synchronous>, transform_indices = @transform_6, window_bounds = array<i64: 1, 256>}]} {
    %get3A = arith.constant 0 : index
    %get3A_0 = arith.constant 0 : index
    %get3A_1 = arith.constant 0 : index
    %get3A_2 = vector.load %arg2[%get3A, %get3A_0, %get3A_1] : memref<1x1024x128xf32, #tpu.memory_space<vmem>>, vector<1x1024x128xf32>
    %get3A_3 = vector.shape_cast %get3A_2 : vector<1x1024x128xf32> to vector<1024x128xf32>
    %get3A_4 = arith.constant 0 : index
    %get3A_5 = arith.constant 0 : index
    %get3A_6 = vector.load %arg4[%get3A_4, %get3A_5] : memref<384x256xf32, #tpu.memory_space<vmem>>, vector<128x256xf32>
    %dot_general3A = arith.constant dense<0.000000e+00> : vector<1024x256xf32>
    %dot_general3A_7 = tpu.matmul %get3A_3, %get3A_6, %dot_general3A {dimension_numbers = #tpu.dot_dimension_numbers<[1], [0], [0], [1], [0, 0, 1, 1], [], []>, transpose_lhs_hint = false} : vector<1024x128xf32>, vector<128x256xf32>, vector<1024x256xf32> -> vector<1024x256xf32>
    %get3A_8 = arith.constant 0 : index
    %get3A_9 = arith.constant 0 : index
    %get3A_10 = arith.constant 0 : index
    %get3A_11 = vector.load %arg3[%get3A_8, %get3A_9, %get3A_10] : memref<1x1024x256xf32, #tpu.memory_space<vmem>>, vector<1x1024x256xf32>
    %get3A_12 = vector.shape_cast %get3A_11 : vector<1x1024x256xf32> to vector<1024x256xf32>
    %get3A_13 = arith.constant 128 : index
    %get3A_14 = arith.constant 0 : index
    %get3A_15 = vector.load %arg4[%get3A_13, %get3A_14] : memref<384x256xf32, #tpu.memory_space<vmem>>, vector<256x256xf32>
    %dot_general3A_16 = arith.constant dense<0.000000e+00> : vector<1024x256xf32>
    %dot_general3A_17 = tpu.matmul %get3A_12, %get3A_15, %dot_general3A_16 {dimension_numbers = #tpu.dot_dimension_numbers<[1], [0], [0], [1], [0, 0, 1, 1], [], []>, transpose_lhs_hint = false} : vector<1024x256xf32>, vector<256x256xf32>, vector<1024x256xf32> -> vector<1024x256xf32>
    %add3A = arith.addf %dot_general3A_7, %dot_general3A_17 : vector<1024x256xf32>
    %get3A_18 = arith.constant 0 : index
    %get3A_19 = arith.constant 0 : index
    %get3A_20 = vector.load %arg5[%get3A_18, %get3A_19] : memref<1x256xf32, #tpu.memory_space<vmem>>, vector<1x256xf32>
    %add3A_21 = vector.broadcast %get3A_20 : vector<1x256xf32> to vector<1024x256xf32>
    %add3A_22 = arith.addf %add3A, %add3A_21 : vector<1024x256xf32>
    %convert_element_type3A = arith.truncf %add3A_22 : vector<1024x256xf32> to vector<1024x256xbf16>
    %swap3A = arith.constant 0 : index
    %swap3A_23 = arith.constant 0 : index
    %swap3A_24 = arith.constant 0 : index
    %swap3A_25 = vector.load %arg6[%swap3A, %swap3A_23, %swap3A_24] : memref<1x1024x256xbf16, #tpu.memory_space<vmem>>, vector<1x1024x256xbf16>
    %swap3A_26 = vector.shape_cast %swap3A_25 : vector<1x1024x256xbf16> to vector<1024x256xbf16>
    %swap3A_27 = vector.shape_cast %convert_element_type3A : vector<1024x256xbf16> to vector<1x1024x256xbf16>
    tpu.vector_store %arg6[%swap3A, %swap3A_23, %swap3A_24], %swap3A_27 {strides = array<i32>} : memref<1x1024x256xbf16, #tpu.memory_space<vmem>>, vector<1x1024x256xbf16>,
    %reduce_sum3A = arith.constant dense<0.000000e+00> : vector<256xf32>
    %reduce_sum3A_28 = vector.multi_reduction <add>, %add3A_22, %reduce_sum3A [0] : vector<1024x256xf32> to vector<256xf32>
    %broadcast_in_dim3A = vector.shape_cast %reduce_sum3A_28 : vector<256xf32> to vector<1x256xf32>
    %mul3A = arith.mulf %add3A_22, %add3A_22 : vector<1024x256xf32>
    %reduce_sum3A_29 = arith.constant dense<0.000000e+00> : vector<256xf32>
    %reduce_sum3A_30 = vector.multi_reduction <add>, %mul3A, %reduce_sum3A_29 [0] : vector<1024x256xf32> to vector<256xf32>
    %broadcast_in_dim3A_31 = vector.shape_cast %reduce_sum3A_30 : vector<256xf32> to vector<1x256xf32>
    %eq3A = arith.constant 0 : i32
    %eq3A_32 = arith.cmpi eq, %arg0, %eq3A : i32
    %eq3A_33 = arith.constant 0 : i32
    %eq3A_34 = arith.cmpi eq, %arg1, %eq3A_33 : i32
    %and3A = arith.andi %eq3A_32, %eq3A_34 : i1
    %convert_element_type3A_35 = arith.extui %and3A : i1 to i32
    %cond3A = arith.constant 0 : i32
    %cond3A_36 = arith.cmpi ne, %convert_element_type3A_35, %cond3A : i32
    scf.if %cond3A_36 {
      %swap3A_41 = arith.constant 0 : index
      %swap3A_42 = arith.constant 0 : index
      %swap3A_43 = vector.load %arg7[%swap3A_41, %swap3A_42] : memref<1x256xf32, #tpu.memory_space<vmem>>, vector<1x256xf32>
      tpu.vector_store %arg7[%swap3A_41, %swap3A_42], %broadcast_in_dim3A {strides = array<i32>} : memref<1x256xf32, #tpu.memory_space<vmem>>, vector<1x256xf32>,
      %swap3A_44 = arith.constant 0 : index
      %swap3A_45 = arith.constant 0 : index
      %swap3A_46 = vector.load %arg8[%swap3A_44, %swap3A_45] : memref<1x256xf32, #tpu.memory_space<vmem>>, vector<1x256xf32>
      tpu.vector_store %arg8[%swap3A_44, %swap3A_45], %broadcast_in_dim3A_31 {strides = array<i32>} : memref<1x256xf32, #tpu.memory_space<vmem>>, vector<1x256xf32>,
    } else {
    }
    %not3A = arith.constant true
    %not3A_37 = arith.xori %and3A, %not3A : i1
    %convert_element_type3A_38 = arith.extui %not3A_37 : i1 to i32
    %cond3A_39 = arith.constant 0 : i32
    %cond3A_40 = arith.cmpi ne, %convert_element_type3A_38, %cond3A_39 : i32
    scf.if %cond3A_40 {
      %get3A_41 = arith.constant 0 : index
      %get3A_42 = arith.constant 0 : index
      %get3A_43 = vector.load %arg7[%get3A_41, %get3A_42] : memref<1x256xf32, #tpu.memory_space<vmem>>, vector<1x256xf32>
      %add3A_44 = arith.addf %get3A_43, %broadcast_in_dim3A : vector<1x256xf32>
      %swap3A_45 = arith.constant 0 : index
      %swap3A_46 = arith.constant 0 : index
      %swap3A_47 = vector.load %arg7[%swap3A_45, %swap3A_46] : memref<1x256xf32, #tpu.memory_space<vmem>>, vector<1x256xf32>
      tpu.vector_store %arg7[%swap3A_45, %swap3A_46], %add3A_44 {strides = array<i32>} : memref<1x256xf32, #tpu.memory_space<vmem>>, vector<1x256xf32>,
      %get3A_48 = arith.constant 0 : index
      %get3A_49 = arith.constant 0 : index
      %get3A_50 = vector.load %arg8[%get3A_48, %get3A_49] : memref<1x256xf32, #tpu.memory_space<vmem>>, vector<1x256xf32>
      %add3A_51 = arith.addf %get3A_50, %broadcast_in_dim3A_31 : vector<1x256xf32>
      %swap3A_52 = arith.constant 0 : index
      %swap3A_53 = arith.constant 0 : index
      %swap3A_54 = vector.load %arg8[%swap3A_52, %swap3A_53] : memref<1x256xf32, #tpu.memory_space<vmem>>, vector<1x256xf32>
      tpu.vector_store %arg8[%swap3A_52, %swap3A_53], %add3A_51 {strides = array<i32>} : memref<1x256xf32, #tpu.memory_space<vmem>>, vector<1x256xf32>,
    } else {
    }
    return
  }
  func.func @transform_0(%arg0: i32, %arg1: i32) -> (i32, i32, i32) {
    %c0_i32 = arith.constant 0 : i32
    %c0_i32_0 = arith.constant 0 : i32
    return %arg0, %arg1, %c0_i32 : i32, i32, i32
  }
  func.func @transform_1(%arg0: i32, %arg1: i32) -> (i32, i32, i32) {
    %c0_i32 = arith.constant 0 : i32
    %c0_i32_0 = arith.constant 0 : i32
    return %arg0, %arg1, %c0_i32 : i32, i32, i32
  }
  func.func @transform_2(%arg0: i32, %arg1: i32) -> (i32, i32) {
    %c0_i32 = arith.constant 0 : i32
    %c0_i32_0 = arith.constant 0 : i32
    %c0_i32_1 = arith.constant 0 : i32
    return %c0_i32, %c0_i32_0 : i32, i32
  }
  func.func @transform_3(%arg0: i32, %arg1: i32) -> (i32, i32) {
    %c0_i32 = arith.constant 0 : i32
    %c0_i32_0 = arith.constant 0 : i32
    %c0_i32_1 = arith.constant 0 : i32
    return %c0_i32, %c0_i32_0 : i32, i32
  }
  func.func @transform_4(%arg0: i32, %arg1: i32) -> (i32, i32, i32) {
    %c0_i32 = arith.constant 0 : i32
    %c0_i32_0 = arith.constant 0 : i32
    return %arg0, %arg1, %c0_i32 : i32, i32, i32
  }
  func.func @transform_5(%arg0: i32, %arg1: i32) -> (i32, i32) {
    %c0_i32 = arith.constant 0 : i32
    %c0_i32_0 = arith.constant 0 : i32
    %c0_i32_1 = arith.constant 0 : i32
    return %c0_i32, %c0_i32_0 : i32, i32
  }
  func.func @transform_6(%arg0: i32, %arg1: i32) -> (i32, i32) {
    %c0_i32 = arith.constant 0 : i32
    %c0_i32_0 = arith.constant 0 : i32
    %c0_i32_1 = arith.constant 0 : i32
    return %c0_i32, %c0_i32_0 : i32, i32
  }
}

module attributes {stable_mosaic.version = 14 : i64} {
  func.func @_k3_body(%arg0: i32, %arg1: i32, %arg2: memref<1x1024x256xbf16, #tpu.memory_space<vmem>>, %arg3: memref<1x256xf32, #tpu.memory_space<vmem>>, %arg4: memref<1x256xf32, #tpu.memory_space<vmem>>, %arg5: memref<256x128xf32, #tpu.memory_space<vmem>>, %arg6: memref<1x128xf32, #tpu.memory_space<vmem>>, %arg7: memref<1x1024x128xbf16, #tpu.memory_space<vmem>>, %arg8: memref<1x128xf32, #tpu.memory_space<vmem>>, %arg9: memref<1x128xf32, #tpu.memory_space<vmem>>) attributes {dimension_semantics = [#tpu.dimension_semantics<arbitrary>, #tpu.dimension_semantics<arbitrary>], iteration_bounds = array<i64: 16, 4>, scalar_prefetch = 0 : i64, scratch_operands = 0 : i64, tpu.core_type = #tpu.core_type<tc>, window_params = [{transform_indices = @transform_0, window_bounds = array<i64: 1, 1024, 256>}, {pipeline_mode = #tpu.pipeline_mode<synchronous>, transform_indices = @transform_1, window_bounds = array<i64: 1, 256>}, {pipeline_mode = #tpu.pipeline_mode<synchronous>, transform_indices = @transform_2, window_bounds = array<i64: 1, 256>}, {pipeline_mode = #tpu.pipeline_mode<synchronous>, transform_indices = @transform_3, window_bounds = array<i64: 256, 128>}, {pipeline_mode = #tpu.pipeline_mode<synchronous>, transform_indices = @transform_4, window_bounds = array<i64: 1, 128>}, {transform_indices = @transform_5, window_bounds = array<i64: 1, 1024, 128>}, {pipeline_mode = #tpu.pipeline_mode<synchronous>, transform_indices = @transform_6, window_bounds = array<i64: 1, 128>}, {pipeline_mode = #tpu.pipeline_mode<synchronous>, transform_indices = @transform_7, window_bounds = array<i64: 1, 128>}]} {
    %get3A = arith.constant 0 : index
    %get3A_0 = arith.constant 0 : index
    %get3A_1 = arith.constant 0 : index
    %get3A_2 = vector.load %arg2[%get3A, %get3A_0, %get3A_1] : memref<1x1024x256xbf16, #tpu.memory_space<vmem>>, vector<1x1024x256xbf16>
    %get3A_3 = vector.shape_cast %get3A_2 : vector<1x1024x256xbf16> to vector<1024x256xbf16>
    %convert_element_type3A = arith.extf %get3A_3 : vector<1024x256xbf16> to vector<1024x256xf32>
    %get3A_4 = arith.constant 0 : index
    %get3A_5 = arith.constant 0 : index
    %get3A_6 = vector.load %arg3[%get3A_4, %get3A_5] : memref<1x256xf32, #tpu.memory_space<vmem>>, vector<1x256xf32>
    %mul3A = vector.broadcast %get3A_6 : vector<1x256xf32> to vector<1024x256xf32>
    %mul3A_7 = arith.mulf %convert_element_type3A, %mul3A : vector<1024x256xf32>
    %get3A_8 = arith.constant 0 : index
    %get3A_9 = arith.constant 0 : index
    %get3A_10 = vector.load %arg4[%get3A_8, %get3A_9] : memref<1x256xf32, #tpu.memory_space<vmem>>, vector<1x256xf32>
    %add3A = vector.broadcast %get3A_10 : vector<1x256xf32> to vector<1024x256xf32>
    %add3A_11 = arith.addf %mul3A_7, %add3A : vector<1024x256xf32>
    %max3A = arith.constant 0.000000e+00 : f32
    %max3A_12 = vector.broadcast %max3A : f32 to vector<1024x256xf32>
    %max3A_13 = arith.maximumf %add3A_11, %max3A_12 : vector<1024x256xf32>
    %get3A_14 = arith.constant 0 : index
    %get3A_15 = arith.constant 0 : index
    %get3A_16 = vector.load %arg5[%get3A_14, %get3A_15] : memref<256x128xf32, #tpu.memory_space<vmem>>, vector<256x128xf32>
    %dot_general3A = arith.constant dense<0.000000e+00> : vector<1024x128xf32>
    %dot_general3A_17 = tpu.matmul %max3A_13, %get3A_16, %dot_general3A {dimension_numbers = #tpu.dot_dimension_numbers<[1], [0], [0], [1], [0, 0, 1, 1], [], []>, transpose_lhs_hint = false} : vector<1024x256xf32>, vector<256x128xf32>, vector<1024x128xf32> -> vector<1024x128xf32>
    %get3A_18 = arith.constant 0 : index
    %get3A_19 = arith.constant 0 : index
    %get3A_20 = vector.load %arg6[%get3A_18, %get3A_19] : memref<1x128xf32, #tpu.memory_space<vmem>>, vector<1x128xf32>
    %add3A_21 = vector.broadcast %get3A_20 : vector<1x128xf32> to vector<1024x128xf32>
    %add3A_22 = arith.addf %dot_general3A_17, %add3A_21 : vector<1024x128xf32>
    %convert_element_type3A_23 = arith.truncf %add3A_22 : vector<1024x128xf32> to vector<1024x128xbf16>
    %swap3A = arith.constant 0 : index
    %swap3A_24 = arith.constant 0 : index
    %swap3A_25 = arith.constant 0 : index
    %swap3A_26 = vector.load %arg7[%swap3A, %swap3A_24, %swap3A_25] : memref<1x1024x128xbf16, #tpu.memory_space<vmem>>, vector<1x1024x128xbf16>
    %swap3A_27 = vector.shape_cast %swap3A_26 : vector<1x1024x128xbf16> to vector<1024x128xbf16>
    %swap3A_28 = vector.shape_cast %convert_element_type3A_23 : vector<1024x128xbf16> to vector<1x1024x128xbf16>
    tpu.vector_store %arg7[%swap3A, %swap3A_24, %swap3A_25], %swap3A_28 {strides = array<i32>} : memref<1x1024x128xbf16, #tpu.memory_space<vmem>>, vector<1x1024x128xbf16>,
    %reduce_sum3A = arith.constant dense<0.000000e+00> : vector<128xf32>
    %reduce_sum3A_29 = vector.multi_reduction <add>, %add3A_22, %reduce_sum3A [0] : vector<1024x128xf32> to vector<128xf32>
    %broadcast_in_dim3A = vector.shape_cast %reduce_sum3A_29 : vector<128xf32> to vector<1x128xf32>
    %mul3A_30 = arith.mulf %add3A_22, %add3A_22 : vector<1024x128xf32>
    %reduce_sum3A_31 = arith.constant dense<0.000000e+00> : vector<128xf32>
    %reduce_sum3A_32 = vector.multi_reduction <add>, %mul3A_30, %reduce_sum3A_31 [0] : vector<1024x128xf32> to vector<128xf32>
    %broadcast_in_dim3A_33 = vector.shape_cast %reduce_sum3A_32 : vector<128xf32> to vector<1x128xf32>
    %eq3A = arith.constant 0 : i32
    %eq3A_34 = arith.cmpi eq, %arg0, %eq3A : i32
    %eq3A_35 = arith.constant 0 : i32
    %eq3A_36 = arith.cmpi eq, %arg1, %eq3A_35 : i32
    %and3A = arith.andi %eq3A_34, %eq3A_36 : i1
    %convert_element_type3A_37 = arith.extui %and3A : i1 to i32
    %cond3A = arith.constant 0 : i32
    %cond3A_38 = arith.cmpi ne, %convert_element_type3A_37, %cond3A : i32
    scf.if %cond3A_38 {
      %swap3A_43 = arith.constant 0 : index
      %swap3A_44 = arith.constant 0 : index
      %swap3A_45 = vector.load %arg8[%swap3A_43, %swap3A_44] : memref<1x128xf32, #tpu.memory_space<vmem>>, vector<1x128xf32>
      tpu.vector_store %arg8[%swap3A_43, %swap3A_44], %broadcast_in_dim3A {strides = array<i32>} : memref<1x128xf32, #tpu.memory_space<vmem>>, vector<1x128xf32>,
      %swap3A_46 = arith.constant 0 : index
      %swap3A_47 = arith.constant 0 : index
      %swap3A_48 = vector.load %arg9[%swap3A_46, %swap3A_47] : memref<1x128xf32, #tpu.memory_space<vmem>>, vector<1x128xf32>
      tpu.vector_store %arg9[%swap3A_46, %swap3A_47], %broadcast_in_dim3A_33 {strides = array<i32>} : memref<1x128xf32, #tpu.memory_space<vmem>>, vector<1x128xf32>,
    } else {
    }
    %not3A = arith.constant true
    %not3A_39 = arith.xori %and3A, %not3A : i1
    %convert_element_type3A_40 = arith.extui %not3A_39 : i1 to i32
    %cond3A_41 = arith.constant 0 : i32
    %cond3A_42 = arith.cmpi ne, %convert_element_type3A_40, %cond3A_41 : i32
    scf.if %cond3A_42 {
      %get3A_43 = arith.constant 0 : index
      %get3A_44 = arith.constant 0 : index
      %get3A_45 = vector.load %arg8[%get3A_43, %get3A_44] : memref<1x128xf32, #tpu.memory_space<vmem>>, vector<1x128xf32>
      %add3A_46 = arith.addf %get3A_45, %broadcast_in_dim3A : vector<1x128xf32>
      %swap3A_47 = arith.constant 0 : index
      %swap3A_48 = arith.constant 0 : index
      %swap3A_49 = vector.load %arg8[%swap3A_47, %swap3A_48] : memref<1x128xf32, #tpu.memory_space<vmem>>, vector<1x128xf32>
      tpu.vector_store %arg8[%swap3A_47, %swap3A_48], %add3A_46 {strides = array<i32>} : memref<1x128xf32, #tpu.memory_space<vmem>>, vector<1x128xf32>,
      %get3A_50 = arith.constant 0 : index
      %get3A_51 = arith.constant 0 : index
      %get3A_52 = vector.load %arg9[%get3A_50, %get3A_51] : memref<1x128xf32, #tpu.memory_space<vmem>>, vector<1x128xf32>
      %add3A_53 = arith.addf %get3A_52, %broadcast_in_dim3A_33 : vector<1x128xf32>
      %swap3A_54 = arith.constant 0 : index
      %swap3A_55 = arith.constant 0 : index
      %swap3A_56 = vector.load %arg9[%swap3A_54, %swap3A_55] : memref<1x128xf32, #tpu.memory_space<vmem>>, vector<1x128xf32>
      tpu.vector_store %arg9[%swap3A_54, %swap3A_55], %add3A_53 {strides = array<i32>} : memref<1x128xf32, #tpu.memory_space<vmem>>, vector<1x128xf32>,
    } else {
    }
    return
  }
  func.func @transform_0(%arg0: i32, %arg1: i32) -> (i32, i32, i32) {
    %c0_i32 = arith.constant 0 : i32
    %c0_i32_0 = arith.constant 0 : i32
    return %arg0, %arg1, %c0_i32 : i32, i32, i32
  }
  func.func @transform_1(%arg0: i32, %arg1: i32) -> (i32, i32) {
    %c0_i32 = arith.constant 0 : i32
    %c0_i32_0 = arith.constant 0 : i32
    %c0_i32_1 = arith.constant 0 : i32
    return %c0_i32, %c0_i32_0 : i32, i32
  }
  func.func @transform_2(%arg0: i32, %arg1: i32) -> (i32, i32) {
    %c0_i32 = arith.constant 0 : i32
    %c0_i32_0 = arith.constant 0 : i32
    %c0_i32_1 = arith.constant 0 : i32
    return %c0_i32, %c0_i32_0 : i32, i32
  }
  func.func @transform_3(%arg0: i32, %arg1: i32) -> (i32, i32) {
    %c0_i32 = arith.constant 0 : i32
    %c0_i32_0 = arith.constant 0 : i32
    %c0_i32_1 = arith.constant 0 : i32
    return %c0_i32, %c0_i32_0 : i32, i32
  }
  func.func @transform_4(%arg0: i32, %arg1: i32) -> (i32, i32) {
    %c0_i32 = arith.constant 0 : i32
    %c0_i32_0 = arith.constant 0 : i32
    %c0_i32_1 = arith.constant 0 : i32
    return %c0_i32, %c0_i32_0 : i32, i32
  }
  func.func @transform_5(%arg0: i32, %arg1: i32) -> (i32, i32, i32) {
    %c0_i32 = arith.constant 0 : i32
    %c0_i32_0 = arith.constant 0 : i32
    return %arg0, %arg1, %c0_i32 : i32, i32, i32
  }
  func.func @transform_6(%arg0: i32, %arg1: i32) -> (i32, i32) {
    %c0_i32 = arith.constant 0 : i32
    %c0_i32_0 = arith.constant 0 : i32
    %c0_i32_1 = arith.constant 0 : i32
    return %c0_i32, %c0_i32_0 : i32, i32
  }
  func.func @transform_7(%arg0: i32, %arg1: i32) -> (i32, i32) {
    %c0_i32 = arith.constant 0 : i32
    %c0_i32_0 = arith.constant 0 : i32
    %c0_i32_1 = arith.constant 0 : i32
    return %c0_i32, %c0_i32_0 : i32, i32
  }
}

module attributes {stable_mosaic.version = 14 : i64} {
  func.func @_k4_body(%arg0: i32, %arg1: i32, %arg2: memref<1x1024x128xbf16, #tpu.memory_space<vmem>>, %arg3: memref<1x128xf32, #tpu.memory_space<vmem>>, %arg4: memref<1x128xf32, #tpu.memory_space<vmem>>, %arg5: memref<1x1024x128xf32, #tpu.memory_space<vmem>>) attributes {dimension_semantics = [#tpu.dimension_semantics<arbitrary>, #tpu.dimension_semantics<arbitrary>], iteration_bounds = array<i64: 16, 4>, scalar_prefetch = 0 : i64, scratch_operands = 0 : i64, tpu.core_type = #tpu.core_type<tc>, window_params = [{transform_indices = @transform_0, window_bounds = array<i64: 1, 1024, 128>}, {pipeline_mode = #tpu.pipeline_mode<synchronous>, transform_indices = @transform_1, window_bounds = array<i64: 1, 128>}, {pipeline_mode = #tpu.pipeline_mode<synchronous>, transform_indices = @transform_2, window_bounds = array<i64: 1, 128>}, {transform_indices = @transform_3, window_bounds = array<i64: 1, 1024, 128>}]} {
    %get3A = arith.constant 0 : index
    %get3A_0 = arith.constant 0 : index
    %get3A_1 = arith.constant 0 : index
    %get3A_2 = vector.load %arg2[%get3A, %get3A_0, %get3A_1] : memref<1x1024x128xbf16, #tpu.memory_space<vmem>>, vector<1x1024x128xbf16>
    %get3A_3 = vector.shape_cast %get3A_2 : vector<1x1024x128xbf16> to vector<1024x128xbf16>
    %convert_element_type3A = arith.extf %get3A_3 : vector<1024x128xbf16> to vector<1024x128xf32>
    %get3A_4 = arith.constant 0 : index
    %get3A_5 = arith.constant 0 : index
    %get3A_6 = vector.load %arg3[%get3A_4, %get3A_5] : memref<1x128xf32, #tpu.memory_space<vmem>>, vector<1x128xf32>
    %mul3A = vector.broadcast %get3A_6 : vector<1x128xf32> to vector<1024x128xf32>
    %mul3A_7 = arith.mulf %convert_element_type3A, %mul3A : vector<1024x128xf32>
    %get3A_8 = arith.constant 0 : index
    %get3A_9 = arith.constant 0 : index
    %get3A_10 = vector.load %arg4[%get3A_8, %get3A_9] : memref<1x128xf32, #tpu.memory_space<vmem>>, vector<1x128xf32>
    %add3A = vector.broadcast %get3A_10 : vector<1x128xf32> to vector<1024x128xf32>
    %add3A_11 = arith.addf %mul3A_7, %add3A : vector<1024x128xf32>
    %max3A = arith.constant 0.000000e+00 : f32
    %max3A_12 = vector.broadcast %max3A : f32 to vector<1024x128xf32>
    %max3A_13 = arith.maximumf %add3A_11, %max3A_12 : vector<1024x128xf32>
    %swap3A = arith.constant 0 : index
    %swap3A_14 = arith.constant 0 : index
    %swap3A_15 = arith.constant 0 : index
    %swap3A_16 = vector.load %arg5[%swap3A, %swap3A_14, %swap3A_15] : memref<1x1024x128xf32, #tpu.memory_space<vmem>>, vector<1x1024x128xf32>
    %swap3A_17 = vector.shape_cast %swap3A_16 : vector<1x1024x128xf32> to vector<1024x128xf32>
    %swap3A_18 = vector.shape_cast %max3A_13 : vector<1024x128xf32> to vector<1x1024x128xf32>
    tpu.vector_store %arg5[%swap3A, %swap3A_14, %swap3A_15], %swap3A_18 {strides = array<i32>} : memref<1x1024x128xf32, #tpu.memory_space<vmem>>, vector<1x1024x128xf32>,
    return
  }
  func.func @transform_0(%arg0: i32, %arg1: i32) -> (i32, i32, i32) {
    %c0_i32 = arith.constant 0 : i32
    %c0_i32_0 = arith.constant 0 : i32
    return %arg0, %arg1, %c0_i32 : i32, i32, i32
  }
  func.func @transform_1(%arg0: i32, %arg1: i32) -> (i32, i32) {
    %c0_i32 = arith.constant 0 : i32
    %c0_i32_0 = arith.constant 0 : i32
    %c0_i32_1 = arith.constant 0 : i32
    return %c0_i32, %c0_i32_0 : i32, i32
  }
  func.func @transform_2(%arg0: i32, %arg1: i32) -> (i32, i32) {
    %c0_i32 = arith.constant 0 : i32
    %c0_i32_0 = arith.constant 0 : i32
    %c0_i32_1 = arith.constant 0 : i32
    return %c0_i32, %c0_i32_0 : i32, i32
  }
  func.func @transform_3(%arg0: i32, %arg1: i32) -> (i32, i32, i32) {
    %c0_i32 = arith.constant 0 : i32
    %c0_i32_0 = arith.constant 0 : i32
    return %arg0, %arg1, %c0_i32 : i32, i32, i32
  }
}

</mosaic_0001>

<sc_bundles>
// kernel: _forward_impl.7.cloned.1.call-start
scs
__scs_entry_jumppad:
0x0: {  	(pc) =	sbr.rel $0x88, $3  }
0x1: {  	(tag) =	ssettag $0x0;
	lr =	simm.s32 $0x1  }
0x2: {  	[smem:$0x3F95] =	sst lr;
	_ =	strace $0xD0000000  }
0x3: {  	_ = 	snop  }
0x4: {  	_ = 	snop  }
0x5: {  	_ = 	snop  }
0x6: {  	_ = 	snop  }
0x7: {  	_ = 	snop  }
__scs_overlays_trampoline_lowered:
0x8: {  	[smem:$0x3FA4] =	sst s0  }
0x9: {  	[smem:$0x3FA5] =	sst s1  }
0xa: {  	[smem:$0x3FA6] =	sst s2  }
0xb: {  	[smem:$0x3FA7] =	sst s3  }
0xc: {  	[smem:$0x3FA8] =	sst s4  }
0xd: {  	[smem:$0x3FA9] =	sst s5  }
0xe: {  	[smem:$0x3FAA] =	sst s6  }
0xf: {  	[smem:$0x3FAB] =	sst s7  }
0x10: {  	[smem:$0x3FAC] =	sst s8  }
0x11: {  	[smem:$0x3FAD] =	sst s9;
	s0 =	simm.s32 @!p0 $0x0  }
0x12: {  	s1 =	sld [smem:$0x3F93];
	s0 =	simm.s32 @p0 $0x1  }
0x13: {  	[smem:$0x3FAE] =	sst s0;
	s0 =	simm.s32 @!p1 $0x0  }
0x14: {  	s2 =	sld [smem:$0x3F92];
	s0 =	simm.s32 @p1 $0x1  }
0x15: {  	[smem:$0x3FAF] =	sst s0;
	s0 =	simm.s32 @!p2 $0x0  }
0x16: {  	s3 =	sld [smem:$0x3FDB];
	s0 =	simm.s32 @p2 $0x1  }
0x17: {  	s4 =	simm.s32 $0x1BF5;
	[smem:$0x3FB1] =	sst s0  }
0x18: {  	s0 =	sld [smem:$0x3F94];
	_ =	swait.ge [sflag:s4], $0x0  }
0x19: {  	s7 =	sld [smem:$0x3F95]  }
0x1a: {  	s8 =	sadd.s32 $0xFFFFE003, lr  }
0x1b: {  	s9 =	sadd.s32 $0xFFFFFEF7, lr;
	s5 =	simm.s32 $0xFFFFFFFF;
	p2 =	slt.u32 s8, $0xFFFFF086  }
0x1c: {  	p1 =	slt.u32 s9, $0xF7A;
	s5 =	simm.s32 @!p2 $0x0  }
0x1d: {  	s5 =	simm.s32 @p1 $0x1;
	p0 =	seq.s32 s7, s2  }
0x1e: {  	s7 =	smul.u32 @!p0 $0xF7A, s2;
	p2 =	seq.s32 @!p0 s5, $0x0  }
0x1f: {  	s9 =	smul.u32 $0xF7A, s1;
	s8 =	simm.s32 @!p0 $0x1BF5;
	p2 =	por !p2, p0  }
0x20: {  	[sflag:s8] =	ssyncset.s32 @!p0 $0xFFFFF086;
	s6 =	sadd.s32 @!p0 s3, s7;
	s7 =	simm.s32 @!p0 $0x108  }
0x21: {  	s3 =	sadd.s32 s3, s9;
	s6 =	sadd.s32 @!p0 $0x88, s6;
	s7 =	simm.s32 @p2 $0x1082  }
0x22: {  	[simem:s7], [sflag:s8] =	dma.local @!p0 [hbm:s6], $0xF7A  }
0x23: {  	s9 =	sor.u32 $0xD0000000, s2;
	s6 =	simm.s32 $0x108;
	_ =	swait.ge @!p0 [sflag:s8], $0x0  }
0x24: {  	s3 =	sadd.s32 $0x88, s3;
	s6 =	simm.s32 @!p1 $0x1082;
	[sflag:s4] =	ssyncset.s32 $0xFFFFF086  }
0x25: {  	[simem:s6], [sflag:s4] =	dma.local [hbm:s3], $0xF7A  }
0x26: {  	[smem:$0x3F95] =	sst s1;
	(tag) =	ssettag s2;
	_ =	strace s9  }
0x27: {  	s1 =	sld [smem:$0x3FA5]  }
0x28: {  	s2 =	sld [smem:$0x3FA6]  }
0x29: {  	s4 =	sld [smem:$0x3FA8]  }
0x2a: {  	p0 =	seq.s32 s5, $0x0;
	s5 =	sld [smem:$0x3FA9]  }
0x2b: {  	s6 =	sld [smem:$0x3FAA]  }
0x2c: {  	s7 =	sld [smem:$0x3FAB]  }
0x2d: {  	s3 =	simm.s32 $0x108;
	s8 =	sld [smem:$0x3FAC]  }
0x2e: {  	s3 =	simm.s32 @!p0 $0x1082;
	s9 =	sld [smem:$0x3FAD]  }
0x2f: {  	lr =	sadd.s32 s0, s3;
	s0 =	sld [smem:$0x3FA4]  }
0x30: {  	s3 =	sld [smem:$0x3FA7]  }
0x31: {  	[smem:$0x3FB0] =	sst s10  }
0x32: {  	s10 =	sld [smem:$0x3FAE];
	_ =	sdelay $0x3  }
0x33: {  	p0 =	seq.s32 s10, $0x1;
	s10 =	sld [smem:$0x3FB0];
	_ =	sdelay $0x3  }
0x34: {  	[smem:$0x3FB0] =	sst s10  }
0x35: {  	s10 =	sld [smem:$0x3FAF];
	_ =	sdelay $0x3  }
0x36: {  	p1 =	seq.s32 s10, $0x1;
	s10 =	sld [smem:$0x3FB0];
	_ =	sdelay $0x3  }
0x37: {  	[smem:$0x3FB0] =	sst s10  }
0x38: {  	s10 =	sld [smem:$0x3FB1]  }
0x39: {  	_ = 	snop;
	(pc) =	sbr.ind lr, $3  }
0x3a: {  	_ = 	snop  }
0x3b: {  	_ = 	snop  }
0x3c: {  	p2 =	seq.s32 s10, $0x1;
	s10 =	sld [smem:$0x3FB0]  }
0x3d: {  	_ =	shalt  }
0x3e: {  	_ =	shalt  }
0x3f: {  	_ =	shalt  }
0x40: {  	_ =	shalt  }
0x41: {  	_ =	shalt  }
0x42: {  	_ =	shalt  }
0x43: {  	_ =	shalt  }
0x44: {  	_ =	shalt  }
0x45: {  	_ =	shalt  }
0x46: {  	_ =	shalt  }
0x47: {  	_ =	shalt  }
0x48: {  	_ =	shalt  }
0x49: {  	_ =	shalt  }
0x4a: {  	_ =	shalt  }
0x4b: {  	_ =	shalt  }
0x4c: {  	_ =	shalt  }
0x4d: {  	_ =	shalt  }
0x4e: {  	_ =	shalt  }
0x4f: {  	_ =	shalt  }
0x50: {  	_ =	shalt  }
0x51: {  	_ =	shalt  }
0x52: {  	_ =	shalt  }
0x53: {  	_ =	shalt  }
0x54: {  	_ =	shalt  }
0x55: {  	_ =	shalt  }
0x56: {  	_ =	shalt  }
0x57: {  	_ =	shalt  }
0x58: {  	_ =	shalt  }
0x59: {  	_ =	shalt  }
0x5a: {  	_ =	shalt  }
0x5b: {  	_ =	shalt  }
0x5c: {  	_ =	shalt  }
0x5d: {  	_ =	shalt  }
0x5e: {  	_ =	shalt  }
0x5f: {  	_ =	shalt  }
0x60: {  	_ =	shalt  }
0x61: {  	_ =	shalt  }
0x62: {  	_ =	shalt  }
0x63: {  	_ =	shalt  }
0x64: {  	_ =	shalt  }
0x65: {  	_ =	shalt  }
0x66: {  	_ =	shalt  }
0x67: {  	_ =	shalt  }
0x68: {  	_ =	shalt  }
0x69: {  	_ =	shalt  }
0x6a: {  	_ =	shalt  }
0x6b: {  	_ =	shalt  }
0x6c: {  	_ =	shalt  }
0x6d: {  	_ =	shalt  }
0x6e: {  	_ =	shalt  }
0x6f: {  	_ =	shalt  }
0x70: {  	_ =	shalt  }
0x71: {  	_ =	shalt  }
0x72: {  	_ =	shalt  }
0x73: {  	_ =	shalt  }
0x74: {  	_ =	shalt  }
0x75: {  	_ =	shalt  }
0x76: {  	_ =	shalt  }
0x77: {  	_ =	shalt  }
0x78: {  	_ =	shalt  }
0x79: {  	_ =	shalt  }
0x7a: {  	_ =	shalt  }
0x7b: {  	_ =	shalt  }
0x7c: {  	_ =	shalt  }
0x7d: {  	_ =	shalt  }
0x7e: {  	_ =	shalt  }
0x7f: {  	_ =	shalt  }
0x80: {  	_ =	shalt  }
0x81: {  	_ =	shalt  }
0x82: {  	_ =	shalt  }
0x83: {  	_ =	shalt  }
0x84: {  	_ =	shalt  }
0x85: {  	_ =	shalt  }
0x86: {  	_ =	shalt  }
0x87: {  	_ =	shalt  }
.Lfunc_end0:
.L_simem_size_0:
called_computation_lowered:
.L_overlay_start_0:
0x88: {  	s2 =	sld [smem:$0x3FD9]  }
0x89: {  	s3 =	sld [smem:$0x3FFE];
	_ =	sdelay $0x1  }
0x8a: {  	s1 =	srdreg.scid  }
0x8b: {  	s0 =	sand.u32 $0x1, s1  }
0x8c: {  	s17 =	sshll.u32 s0, $0xA;
	s2 =	sadd.s32 s3, s2  }
0x8d: {  	s2 =	sadd.s32 s2, s17  }
0x8e: {  	[smem:$0x3FBC] =	sst s2  }
0x8f: {  	_ = 	snop  }
0x90: {  	s2 =	sld [smem:$0x3FC6]  }
0x91: {  	s18 =	sld [smem:$0x3FD0];
	(tm) =	ssettm $0x1  }
0x92: {  	s4 =	sld [smem:$0x3FFB];
	_ =	sdelay $0x3  }
0x93: {  	_ =	strace s4  }
0x94: {  	s4 =	sld [smem:$0x3FFC];
	_ =	sdelay $0x3  }
0x95: {  	_ =	strace s4  }
0x96: {  	s4 =	sld [smem:$0x3FFD];
	_ =	sdelay $0x3  }
0x97: {  	_ =	strace s4  }
0x98: {  	_ =	strace $0x8FFFFFFF  }
0x99: {  	s19 =	sld [smem:$0x3FDB];
	_ =	sdelay $0x1  }
0x9a: {  	s5 =	simm.s32 $_scs_section_size  }
0x9b: {  	s6 =	simm.s32 $_size__tile_overlayer_lowered;
	s7 =	simm.s32 $_tile_overlayer_lowered  }
0x9c: {  	s22 =	simm.s32 $0x1BFF;
	s21 =	sshll.u32 s7, $0x1;
	s4 =	sadd.s32 s5, s19  }
0x9d: {  	s8 =	simm.s32 $0x0;
	s20 =	sshll.u32 s6, $0x1;
	s6 =	sadd.s32 s21, s4  }
0x9e: {  	[timem:s8], [sflag:s22] =	dma.local [hbm:s6], s20  }
0x9f: {  	_ =	swait.ge [sflag:s22], s20  }
0xa0: {  	s5 =	ssub.s32 $0x0, s20;
	[sflag:s22] =	ssyncset.done $0x0  }
0xa1: {  	[sflag:s22] =	ssyncadd.s32 s5;
	_ =	sdelay $0x1  }
0xa2: {  	s23 =	simm.s32 $0x1B8B  }
0xa3: {  	_ =	swait.ge [sflag:s23], $0x1  }
0xa4: {  	[sflag:s23] =	ssyncset.done $0x0  }
0xa5: {  	s25 =	simm.s32 $0x1B8E;
	s24 =	sld [smem:$0x3FFE];
	[sflag:s23] =	ssyncadd.s32 $0xFFFFFFFF  }
0xa6: {  	s26 =	simm.s32 $execute0_lowered;
	[smem:$0x3FD2] =	sst s25  }
0xa7: {  	s6 =	sshll.u32 s26, $0x1;
	_ =	strace $0x80000046;
	[dreg:$0x1] =	wrdreg $0xFFFFFFFF  }
0xa8: {  	s28 =	simm.s32 $_size_execute0_lowered;
	s4 =	sadd.s32 s4, s6;
	[dreg:$0x0] =	wrdreg $0x0  }
0xa9: {  	s6 =	sshll.u32 s28, $0x1;
	[dreg:$0x2] =	wrdreg s4  }
0xaa: {  	[dreg:$0x3] =	wrdreg s6  }
0xab: {  	[dreg:$0x4] =	wrdreg $0xC0  }
0xac: {  	_ =	task [dreg:s8], $0x5FFFF  }
0xad: {  	[dreg:$0x1] =	wrdreg $0xFFFFFFFF  }
0xae: {  	[dreg:$0x0] =	wrdreg $0x60  }
0xaf: {  	[dreg:$0x2] =	wrdreg s18  }
0xb0: {  	[dreg:$0x3] =	wrdreg s24  }
0xb1: {  	[dreg:$0x4] =	wrdreg s2  }
0xb2: {  	[dreg:$0x5] =	wrdreg $0x9  }
0xb3: {  	_ =	task.clear_ibuf [dreg:s8], $0x6FFFF;
	_ =	strace $0x90000046  }
0xb4: {  	s29 =	simm.s32 $0x9;
	_ =	strace $0x80000048  }
0xb5: {  	_ =	swait.ge [sflag:s29], $0x1  }
0xb6: {  	[sflag:s29] =	ssyncadd.s32 $0xFFFFFFFF  }
0xb7: {  	_ =	strace $0x90000048  }
0xb8: {  	_ =	sfence  }
0xb9: {  	s30 =	sld [smem:$0x0];
	_ =	sdelay $0x2  }
0xba: {  	s31 =	sshll.u32 s1, $0xD;
	s1 =	sshrl.u32 s1, $0x2  }
0xbb: {  	s3 =	sand.u32 $0x4000, s31;
	s1 =	sadd.s32 s1, s30  }
0xbc: {  	s0 =	sor.u32 s3, s0;
	s1 =	sshll.u32 s1, $0x11  }
0xbd: {  	s0 =	sor.u32 s1, s0  }
0xbe: {  	s0 =	sadd.s32 $0x8F2B, s0  }
0xbf: {  	[sflag:s0] =	ssyncadd.remote.s32 $0x1  }
0xc0: {  	_ =	sfence.sel $0xFFFF  }
0xc1: {  	[dreg:$0x0] =	wrdreg $0xFFFFFFFF;
	(pc) =	sbr.abs _section_cstart, $3  }
0xc2: {  	[dreg:$0x1] =	wrdreg $0xFFFFFFFF  }
0xc3: {  	_ =	task.clear_ibuf [dreg:s8], $0x2FFFF;
	_ =	strace $0x9FFFFFFF  }
0xc4: {  	(tm) =	ssettm $0x7FFFFFFF  }
0xc5: {  	_ =	shalt  }
tec
execute0_lowered:
.L_overlay_start_1:
0x0: {  	(tag) =	ssettag $0x1  }
0x1: {  	s0 =	rddreg [dreg:$0x0]  }
0x2: {  	s3 =	rddreg [dreg:$0x1]  }
0x3: {  	s1 =	rddreg [dreg:$0x2]  }
0x4: {  	s2 =	simm.s32 $0x0;
	s5 =	srdreg.scid;
	s6 =	stileid.u32  }
0x5: {  	s12 =	simm.s32 $0x2000;
	s28 =	simm.s32 $0x8000;
	s31 =	simm.s32 $0x9800  }
0x6: {  	s10 =	simm.s32 $0xC000;
	s11 =	simm.s32 $0xC800;
	s13 =	simm.s32 $0xD000  }
0x7: {  	s14 =	simm.s32 $0xD800;
	s15 =	simm.s32 $0x11000;
	s16 =	simm.s32 $0x1  }
0x8: {  	s17 =	simm.s32 $0x2;
	s18 =	simm.s32 $0x3;
	s21 =	simm.s32 $0x0  }
0x9: {  	[smem:$0x7FF] =	sst s2;
	s4 =	sadd.s32 $0x1A00, s3;
	s5 =	sand.u32 $0x1, s5  }
0xa: {  	s6 =	sshll.u32 s6, $0xC;
	s7 =	ssub.s32 $0x2, s5;
	s8 =	sshll.u32 s5, $0xB  }
0xb: {  	_ =	strace $0x80000047;
	s24 =	sshrl.u32 s7, $0x1;
	s6 =	sor.u32 s8, s6  }
0xc: {  	s5 =	sadd.s32 $0x301A00, s3;
	s3 =	ssub.s32 s7, s24;
	s25 =	sshrl.u32 s6, $0x1  }
0xd: {  	s8 =	sshll.u32 s6, $0x4;
	s29 =	sshll.u32 s6, $0x5;
	s24 =	simm.s32 $0x1000  }
0xe: {  	s7 =	simm.s32 $0xB000;
	s0 =	sadd.s32 s0, s25;
	s26 =	sadd.s32 s4, s8  }
0xf: {  	v2 =	vlaneseq.u32;
	s9 =	sadd.s32 s5, s29;
	s30 =	smax.u32 s3, $0x1;
	[dreg:$0x4] =	wrdreg s0  }
0x10: {  	vm0 =	vmmov $0xffff;
	v1 =	vshrl.u32 v2, $0x3;
	s25 =	simm.s32 $0x800000;
	s3 =	simm.s32 $0xA800;
	[dreg:$0x5] =	wrdreg s26  }
0x11: {  	v0 =	vand.u32 $0x7, v2;
	v2 =	vor.u32 $0x8, v2;
	v1 =	vmul.u32 $0x8, v1;
	s8 =	simm.s32 $0xB800;
	[dreg:$0x6] =	wrdreg s30;
	s0 =	simm.s32 $0xA000  }
.LBB2_1:
0x12: {  	[dreg:$0x7] =	wrdreg s21  }
0x13: {  	s19 =	rddreg [dreg:$0x4];
	s21 =	simm.s32 $0x5  }
0x14: {  	[tilespmem:s2], [sflag:$0x5] =	stream.linear.gather [hbm4b:s19+s2], $0x2000, $0x38;
	[tilespmem:$0x14000] =	vst v63  }
0x15: {  	_ =	swait.ge [sflag:s21], $0x2000  }
0x16: {  	[sflag:s21] =	ssyncset.done $0x0  }
0x17: {  	[sflag:s21] =	ssyncadd.s32 $0xFFFFE000  }
0x18: {  	v3 =	vld [tilespmem:$0x0];
	_ =	sdelay $0x4  }
0x19: {  	v4 =	vshll.u32 v3, $0x1  }
0x1a: {  	v3 =	vand.u32 $0x7, v3;
	v4 =	vand.u32 $0xFFFFFFF0, v4  }
0x1b: {  	v3 =	vor.u32 v3, v4  }
0x1c: {  	v4 =	vperm.xlane v3, v0;
	_ =	sdelay $0x1  }
0x1d: {  	v3 =	vperm.xlane v3, v2;
	v4 =	vadd.s32 v1, v4;
	_ =	sdelay $0x1  }
0x1e: {  	v3 =	vadd.s32 v1, v3;
	_ =	sdelay $0x2  }
0x1f: {  	[tilespmem:s12], [sflag:$0x1] =	stream.indirect_vreg.gather [hbm4b:s1+s2], $0x80, v4, vm0, $0xb8;
	[tilespmem:$0x14000] =	vst v63  }
0x20: {  	s22 =	simm.s32 $0x2800  }
0x21: {  	[tilespmem:s22], [sflag:$0x1] =	stream.indirect_vreg.gather [hbm4b:s1+s2], $0x80, v3, vm0, $0xb8;
	[tilespmem:$0x14000] =	vst v63  }
0x22: {  	v3 =	vld [tilespmem:$0x10];
	_ =	sdelay $0x4  }
0x23: {  	v59 =	vshll.u32 v3, $0x1  }
0x24: {  	v3 =	vand.u32 $0x7, v3;
	v4 =	vand.u32 $0xFFFFFFF0, v59  }
0x25: {  	v3 =	vor.u32 v3, v4  }
0x26: {  	v4 =	vperm.xlane v3, v0;
	_ =	sdelay $0x1  }
0x27: {  	v3 =	vperm.xlane v3, v2;
	v4 =	vadd.s32 v1, v4;
	_ =	sdelay $0x1  }
0x28: {  	v3 =	vadd.s32 v1, v3;
	_ =	sdelay $0x1  }
0x29: {  	s23 =	simm.s32 $0x3000  }
0x2a: {  	[tilespmem:s23], [sflag:$0x1] =	stream.indirect_vreg.gather [hbm4b:s1+s2], $0x80, v4, vm0, $0xb8;
	[tilespmem:$0x14000] =	vst v63  }
0x2b: {  	s26 =	simm.s32 $0x3800  }
0x2c: {  	[tilespmem:s26], [sflag:$0x1] =	stream.indirect_vreg.gather [hbm4b:s1+s2], $0x80, v3, vm0, $0xb8;
	[tilespmem:$0x14000] =	vst v63  }
0x2d: {  	v3 =	vld [tilespmem:$0x80];
	_ =	sdelay $0x4  }
0x2e: {  	v60 =	vshll.u32 v3, $0x1  }
0x2f: {  	v3 =	vand.u32 $0x7, v3;
	v4 =	vand.u32 $0xFFFFFFF0, v60  }
0x30: {  	v3 =	vor.u32 v3, v4  }
0x31: {  	v4 =	vperm.xlane v3, v0;
	_ =	sdelay $0x1  }
0x32: {  	v3 =	vperm.xlane v3, v2;
	v4 =	vadd.s32 v1, v4;
	_ =	sdelay $0x1  }
0x33: {  	v3 =	vadd.s32 v1, v3;
	_ =	sdelay $0x1  }
0x34: {  	s29 =	simm.s32 $0x4000  }
0x35: {  	[tilespmem:s29], [sflag:$0x1] =	stream.indirect_vreg.gather [hbm4b:s1+s2], $0x80, v4, vm0, $0xb8;
	[tilespmem:$0x14000] =	vst v63  }
0x36: {  	s30 =	simm.s32 $0x4800  }
0x37: {  	[tilespmem:s30], [sflag:$0x1] =	stream.indirect_vreg.gather [hbm4b:s1+s2], $0x80, v3, vm0, $0xb8;
	[tilespmem:$0x14000] =	vst v63  }
0x38: {  	v3 =	vld [tilespmem:$0x90];
	_ =	sdelay $0x4  }
0x39: {  	v61 =	vshll.u32 v3, $0x1  }
0x3a: {  	v3 =	vand.u32 $0x7, v3;
	v4 =	vand.u32 $0xFFFFFFF0, v61  }
0x3b: {  	v3 =	vor.u32 v3, v4  }
0x3c: {  	v4 =	vperm.xlane v3, v0;
	_ =	sdelay $0x1  }
0x3d: {  	v3 =	vperm.xlane v3, v2;
	v4 =	vadd.s32 v1, v4;
	_ =	sdelay $0x1  }
0x3e: {  	v3 =	vadd.s32 v1, v3;
	_ =	sdelay $0x1  }
0x3f: {  	s20 =	simm.s32 $0x5000  }
0x40: {  	[tilespmem:s20], [sflag:$0x1] =	stream.indirect_vreg.gather [hbm4b:s1+s2], $0x80, v4, vm0, $0xb8;
	[tilespmem:$0x14000] =	vst v63  }
0x41: {  	s21 =	simm.s32 $0x5800  }
0x42: {  	[tilespmem:s21], [sflag:$0x1] =	stream.indirect_vreg.gather [hbm4b:s1+s2], $0x80, v3, vm0, $0xb8;
	[tilespmem:$0x14000] =	vst v63  }
0x43: {  	v3 =	vld [tilespmem:$0x100];
	_ =	sdelay $0x4  }
0x44: {  	v62 =	vshll.u32 v3, $0x1  }
0x45: {  	v3 =	vand.u32 $0x7, v3;
	v4 =	vand.u32 $0xFFFFFFF0, v62  }
0x46: {  	v3 =	vor.u32 v3, v4  }
0x47: {  	v4 =	vperm.xlane v3, v0;
	_ =	sdelay $0x1  }
0x48: {  	v3 =	vperm.xlane v3, v2;
	v4 =	vadd.s32 v1, v4;
	_ =	sdelay $0x1  }
0x49: {  	v3 =	vadd.s32 v1, v3;
	_ =	sdelay $0x1  }
0x4a: {  	s22 =	simm.s32 $0x6000  }
0x4b: {  	[tilespmem:s22], [sflag:$0x1] =	stream.indirect_vreg.gather [hbm4b:s1+s2], $0x80, v4, vm0, $0xb8;
	[tilespmem:$0x14000] =	vst v63  }
0x4c: {  	s23 =	simm.s32 $0x6800  }
0x4d: {  	[tilespmem:s23], [sflag:$0x1] =	stream.indirect_vreg.gather [hbm4b:s1+s2], $0x80, v3, vm0, $0xb8;
	[tilespmem:$0x14000] =	vst v63  }
0x4e: {  	v3 =	vld [tilespmem:$0x110];
	_ =	sdelay $0x4  }
0x4f: {  	v63 =	vshll.u32 v3, $0x1  }
0x50: {  	v3 =	vand.u32 $0x7, v3;
	v4 =	vand.u32 $0xFFFFFFF0, v63  }
0x51: {  	v3 =	vor.u32 v3, v4  }
0x52: {  	v4 =	vperm.xlane v3, v0;
	_ =	sdelay $0x1  }
0x53: {  	v3 =	vperm.xlane v3, v2;
	v4 =	vadd.s32 v1, v4;
	_ =	sdelay $0x1  }
0x54: {  	v3 =	vadd.s32 v1, v3;
	_ =	sdelay $0x1  }
0x55: {  	s26 =	simm.s32 $0x7000  }
0x56: {  	[tilespmem:s26], [sflag:$0x1] =	stream.indirect_vreg.gather [hbm4b:s1+s2], $0x80, v4, vm0, $0xb8;
	[tilespmem:$0x14000] =	vst v63  }
0x57: {  	s29 =	simm.s32 $0x7800  }
0x58: {  	[tilespmem:s29], [sflag:$0x1] =	stream.indirect_vreg.gather [hbm4b:s1+s2], $0x80, v3, vm0, $0xb8;
	[tilespmem:$0x14000] =	vst v63  }
0x59: {  	s19 =	simm.s32 $0x0;
	s30 =	rddreg [dreg:$0x5];
	s20 =	simm.s32 $0xE000  }
0x5a: {  	[tilespmem:s20], [sflag:$0x1] =	stream.strided.gather [hbm4b:s30+s24], $0x3000, s25, s24, $0x38;
	[tilespmem:$0x14000] =	vst v63  }
.LBB2_2:
0x5b: {  	p0 =	seq.s32 s19, $0x0  }
0x5c: {  	s21 =	sshll.u32 s19, $0x6;
	s22 =	simm.s32 @!p0 $0x4  }
0x5d: {  	s23 =	sshll.u32 s19, $0x8;
	s20 =	sor.u32 $0x20, s21;
	_ =	swait.ge @!p0 [sflag:s22], $0x2000  }
0x5e: {  	s29 =	sand.u32 $0x1E00, s23;
	s26 =	sand.u32 $0x60, s20;
	[sflag:s22] =	ssyncset.done @!p0 $0x0  }
0x5f: {  	s29 =	sor.u32 s26, s29;
	[sflag:s22] =	ssyncadd.s32 @!p0 $0xFFFFE000  }
0x60: {  	v3 =	vld [tilespmem:s29+$0x0];
	_ =	sdelay $0x4  }
0x61: {  	v4 =	vshll.u32 v3, $0x1  }
0x62: {  	v3 =	vand.u32 $0x7, v3;
	v4 =	vand.u32 $0xFFFFFFF0, v4  }
0x63: {  	v3 =	vor.u32 v3, v4  }
0x64: {  	v4 =	vperm.xlane v3, v0;
	_ =	sdelay $0x1  }
0x65: {  	v3 =	vperm.xlane v3, v2;
	v4 =	vadd.s32 v1, v4;
	_ =	sdelay $0x1  }
0x66: {  	v3 =	vadd.s32 v1, v3;
	_ =	sdelay $0x1  }
0x67: {  	s22 =	simm.s32 $0x0  }
0x68: {  	[tilespmem:s28], [sflag:$0x2] =	stream.indirect_vreg.gather [hbm4b:s1+s22], $0x80, v4, vm0, $0xb8;
	[tilespmem:$0x14000] =	vst v63  }
0x69: {  	s30 =	simm.s32 $0x8800  }
0x6a: {  	[tilespmem:s30], [sflag:$0x2] =	stream.indirect_vreg.gather [hbm4b:s1+s22], $0x80, v3, vm0, $0xb8;
	[tilespmem:$0x14000] =	vst v63  }
0x6b: {  	v3 =	vld [tilespmem:s29+$0x10];
	_ =	sdelay $0x4  }
0x6c: {  	v59 =	vshll.u32 v3, $0x1  }
0x6d: {  	v3 =	vand.u32 $0x7, v3;
	v4 =	vand.u32 $0xFFFFFFF0, v59  }
0x6e: {  	v3 =	vor.u32 v3, v4  }
0x6f: {  	v4 =	vperm.xlane v3, v0;
	_ =	sdelay $0x1  }
0x70: {  	v3 =	vperm.xlane v3, v2;
	v4 =	vadd.s32 v1, v4;
	_ =	sdelay $0x1  }
0x71: {  	v3 =	vadd.s32 v1, v3;
	_ =	sdelay $0x1  }
0x72: {  	s30 =	simm.s32 $0x9000  }
0x73: {  	[tilespmem:s30], [sflag:$0x2] =	stream.indirect_vreg.gather [hbm4b:s1+s22], $0x80, v4, vm0, $0xb8;
	[tilespmem:$0x14000] =	vst v63  }
0x74: {  	_ = 	snop  }
0x75: {  	[tilespmem:s31], [sflag:$0x2] =	stream.indirect_vreg.gather [hbm4b:s1+s22], $0x80, v3, vm0, $0xb8;
	[tilespmem:$0x14000] =	vst v63  }
0x76: {  	v3 =	vld [tilespmem:s29+$0x80];
	_ =	sdelay $0x4  }
0x77: {  	v60 =	vshll.u32 v3, $0x1  }
0x78: {  	v3 =	vand.u32 $0x7, v3;
	v4 =	vand.u32 $0xFFFFFFF0, v60  }
0x79: {  	v3 =	vor.u32 v3, v4  }
0x7a: {  	v4 =	vperm.xlane v3, v0;
	_ =	sdelay $0x1  }
0x7b: {  	v3 =	vperm.xlane v3, v2;
	v4 =	vadd.s32 v1, v4;
	_ =	sdelay $0x1  }
0x7c: {  	v3 =	vadd.s32 v1, v3;
	_ =	sdelay $0x2  }
0x7d: {  	[tilespmem:s0], [sflag:$0x2] =	stream.indirect_vreg.gather [hbm4b:s1+s22], $0x80, v4, vm0, $0xb8;
	[tilespmem:$0x14000] =	vst v63  }
0x7e: {  	_ = 	snop  }
0x7f: {  	[tilespmem:s3], [sflag:$0x2] =	stream.indirect_vreg.gather [hbm4b:s1+s22], $0x80, v3, vm0, $0xb8;
	[tilespmem:$0x14000] =	vst v63  }
0x80: {  	v3 =	vld [tilespmem:s29+$0x90];
	_ =	sdelay $0x4  }
0x81: {  	v61 =	vshll.u32 v3, $0x1  }
0x82: {  	v3 =	vand.u32 $0x7, v3;
	v4 =	vand.u32 $0xFFFFFFF0, v61  }
0x83: {  	v3 =	vor.u32 v3, v4  }
0x84: {  	v4 =	vperm.xlane v3, v0;
	_ =	sdelay $0x1  }
0x85: {  	v3 =	vperm.xlane v3, v2;
	v4 =	vadd.s32 v1, v4;
	_ =	sdelay $0x1  }
0x86: {  	v3 =	vadd.s32 v1, v3;
	_ =	sdelay $0x1  }
0x87: {  	s23 =	sor.u32 s26, s23  }
0x88: {  	[tilespmem:s7], [sflag:$0x2] =	stream.indirect_vreg.gather [hbm4b:s1+s22], $0x80, v4, vm0, $0xb8;
	[tilespmem:$0x14000] =	vst v63  }
0x89: {  	s26 =	sor.u32 $0x100, s23  }
0x8a: {  	[tilespmem:s8], [sflag:$0x2] =	stream.indirect_vreg.gather [hbm4b:s1+s22], $0x80, v3, vm0, $0xb8;
	[tilespmem:$0x14000] =	vst v63  }
0x8b: {  	v3 =	vld [tilespmem:s26+$0x0];
	_ =	sdelay $0x4  }
0x8c: {  	v62 =	vshll.u32 v3, $0x1  }
0x8d: {  	v3 =	vand.u32 $0x7, v3;
	v4 =	vand.u32 $0xFFFFFFF0, v62  }
0x8e: {  	v3 =	vor.u32 v3, v4  }
0x8f: {  	v4 =	vperm.xlane v3, v0;
	_ =	sdelay $0x1  }
0x90: {  	v3 =	vperm.xlane v3, v2;
	v4 =	vadd.s32 v1, v4;
	_ =	sdelay $0x1  }
0x91: {  	v3 =	vadd.s32 v1, v3;
	_ =	sdelay $0x2  }
0x92: {  	[tilespmem:s10], [sflag:$0x2] =	stream.indirect_vreg.gather [hbm4b:s1+s22], $0x80, v4, vm0, $0xb8;
	[tilespmem:$0x14000] =	vst v63  }
0x93: {  	s23 =	sor.u32 $0x110, s23  }
0x94: {  	[tilespmem:s11], [sflag:$0x2] =	stream.indirect_vreg.gather [hbm4b:s1+s22], $0x80, v3, vm0, $0xb8;
	[tilespmem:$0x14000] =	vst v63  }
0x95: {  	v3 =	vld [tilespmem:s23+$0x0];
	_ =	sdelay $0x4  }
0x96: {  	v63 =	vshll.u32 v3, $0x1  }
0x97: {  	v3 =	vand.u32 $0x7, v3;
	v4 =	vand.u32 $0xFFFFFFF0, v63  }
0x98: {  	v3 =	vor.u32 v3, v4  }
0x99: {  	v4 =	vperm.xlane v3, v0;
	_ =	sdelay $0x1  }
0x9a: {  	v3 =	vperm.xlane v3, v2;
	v4 =	vadd.s32 v1, v4;
	_ =	sdelay $0x1  }
0x9b: {  	v3 =	vadd.s32 v1, v3;
	_ =	sdelay $0x1  }
0x9c: {  	s20 =	sor.u32 s6, s20  }
0x9d: {  	[tilespmem:s13], [sflag:$0x2] =	stream.indirect_vreg.gather [hbm4b:s1+s22], $0x80, v4, vm0, $0xb8;
	[tilespmem:$0x14000] =	vst v63  }
0x9e: {  	s30 =	sshll.u32 s20, $0x4  }
0x9f: {  	[tilespmem:s14], [sflag:$0x2] =	stream.indirect_vreg.gather [hbm4b:s1+s22], $0x80, v3, vm0, $0xb8;
	[tilespmem:$0x14000] =	vst v63  }
0xa0: {  	s23 =	sadd.s32 s4, s30  }
0xa1: {  	[tilespmem:s15], [sflag:$0x2] =	stream.strided.gather [hbm4b:s23+s24], $0x3000, s25, s24, $0x38;
	[tilespmem:$0x14000] =	vst v63  }
0xa2: {  	_ =	swait.ge [sflag:s16], $0x2000  }
0xa3: {  	[sflag:s16] =	ssyncset.done $0x0  }
0xa4: {  	[sflag:s16] =	ssyncadd.s32 $0xFFFFE000  }
0xa5: {  	_ =	swait.ge [sflag:s16], $0x2000  }
0xa6: {  	[sflag:s16] =	ssyncset.done $0x0  }
0xa7: {  	[sflag:s16] =	ssyncadd.s32 $0xFFFFE000  }
0xa8: {  	_ =	swait.ge [sflag:s16], $0x2000  }
0xa9: {  	[sflag:s16] =	ssyncset.done $0x0  }
0xaa: {  	[sflag:s16] =	ssyncadd.s32 $0xFFFFE000  }
0xab: {  	_ =	swait.ge [sflag:s16], $0x3000  }
0xac: {  	[sflag:s16] =	ssyncset.done $0x0  }
0xad: {  	s26 =	simm.s32 $0x0;
	s23 =	simm.s32 $0x10000;
	[sflag:s16] =	ssyncadd.s32 $0xFFFFD000  }
.LBB2_3:
0xae: {  	v5 =	vld [tilespmem:s23+$0xFFFFE000]  }
0xaf: {  	v4 =	vld [tilespmem:s23+$0xFFFFF000];
	s29 =	sand.u32 $0x1800, s22;
	s30 =	sand.u32 $0x380, s26  }
0xb0: {  	v3 =	vld [tilespmem:s23+$0x0];
	s29 =	sor.u32 s30, s29  }
0xb1: {  	v6 =	vld [tilespmem:s29+$0x2000]  }
0xb2: {  	v7 =	vld [tilespmem:s29+$0x4000]  }
0xb3: {  	v8 =	vld [tilespmem:s29+$0x6000]  }
0xb4: {  	v9 =	vld [tilespmem:s29+$0x2010]  }
0xb5: {  	v10 =	vld [tilespmem:s29+$0x4010]  }
0xb6: {  	v11 =	vld [tilespmem:s29+$0x6010]  }
0xb7: {  	v12 =	vld [tilespmem:s29+$0x2020]  }
0xb8: {  	v13 =	vld [tilespmem:s29+$0x4020]  }
0xb9: {  	v14 =	vld [tilespmem:s29+$0x6020]  }
0xba: {  	v15 =	vld [tilespmem:s29+$0x2030]  }
0xbb: {  	v16 =	vld [tilespmem:s29+$0x4030]  }
0xbc: {  	v17 =	vld [tilespmem:s29+$0x6030]  }
0xbd: {  	v18 =	vld [tilespmem:s29+$0x2040]  }
0xbe: {  	v19 =	vld [tilespmem:s29+$0x4040]  }
0xbf: {  	v20 =	vld [tilespmem:s29+$0x6040]  }
0xc0: {  	v21 =	vld [tilespmem:s29+$0x2050]  }
0xc1: {  	v22 =	vld [tilespmem:s29+$0x4050]  }
0xc2: {  	v23 =	vld [tilespmem:s29+$0x6050]  }
0xc3: {  	v24 =	vld [tilespmem:s29+$0x2060]  }
0xc4: {  	v25 =	vld [tilespmem:s29+$0x4060]  }
0xc5: {  	v26 =	vld [tilespmem:s29+$0x6060]  }
0xc6: {  	v27 =	vld [tilespmem:s29+$0x2070]  }
0xc7: {  	v28 =	vld [tilespmem:s29+$0x4070]  }
0xc8: {  	v29 =	vld [tilespmem:s29+$0x6070];
	v6 =	vmul.f32 v6, v5;
	v7 =	vmul.f32 v7, v4  }
0xc9: {  	v30 =	vld [tilespmem:s29+$0x2400];
	v8 =	vmul.f32 v8, v3;
	v9 =	vmul.f32 v9, v5  }
0xca: {  	v31 =	vld [tilespmem:s29+$0x4400];
	v10 =	vmul.f32 v10, v4;
	v11 =	vmul.f32 v11, v3  }
0xcb: {  	v32 =	vld [tilespmem:s29+$0x6400];
	v61 =	vmul.f32 v12, v5;
	v62 =	vmul.f32 v13, v4  }
0xcc: {  	v33 =	vld [tilespmem:s29+$0x2410];
	v63 =	vmul.f32 v15, v5;
	v35 =	vmul.f32 v16, v4  }
0xcd: {  	v34 =	vld [tilespmem:s29+$0x4410];
	v36 =	vmul.f32 v14, v3;
	v37 =	vmul.f32 v17, v3  }
0xce: {  	v40 =	vld [tilespmem:s29+$0x2430];
	v38 =	vmul.f32 v18, v5;
	v39 =	vmul.f32 v19, v4  }
0xcf: {  	v43 =	vld [tilespmem:s29+$0x4430];
	v41 =	vmul.f32 v21, v5;
	v42 =	vmul.f32 v22, v4  }
0xd0: {  	v46 =	vld [tilespmem:s29+$0x6430];
	v44 =	vmul.f32 v20, v3;
	v45 =	vmul.f32 v23, v3  }
0xd1: {  	v49 =	vld [tilespmem:s29+$0x2440];
	v47 =	vmul.f32 v24, v5;
	v48 =	vmul.f32 v25, v4  }
0xd2: {  	v52 =	vld [tilespmem:s29+$0x4440];
	v50 =	vmul.f32 v26, v3;
	v51 =	vmul.f32 v27, v5  }
0xd3: {  	v57 =	vld [tilespmem:s29+$0x2450];
	v53 =	vmul.f32 v28, v4;
	v54 =	vmul.f32 v29, v3  }
0xd4: {  	v60 =	vld [tilespmem:s29+$0x4450];
	v55 =	vmul.f32 v30, v5;
	v56 =	vmul.f32 v31, v4;
	v6 =	vadd.f32 v7, v6  }
0xd5: {  	v13 =	vld [tilespmem:s29+$0x6410];
	v58 =	vmul.f32 v33, v5;
	v9 =	vadd.f32 v10, v9;
	v7 =	vadd.f32 v62, v61  }
0xd6: {  	v16 =	vld [tilespmem:s29+$0x2420];
	v59 =	vmul.f32 v34, v4;
	v10 =	vadd.f32 v35, v63;
	v18 =	vadd.f32 v48, v47  }
0xd7: {  	v12 =	vld [tilespmem:s29+$0x4420];
	v20 =	vadd.f32 v53, v51;
	v62 =	vadd.f32 v56, v55;
	v63 =	vmul.f32 v32, v3  }
0xd8: {  	v14 =	vld [tilespmem:s29+$0x6420];
	v33 =	vadd.f32 v59, v58;
	v47 =	vmul.f32 v49, v5;
	v6 =	vadd.f32 v8, v6  }
0xd9: {  	v27 =	vld [tilespmem:s29+$0x6440];
	v48 =	vmul.f32 v52, v4;
	v9 =	vadd.f32 v11, v9;
	v7 =	vadd.f32 v36, v7  }
0xda: {  	v34 =	vld [tilespmem:s29+$0x2460];
	v51 =	vmul.f32 v57, v5;
	v10 =	vadd.f32 v37, v10;
	v8 =	vadd.f32 v39, v38;
	[tilespmem:s29+$0x2000] =	vst v6  }
0xdb: {  	v28 =	vld [tilespmem:s29+$0x6450];
	v55 =	vmul.f32 v60, v4;
	v11 =	vadd.f32 v42, v41;
	v61 =	vadd.f32 v50, v18;
	[tilespmem:s29+$0x2010] =	vst v9  }
0xdc: {  	v32 =	vadd.f32 v54, v20;
	v35 =	vadd.f32 v63, v62;
	v37 =	vld [tilespmem:s29+$0x2470];
	v39 =	vmul.f32 v40, v5;
	[tilespmem:s29+$0x2020] =	vst v7  }
0xdd: {  	v40 =	vmul.f32 v43, v4;
	v41 =	vld [tilespmem:s29+$0x4460];
	v56 =	vadd.f32 v48, v47;
	v13 =	vmul.f32 v13, v3;
	[tilespmem:s29+$0x2030] =	vst v10  }
0xde: {  	v36 =	vmul.f32 v16, v5;
	v12 =	vmul.f32 v12, v4;
	v11 =	vadd.f32 v45, v11;
	v45 =	vld [tilespmem:s29+$0x4470];
	[tilespmem:s29+$0x2060] =	vst v61  }
0xdf: {  	v49 =	vld [tilespmem:s29+$0x6460];
	v43 =	vmul.f32 v14, v3;
	v52 =	vmul.f32 v34, v5;
	v8 =	vadd.f32 v44, v8;
	[tilespmem:s29+$0x2070] =	vst v32  }
0xe0: {  	v53 =	vld [tilespmem:s29+$0x6470];
	v57 =	vmul.f32 v27, v3;
	v44 =	vmul.f32 v46, v3;
	v46 =	vadd.f32 v40, v39;
	[tilespmem:s29+$0x2400] =	vst v35  }
0xe1: {  	v59 =	vmul.f32 v28, v3;
	v38 =	vadd.f32 v13, v33;
	v42 =	vadd.f32 v12, v36;
	[tilespmem:s29+$0x2040] =	vst v8  }
0xe2: {  	v60 =	vadd.f32 v57, v56;
	[tilespmem:s29+$0x2050] =	vst v11;
	v54 =	vadd.f32 v44, v46;
	v58 =	vmul.f32 v41, v4  }
0xe3: {  	v8 =	vadd.f32 v55, v51;
	v5 =	vmul.f32 v37, v5;
	[tilespmem:s29+$0x2410] =	vst v38;
	v4 =	vmul.f32 v45, v4  }
0xe4: {  	p0 =	sne.s32 s26, $0xF80;
	v62 =	vmul.f32 v49, v3;
	v50 =	vadd.f32 v43, v42;
	[tilespmem:s29+$0x2440] =	vst v60;
	v61 =	vadd.f32 v58, v52  }
.Ltmp0:
0xe5: {  	v3 =	vmul.f32 v53, v3;
	[tilespmem:s29+$0x2430] =	vst v54;
	v8 =	vadd.f32 v59, v8;
	v4 =	vadd.f32 v4, v5;
	(pc) =	sbr.rel @p0 .LBB2_3-.Ltmp0, $4  }
0xe6: {  	[tilespmem:s29+$0x2420] =	vst v50;
	v63 =	vadd.f32 v62, v61  }
0xe7: {  	[tilespmem:s29+$0x2450] =	vst v8;
	v3 =	vadd.f32 v3, v4  }
0xe8: {  	[tilespmem:s29+$0x2460] =	vst v63  }
0xe9: {  	s22 =	sadd.s32 $0x100, s22;
	s23 =	sadd.s32 $0x80, s23;
	s26 =	sadd.s32 $0x80, s26;
	[tilespmem:s29+$0x2470] =	vst v3  }
0xea: {  	p0 =	seq.s32 s19, $0x1F  }
.Ltmp1:
0xeb: {  	_ = 	snop;
	(pc) =	sbr.rel @p0 .LBB2_6-.Ltmp1, $4  }
0xec: {  	_ = 	snop  }
0xed: {  	s22 =	sshll.u32 s19, $0xB  }
0xee: {  	s22 =	sadd.s32 s22, s9  }
0xef: {  	[hbm4b:s22+s2] =	stream.linear.scatter [tilespmem:s12], [sflag:$0x3], $0x2000, $0x38;
	[tilespmem:$0x14000] =	vst v63  }
0xf0: {  	s21 =	sadd.s32 $0x40, s21  }
0xf1: {  	_ =	swait.ge [sflag:s18], $0x2000;
	s22 =	sshll.u32 s21, $0x2  }
0xf2: {  	[sflag:s18] =	ssyncset.done $0x0;
	s23 =	sand.u32 $0x40, s21;
	s26 =	sand.u32 $0x3E00, s22  }
0xf3: {  	[sflag:s18] =	ssyncadd.s32 $0xFFFFE000;
	s26 =	sor.u32 s23, s26  }
0xf4: {  	v3 =	vld [tilespmem:s26+$0x0];
	_ =	sdelay $0x4  }
0xf5: {  	v4 =	vshll.u32 v3, $0x1  }
0xf6: {  	v3 =	vand.u32 $0x7, v3;
	v4 =	vand.u32 $0xFFFFFFF0, v4  }
0xf7: {  	v3 =	vor.u32 v3, v4  }
0xf8: {  	v4 =	vperm.xlane v3, v0;
	_ =	sdelay $0x1  }
0xf9: {  	v3 =	vperm.xlane v3, v2;
	v4 =	vadd.s32 v1, v4;
	_ =	sdelay $0x1  }
0xfa: {  	v3 =	vadd.s32 v1, v3;
	_ =	sdelay $0x2  }
0xfb: {  	[tilespmem:s12], [sflag:$0x1] =	stream.indirect_vreg.gather [hbm4b:s1+s2], $0x80, v4, vm0, $0xb8;
	[tilespmem:$0x14000] =	vst v63  }
0xfc: {  	s29 =	simm.s32 $0x2800  }
0xfd: {  	[tilespmem:s29], [sflag:$0x1] =	stream.indirect_vreg.gather [hbm4b:s1+s2], $0x80, v3, vm0, $0xb8;
	[tilespmem:$0x14000] =	vst v63  }
0xfe: {  	v3 =	vld [tilespmem:s26+$0x10];
	_ =	sdelay $0x4  }
0xff: {  	v59 =	vshll.u32 v3, $0x1  }
0x100: {  	v3 =	vand.u32 $0x7, v3;
	v4 =	vand.u32 $0xFFFFFFF0, v59  }
0x101: {  	v3 =	vor.u32 v3, v4  }
0x102: {  	v4 =	vperm.xlane v3, v0;
	_ =	sdelay $0x1  }
0x103: {  	v3 =	vperm.xlane v3, v2;
	v4 =	vadd.s32 v1, v4;
	_ =	sdelay $0x1  }
0x104: {  	v3 =	vadd.s32 v1, v3;
	_ =	sdelay $0x1  }
0x105: {  	s30 =	simm.s32 $0x3000  }
0x106: {  	[tilespmem:s30], [sflag:$0x1] =	stream.indirect_vreg.gather [hbm4b:s1+s2], $0x80, v4, vm0, $0xb8;
	[tilespmem:$0x14000] =	vst v63  }
0x107: {  	s30 =	simm.s32 $0x3800  }
0x108: {  	[tilespmem:s30], [sflag:$0x1] =	stream.indirect_vreg.gather [hbm4b:s1+s2], $0x80, v3, vm0, $0xb8;
	[tilespmem:$0x14000] =	vst v63  }
0x109: {  	v3 =	vld [tilespmem:s26+$0x80];
	_ =	sdelay $0x4  }
0x10a: {  	v60 =	vshll.u32 v3, $0x1  }
0x10b: {  	v3 =	vand.u32 $0x7, v3;
	v4 =	vand.u32 $0xFFFFFFF0, v60  }
0x10c: {  	v3 =	vor.u32 v3, v4  }
0x10d: {  	v4 =	vperm.xlane v3, v0;
	_ =	sdelay $0x1  }
0x10e: {  	v3 =	vperm.xlane v3, v2;
	v4 =	vadd.s32 v1, v4;
	_ =	sdelay $0x1  }
0x10f: {  	v3 =	vadd.s32 v1, v3;
	_ =	sdelay $0x1  }
0x110: {  	s30 =	simm.s32 $0x4000  }
0x111: {  	[tilespmem:s30], [sflag:$0x1] =	stream.indirect_vreg.gather [hbm4b:s1+s2], $0x80, v4, vm0, $0xb8;
	[tilespmem:$0x14000] =	vst v63  }
0x112: {  	s30 =	simm.s32 $0x4800  }
0x113: {  	[tilespmem:s30], [sflag:$0x1] =	stream.indirect_vreg.gather [hbm4b:s1+s2], $0x80, v3, vm0, $0xb8;
	[tilespmem:$0x14000] =	vst v63  }
0x114: {  	v3 =	vld [tilespmem:s26+$0x90];
	_ =	sdelay $0x4  }
0x115: {  	v61 =	vshll.u32 v3, $0x1  }
0x116: {  	v3 =	vand.u32 $0x7, v3;
	v4 =	vand.u32 $0xFFFFFFF0, v61  }
0x117: {  	v3 =	vor.u32 v3, v4  }
0x118: {  	v4 =	vperm.xlane v3, v0;
	_ =	sdelay $0x1  }
0x119: {  	v3 =	vperm.xlane v3, v2;
	v4 =	vadd.s32 v1, v4;
	_ =	sdelay $0x1  }
0x11a: {  	v3 =	vadd.s32 v1, v3;
	_ =	sdelay $0x1  }
0x11b: {  	s22 =	sor.u32 s22, s23;
	s29 =	simm.s32 $0x5000  }
0x11c: {  	[tilespmem:s29], [sflag:$0x1] =	stream.indirect_vreg.gather [hbm4b:s1+s2], $0x80, v4, vm0, $0xb8;
	[tilespmem:$0x14000] =	vst v63  }
0x11d: {  	s22 =	sor.u32 $0x100, s22;
	s30 =	simm.s32 $0x5800  }
0x11e: {  	[tilespmem:s30], [sflag:$0x1] =	stream.indirect_vreg.gather [hbm4b:s1+s2], $0x80, v3, vm0, $0xb8;
	[tilespmem:$0x14000] =	vst v63  }
0x11f: {  	v3 =	vld [tilespmem:s22+$0x0];
	_ =	sdelay $0x4  }
0x120: {  	v62 =	vshll.u32 v3, $0x1  }
0x121: {  	v3 =	vand.u32 $0x7, v3;
	v4 =	vand.u32 $0xFFFFFFF0, v62  }
0x122: {  	v3 =	vor.u32 v3, v4  }
0x123: {  	v4 =	vperm.xlane v3, v0;
	_ =	sdelay $0x1  }
0x124: {  	v3 =	vperm.xlane v3, v2;
	v4 =	vadd.s32 v1, v4;
	_ =	sdelay $0x1  }
0x125: {  	v3 =	vadd.s32 v1, v3;
	_ =	sdelay $0x1  }
0x126: {  	s29 =	simm.s32 $0x6000  }
0x127: {  	[tilespmem:s29], [sflag:$0x1] =	stream.indirect_vreg.gather [hbm4b:s1+s2], $0x80, v4, vm0, $0xb8;
	[tilespmem:$0x14000] =	vst v63  }
0x128: {  	s30 =	simm.s32 $0x6800  }
0x129: {  	[tilespmem:s30], [sflag:$0x1] =	stream.indirect_vreg.gather [hbm4b:s1+s2], $0x80, v3, vm0, $0xb8;
	[tilespmem:$0x14000] =	vst v63  }
0x12a: {  	v3 =	vld [tilespmem:s22+$0x10];
	_ =	sdelay $0x4  }
0x12b: {  	v63 =	vshll.u32 v3, $0x1  }
0x12c: {  	v3 =	vand.u32 $0x7, v3;
	v4 =	vand.u32 $0xFFFFFFF0, v63  }
0x12d: {  	v3 =	vor.u32 v3, v4  }
0x12e: {  	v4 =	vperm.xlane v3, v0;
	_ =	sdelay $0x1  }
0x12f: {  	v3 =	vperm.xlane v3, v2;
	v4 =	vadd.s32 v1, v4;
	_ =	sdelay $0x1  }
0x130: {  	v3 =	vadd.s32 v1, v3;
	_ =	sdelay $0x1  }
0x131: {  	s21 =	sadd.s32 s6, s21;
	s26 =	simm.s32 $0x7000  }
0x132: {  	[tilespmem:s26], [sflag:$0x1] =	stream.indirect_vreg.gather [hbm4b:s1+s2], $0x80, v4, vm0, $0xb8;
	[tilespmem:$0x14000] =	vst v63  }
0x133: {  	s21 =	sshll.u32 s21, $0x4;
	s29 =	simm.s32 $0x7800  }
0x134: {  	[tilespmem:s29], [sflag:$0x1] =	stream.indirect_vreg.gather [hbm4b:s1+s2], $0x80, v3, vm0, $0xb8;
	[tilespmem:$0x14000] =	vst v63  }
0x135: {  	s21 =	sadd.s32 s4, s21;
	s30 =	simm.s32 $0xE000  }
0x136: {  	[tilespmem:s30], [sflag:$0x1] =	stream.strided.gather [hbm4b:s21+s24], $0x3000, s25, s24, $0x38;
	[tilespmem:$0x14000] =	vst v63  }
.LBB2_6:
0x137: {  	_ =	swait.ge [sflag:s17], $0x2000  }
0x138: {  	[sflag:s17] =	ssyncset.done $0x0  }
0x139: {  	[sflag:s17] =	ssyncadd.s32 $0xFFFFE000  }
0x13a: {  	_ =	swait.ge [sflag:s17], $0x2000  }
0x13b: {  	[sflag:s17] =	ssyncset.done $0x0  }
0x13c: {  	[sflag:s17] =	ssyncadd.s32 $0xFFFFE000  }
0x13d: {  	_ =	swait.ge [sflag:s17], $0x2000  }
0x13e: {  	[sflag:s17] =	ssyncset.done $0x0  }
0x13f: {  	[sflag:s17] =	ssyncadd.s32 $0xFFFFE000  }
0x140: {  	_ =	swait.ge [sflag:s17], $0x3000  }
0x141: {  	s21 =	simm.s32 $0x0;
	[sflag:s17] =	ssyncset.done $0x0  }
0x142: {  	s22 =	simm.s32 $0x13000;
	s23 =	simm.s32 $0x0;
	[sflag:s17] =	ssyncadd.s32 $0xFFFFD000  }
.LBB2_7:
0x143: {  	v5 =	vld [tilespmem:s22+$0xFFFFE000]  }
0x144: {  	v4 =	vld [tilespmem:s22+$0xFFFFF000];
	s26 =	sand.u32 $0x1800, s21;
	s29 =	sand.u32 $0x380, s23  }
0x145: {  	v3 =	vld [tilespmem:s22+$0x0];
	s26 =	sor.u32 s29, s26  }
0x146: {  	v6 =	vld [tilespmem:s26+$0x8000]  }
0x147: {  	v7 =	vld [tilespmem:s26+$0xA000]  }
0x148: {  	v8 =	vld [tilespmem:s26+$0xC000]  }
0x149: {  	v9 =	vld [tilespmem:s26+$0x8010]  }
0x14a: {  	v10 =	vld [tilespmem:s26+$0xA010]  }
0x14b: {  	v11 =	vld [tilespmem:s26+$0xC010]  }
0x14c: {  	v12 =	vld [tilespmem:s26+$0x8020]  }
0x14d: {  	v13 =	vld [tilespmem:s26+$0xA020]  }
0x14e: {  	v14 =	vld [tilespmem:s26+$0xC020]  }
0x14f: {  	v15 =	vld [tilespmem:s26+$0x8030]  }
0x150: {  	v16 =	vld [tilespmem:s26+$0xA030]  }
0x151: {  	v17 =	vld [tilespmem:s26+$0xC030]  }
0x152: {  	v18 =	vld [tilespmem:s26+$0x8040]  }
0x153: {  	v19 =	vld [tilespmem:s26+$0xA040]  }
0x154: {  	v20 =	vld [tilespmem:s26+$0xC040]  }
0x155: {  	v21 =	vld [tilespmem:s26+$0x8050]  }
0x156: {  	v22 =	vld [tilespmem:s26+$0xA050]  }
0x157: {  	v23 =	vld [tilespmem:s26+$0xC050]  }
0x158: {  	v24 =	vld [tilespmem:s26+$0x8060]  }
0x159: {  	v25 =	vld [tilespmem:s26+$0xA060]  }
0x15a: {  	v26 =	vld [tilespmem:s26+$0xC060]  }
0x15b: {  	v27 =	vld [tilespmem:s26+$0x8070]  }
0x15c: {  	v28 =	vld [tilespmem:s26+$0xA070]  }
0x15d: {  	v29 =	vld [tilespmem:s26+$0xC070];
	v6 =	vmul.f32 v6, v5;
	v7 =	vmul.f32 v7, v4  }
0x15e: {  	v30 =	vld [tilespmem:s26+$0x8400];
	v8 =	vmul.f32 v8, v3;
	v9 =	vmul.f32 v9, v5  }
0x15f: {  	v31 =	vld [tilespmem:s26+$0xA400];
	v10 =	vmul.f32 v10, v4;
	v11 =	vmul.f32 v11, v3  }
0x160: {  	v32 =	vld [tilespmem:s26+$0xC400];
	v61 =	vmul.f32 v12, v5;
	v62 =	vmul.f32 v13, v4  }
0x161: {  	v33 =	vld [tilespmem:s26+$0x8410];
	v63 =	vmul.f32 v15, v5;
	v35 =	vmul.f32 v16, v4  }
0x162: {  	v34 =	vld [tilespmem:s26+$0xA410];
	v36 =	vmul.f32 v14, v3;
	v37 =	vmul.f32 v17, v3  }
0x163: {  	v40 =	vld [tilespmem:s26+$0x8430];
	v38 =	vmul.f32 v18, v5;
	v39 =	vmul.f32 v19, v4  }
0x164: {  	v43 =	vld [tilespmem:s26+$0xA430];
	v41 =	vmul.f32 v21, v5;
	v42 =	vmul.f32 v22, v4  }
0x165: {  	v46 =	vld [tilespmem:s26+$0xC430];
	v44 =	vmul.f32 v20, v3;
	v45 =	vmul.f32 v23, v3  }
0x166: {  	v49 =	vld [tilespmem:s26+$0x8440];
	v47 =	vmul.f32 v24, v5;
	v48 =	vmul.f32 v25, v4  }
0x167: {  	v52 =	vld [tilespmem:s26+$0xA440];
	v50 =	vmul.f32 v26, v3;
	v51 =	vmul.f32 v27, v5  }
0x168: {  	v57 =	vld [tilespmem:s26+$0x8450];
	v53 =	vmul.f32 v28, v4;
	v54 =	vmul.f32 v29, v3  }
0x169: {  	v60 =	vld [tilespmem:s26+$0xA450];
	v55 =	vmul.f32 v30, v5;
	v56 =	vmul.f32 v31, v4;
	v6 =	vadd.f32 v7, v6  }
0x16a: {  	v13 =	vld [tilespmem:s26+$0xC410];
	v58 =	vmul.f32 v33, v5;
	v9 =	vadd.f32 v10, v9;
	v7 =	vadd.f32 v62, v61  }
0x16b: {  	v16 =	vld [tilespmem:s26+$0x8420];
	v59 =	vmul.f32 v34, v4;
	v10 =	vadd.f32 v35, v63;
	v18 =	vadd.f32 v48, v47  }
0x16c: {  	v12 =	vld [tilespmem:s26+$0xA420];
	v20 =	vadd.f32 v53, v51;
	v62 =	vadd.f32 v56, v55;
	v63 =	vmul.f32 v32, v3  }
0x16d: {  	v14 =	vld [tilespmem:s26+$0xC420];
	v33 =	vadd.f32 v59, v58;
	v47 =	vmul.f32 v49, v5;
	v6 =	vadd.f32 v8, v6  }
0x16e: {  	v27 =	vld [tilespmem:s26+$0xC440];
	v48 =	vmul.f32 v52, v4;
	v9 =	vadd.f32 v11, v9;
	v7 =	vadd.f32 v36, v7  }
0x16f: {  	v34 =	vld [tilespmem:s26+$0x8460];
	v51 =	vmul.f32 v57, v5;
	v10 =	vadd.f32 v37, v10;
	v8 =	vadd.f32 v39, v38;
	[tilespmem:s26+$0x8000] =	vst v6  }
0x170: {  	v28 =	vld [tilespmem:s26+$0xC450];
	v55 =	vmul.f32 v60, v4;
	v11 =	vadd.f32 v42, v41;
	v61 =	vadd.f32 v50, v18;
	[tilespmem:s26+$0x8010] =	vst v9  }
0x171: {  	v32 =	vadd.f32 v54, v20;
	v35 =	vadd.f32 v63, v62;
	v37 =	vld [tilespmem:s26+$0x8470];
	v39 =	vmul.f32 v40, v5;
	[tilespmem:s26+$0x8020] =	vst v7  }
0x172: {  	v40 =	vmul.f32 v43, v4;
	v41 =	vld [tilespmem:s26+$0xA460];
	v56 =	vadd.f32 v48, v47;
	v13 =	vmul.f32 v13, v3;
	[tilespmem:s26+$0x8030] =	vst v10  }
0x173: {  	v36 =	vmul.f32 v16, v5;
	v12 =	vmul.f32 v12, v4;
	v11 =	vadd.f32 v45, v11;
	v45 =	vld [tilespmem:s26+$0xA470];
	[tilespmem:s26+$0x8060] =	vst v61  }
0x174: {  	v49 =	vld [tilespmem:s26+$0xC460];
	v43 =	vmul.f32 v14, v3;
	v52 =	vmul.f32 v34, v5;
	v8 =	vadd.f32 v44, v8;
	[tilespmem:s26+$0x8070] =	vst v32  }
0x175: {  	v53 =	vld [tilespmem:s26+$0xC470];
	v57 =	vmul.f32 v27, v3;
	v44 =	vmul.f32 v46, v3;
	v46 =	vadd.f32 v40, v39;
	[tilespmem:s26+$0x8400] =	vst v35  }
0x176: {  	v59 =	vmul.f32 v28, v3;
	v38 =	vadd.f32 v13, v33;
	v42 =	vadd.f32 v12, v36;
	[tilespmem:s26+$0x8040] =	vst v8  }
0x177: {  	v60 =	vadd.f32 v57, v56;
	[tilespmem:s26+$0x8050] =	vst v11;
	v54 =	vadd.f32 v44, v46;
	v58 =	vmul.f32 v41, v4  }
0x178: {  	v8 =	vadd.f32 v55, v51;
	v5 =	vmul.f32 v37, v5;
	[tilespmem:s26+$0x8410] =	vst v38;
	v4 =	vmul.f32 v45, v4  }
0x179: {  	p0 =	sne.s32 s23, $0xF80;
	v62 =	vmul.f32 v49, v3;
	v50 =	vadd.f32 v43, v42;
	[tilespmem:s26+$0x8440] =	vst v60;
	v61 =	vadd.f32 v58, v52  }
.Ltmp2:
0x17a: {  	v3 =	vmul.f32 v53, v3;
	[tilespmem:s26+$0x8430] =	vst v54;
	v8 =	vadd.f32 v59, v8;
	v4 =	vadd.f32 v4, v5;
	(pc) =	sbr.rel @p0 .LBB2_7-.Ltmp2, $4  }
0x17b: {  	[tilespmem:s26+$0x8420] =	vst v50;
	v63 =	vadd.f32 v62, v61  }
0x17c: {  	[tilespmem:s26+$0x8450] =	vst v8;
	v3 =	vadd.f32 v3, v4  }
0x17d: {  	[tilespmem:s26+$0x8460] =	vst v63  }
0x17e: {  	s21 =	sadd.s32 $0x100, s21;
	s22 =	sadd.s32 $0x80, s22;
	s23 =	sadd.s32 $0x80, s23;
	[tilespmem:s26+$0x8470] =	vst v3  }
0x17f: {  	s19 =	sadd.s32 $0x1, s19  }
0x180: {  	p0 =	sne.s32 s19, $0x20  }
.Ltmp3:
0x181: {  	_ = 	snop;
	(pc) =	sbr.rel @p0 .LBB2_2-.Ltmp3, $4  }
0x182: {  	_ = 	snop  }
0x183: {  	s20 =	sshll.u32 s20, $0x5  }
0x184: {  	s20 =	sadd.s32 s5, s20  }
0x185: {  	[hbm4b:s20+s2] =	stream.linear.scatter [tilespmem:s28], [sflag:$0x4], $0x2000, $0x38;
	[tilespmem:$0x14000] =	vst v63  }
0x186: {  	_ =	swait.ge [sflag:s18], $0x2000  }
0x187: {  	[sflag:s18] =	ssyncset.done $0x0  }
0x188: {  	s20 =	simm.s32 $0x4;
	[sflag:s18] =	ssyncadd.s32 $0xFFFFE000  }
0x189: {  	_ =	swait.ge [sflag:s20], $0x2000  }
0x18a: {  	s21 =	rddreg [dreg:$0x7]  }
0x18b: {  	s19 =	rddreg [dreg:$0x6];
	s21 =	sadd.s32 $0x1, s21  }
0x18c: {  	p0 =	sne.s32 s21, s19  }
.Ltmp4:
0x18d: {  	_ = 	snop;
	(pc) =	sbr.rel @p0 .LBB2_1-.Ltmp4, $3  }
0x18e: {  	_ =	sdelay $0x1  }
0x18f: {  	[sflag:s20] =	ssyncset.done $0x0  }
0x190: {  	[sflag:s20] =	ssyncadd.s32 $0xFFFFE000  }
0x191: {  	_ =	sfence.sel $0x180000  }
0x192: {  	[bflag:$0x0] =	sbarrier.arrive $0xFFFF  }
0x193: {  	_ =	strace $0x90000047  }
0x194: {  	s0 =	stileid.u32;
	[bflag:$0x2] =	sbarrier.arrive $0xFFFF  }
0x195: {  	p0 =	sne.s32 s0, $0x0;
	s0 =	rddreg [dreg:$0x3]  }
0x196: {  	s0 =	sadd.s32 @!p0 $0x100000, s0  }
0x197: {  	[sflag:s0] =	ssyncadd.tile.s32 @!p0 $0x1;
	_ =	shalt  }
.Lfunc_end2:
_tile_overlayer_lowered:
.L_overlay_start_2:
0x198: {  	(tag) =	ssettag $0x2  }
0x199: {  	s0 =	rddreg [dreg:$0x0];
	s2 =	stileid.u32  }
0x19a: {  	s1 =	rddreg [dreg:$0x1];
	p0 =	sne.s32 s2, $0x0  }
0x19b: {  	s3 =	rddreg [dreg:$0x2];
	[bflag:$0x3] =	sbarrier.arrive $0xFFFF;
	s2 =	simm.s32 @!p0 $0x1C05  }
0x19c: {  	[timem:s3], [sflag:s2] =	dma.local @!p0 [hbm:s0], s1  }
0x19d: {  	s0 =	simm.s32 @!p0 $0x5  }
0x19e: {  	_ =	swait.ge @!p0 [sflag:s0], s1  }
0x19f: {  	s1 =	ssub.s32 @!p0 $0x0, s1;
	[sflag:s0] =	ssyncset.done @!p0 $0x0  }
0x1a0: {  	[sflag:s0] =	ssyncadd.s32 @!p0 s1  }
0x1a1: {  	[bflag:$0x3] =	sbarrier.arrive $0xFFFF  }
0x1a2: {  	_ =	shalt  }

</sc_bundles>
